<compile_context>
chip_gen: v7x
topology: tpu7x:2x2x1
jax: 0.10.2.dev20260603
libtpu: 0.0.44.dev20260713+nightly
codegen_flags: <defaults>
</compile_context>

<pallas_src>
import functools

import jax
import jax.numpy as jnp
from jax import lax
from jax.experimental import pallas as pl
from jax.experimental.pallas import tpu as pltpu
from jax.experimental.pallas import tpu_sc as plsc

I = 1024
S = 1024
O = 1024
C = 4
RG = (3 * S) // C

WOUT_COLS = 3073
NW = 32
RPW = O // NW
CH = 16
NCH = RPW // CH
CHW = CH * WOUT_COLS

_sc_mesh = plsc.VectorSubcoreMesh(core_axis_name="c", subcore_axis_name="s")


@functools.partial(
    pl.kernel,
    out_type=jax.ShapeDtypeStruct((O,), jnp.float32),
    mesh=_sc_mesh,
    compiler_params=pltpu.CompilerParams(needs_layout_passes=False),
    scratch_types=[
        pltpu.VMEM((3 * S,), jnp.float32),
        pltpu.VMEM((CHW,), jnp.float32),
        pltpu.VMEM((CHW,), jnp.float32),
        pltpu.VMEM((RPW,), jnp.float32),
        pltpu.SemaphoreType.DMA,
        pltpu.SemaphoreType.DMA,
    ],
)
def _sc_logits(wout_hbm, f_hbm, h_hbm, out_hbm, x_v, w0_v, w1_v, out_v,
               sem0, sem1):
    wid = lax.axis_index("s") * 2 + lax.axis_index("c")
    base = wid * (RPW * WOUT_COLS)
    sems = (sem0, sem1)
    bufs = (w0_v, w1_v)

    copies = [
        pltpu.async_copy(wout_hbm.at[pl.ds(base + b * CHW, CHW)], bufs[b],
                         sems[b])
        for b in range(2)
    ]
    pltpu.sync_copy(f_hbm, x_v.at[pl.ds(0, S)])
    pltpu.sync_copy(h_hbm, x_v.at[pl.ds(S, S)])
    pltpu.sync_copy(h_hbm, x_v.at[pl.ds(2 * S, S)])

    lane = lax.broadcasted_iota(jnp.int32, (16,), 0)
    z = jnp.zeros((16,), jnp.float32)
    vecs = [z, z]
    for ch in range(NCH):
        b = ch % 2
        copies[b].wait()
        wbuf = bufs[b]
        for r0 in range(0, CH, 4):
            def body(i, accs, _w=wbuf, _r0=r0):
                off = pl.multiple_of(i * 16, 16)
                xv = x_v[pl.ds(off, 16)]
                return tuple(
                    accs[k] + _w[pl.ds((_r0 + k) * WOUT_COLS + off, 16)] * xv
                    for k in range(4)
                )
            a = lax.fori_loop(0, (3 * S) // 16, body, (z, z, z, z), unroll=8)
            for k in range(4):
                row = ch * CH + r0 + k
                vecs[row // 16] = jnp.where(lane == (row % 16),
                                            jnp.sum(a[k]), vecs[row // 16])
    out_v[pl.ds(0, 16)] = vecs[0]
    out_v[pl.ds(16, 16)] = vecs[1]
    pltpu.sync_copy(out_v, out_hbm.at[pl.ds(wid * RPW, RPW)])


def _tc_gru(f_ref, h_ref, wih_hbm, whh_hbm, bih_ref, bhh_ref, out_h_ref,
            wih_v, whh_v, gi_ref, gh_ref, sems):
    for c in range(C):
        pltpu.make_async_copy(
            wih_hbm.at[pl.ds(c * RG, RG), :], wih_v.at[pl.ds(c * RG, RG), :],
            sems.at[2 * c]).start()
        pltpu.make_async_copy(
            whh_hbm.at[pl.ds(c * RG, RG), :], whh_v.at[pl.ds(c * RG, RG), :],
            sems.at[2 * c + 1]).start()

    f_row = f_ref[...].reshape(1, I)
    h_row = h_ref[...].reshape(1, S)

    for c in range(C):
        pltpu.make_async_copy(
            wih_hbm.at[pl.ds(c * RG, RG), :], wih_v.at[pl.ds(c * RG, RG), :],
            sems.at[2 * c]).wait()
        gi = jnp.sum(wih_v[pl.ds(c * RG, RG), :] * f_row, axis=1,
                     keepdims=True)
        gi_ref[0, pl.ds(c * RG, RG)] = jnp.transpose(gi)[0]

        pltpu.make_async_copy(
            whh_hbm.at[pl.ds(c * RG, RG), :], whh_v.at[pl.ds(c * RG, RG), :],
            sems.at[2 * c + 1]).wait()
        gh = jnp.sum(whh_v[pl.ds(c * RG, RG), :] * h_row, axis=1,
                     keepdims=True)
        gh_ref[0, pl.ds(c * RG, RG)] = jnp.transpose(gh)[0]

    gi_full = gi_ref[...] + bih_ref[...].reshape(1, 3 * S)
    gh_full = gh_ref[...] + bhh_ref[...].reshape(1, 3 * S)
    r = jax.nn.sigmoid(gi_full[:, :S] + gh_full[:, :S])
    z = jax.nn.sigmoid(gi_full[:, S:2 * S] + gh_full[:, S:2 * S])
    n = jnp.tanh(gi_full[:, 2 * S:] + r * gh_full[:, 2 * S:])
    out_h_ref[...] = (1.0 - z) * n + z * h_row


def _tc_logsoftmax(lg_ref, bout_ref, out_ref):
    logits = (lg_ref[...] + bout_ref[...]).reshape(1, O)
    m = jnp.max(logits)
    lse = jnp.log(jnp.sum(jnp.exp(logits - m))) + m
    out_ref[...] = logits - lse


def kernel(feature, time, initial_h, W_ih, W_hh, b_ih, b_hh, W_out, b_out):
    del time

    logits_raw = _sc_logits(W_out.reshape(-1), feature, initial_h)

    vmem = pl.BlockSpec(memory_space=pltpu.MemorySpace.VMEM)
    hbm = pl.BlockSpec(memory_space=pltpu.MemorySpace.HBM)

    out_h = pl.pallas_call(
        _tc_gru,
        in_specs=[vmem, vmem, hbm, hbm, vmem, vmem],
        out_specs=vmem,
        out_shape=jax.ShapeDtypeStruct((1, S), jnp.float32),
        scratch_shapes=[
            pltpu.MemorySpace.VMEM((3 * S, I), jnp.float32),
            pltpu.MemorySpace.VMEM((3 * S, S), jnp.float32),
            pltpu.MemorySpace.VMEM((1, 3 * S), jnp.float32),
            pltpu.MemorySpace.VMEM((1, 3 * S), jnp.float32),
            pltpu.SemaphoreType.DMA((2 * C,)),
        ],
    )(feature, initial_h, W_ih, W_hh, b_ih, b_hh)

    out_logp = pl.pallas_call(
        _tc_logsoftmax,
        in_specs=[vmem, vmem],
        out_specs=vmem,
        out_shape=jax.ShapeDtypeStruct((1, O), jnp.float32),
    )(logits_raw, b_out)

    return (out_logp, out_h.reshape(1, 1, S))

# --- scband reference (transcript-rebuilt; emitter-appended) ---
"""Pipeline reference for scband-lstma-31361851195434 (READ-ONLY COPY).

The authoritative reference and input builder live on the scoring server;
editing this copy changes nothing except your own understanding.
"""

import jax, jax.numpy as jnp
import numpy as np

I = 1024  # input_size
S = 1024  # seq_hidden_size (num_layers=1)
O = 1024  # output_size


def setup_inputs(seed: int = 0) -> dict:
    key = jax.random.key(seed)
    ks = jax.random.split(key, 8)
    feature = jax.random.normal(ks[0], (I,), dtype=jnp.float32)
    time = 1  # unused by forward
    # learned parameters
    initial_h = jax.random.uniform(ks[1], (S,), dtype=jnp.float32, minval=-1.0, maxval=1.0)
    W_ih = jax.random.normal(ks[2], (3 * S, I), dtype=jnp.float32) * 0.02
    W_hh = jax.random.normal(ks[3], (3 * S, S), dtype=jnp.float32) * 0.02
    b_ih = jax.random.normal(ks[4], (3 * S,), dtype=jnp.float32) * 0.02
    b_hh = jax.random.normal(ks[5], (3 * S,), dtype=jnp.float32) * 0.02
    W_out = jax.random.normal(ks[6], (O, I + 2 * S + 1), dtype=jnp.float32) * 0.02
    b_out = jax.random.normal(ks[7], (O,), dtype=jnp.float32) * 0.02
    return {"feature": feature, "time": time, "initial_h": initial_h,
            "W_ih": W_ih, "W_hh": W_hh, "b_ih": b_ih, "b_hh": b_hh,
            "W_out": W_out, "b_out": b_out}


def _gru_step(x, h, W_ih, W_hh, b_ih, b_hh):
    gi = W_ih @ x + b_ih
    gh = W_hh @ h + b_hh
    i_r, i_z, i_n = gi[:S], gi[S:2 * S], gi[2 * S:]
    h_r, h_z, h_n = gh[:S], gh[S:2 * S], gh[2 * S:]
    r = jax.nn.sigmoid(i_r + h_r)
    z = jax.nn.sigmoid(i_z + h_z)
    n = jnp.tanh(i_n + r * h_n)
    return (1.0 - z) * n + z * h


def reference(feature, time, initial_h, W_ih, W_hh, b_ih, b_hh, W_out, b_out):
    # LSTMA.forward with hidden=None (first step):
    # AttnSeqModel: h = initial_h, attn_h = initial_h, length = 0.0
    h = initial_h
    attn_h = initial_h
    length = jnp.array([0.0], dtype=jnp.float32)
    # with_last=True -> pred_v = cat([fea, attn_h, h.view(-1), length])
    pred_v = jnp.concatenate([feature, attn_h, h, length]).reshape(1, -1)
    logits = pred_v @ W_out.T + b_out
    # GRU single step (num_layers=1)
    h_new = _gru_step(feature, h, W_ih, W_hh, b_ih, b_hh)
    # dropout p=0.2 -> identity in eval mode
    output = jax.nn.log_softmax(logits, axis=1)
    return (output, h_new.reshape(1, 1, S))

if __name__ == "__main__":
    import jax
    _d = setup_inputs()
    print(jax.jit(kernel)(*tuple(_d.values())))

</pallas_src>

<mosaic_0001>
#map = affine_map<(d0, d1) -> (0)>
module attributes {stable_mosaic.version = 14 : i64} {
  func.func @_sc_logits(%arg0: i32, %arg1: i32, %arg2: memref<3146752xf32, #tpu.memory_space<hbm>>, %arg3: memref<1024xf32, #tpu.memory_space<hbm>>, %arg4: memref<1024xf32, #tpu.memory_space<hbm>>, %arg5: memref<1024xf32, #tpu.memory_space<hbm>>, %arg6: memref<3072xf32, #tpu.memory_space<vmem>>, %arg7: memref<49168xf32, #tpu.memory_space<vmem>>, %arg8: memref<49168xf32, #tpu.memory_space<vmem>>, %arg9: memref<32xf32, #tpu.memory_space<vmem>>, %arg10: memref<!tpu.dma_semaphore, #tpu.memory_space<semaphore_mem>>, %arg11: memref<!tpu.dma_semaphore, #tpu.memory_space<semaphore_mem>>) attributes {dimension_semantics = [#tpu.dimension_semantics<core_parallel>, #tpu.dimension_semantics<subcore_parallel>], iteration_bounds = array<i64: 2, 16>, scalar_prefetch = 0 : i64, scratch_operands = 6 : i64, tpu.core_type = #tpu.core_type<sc_vector_subcore>, window_params = [{transform_indices = #map}, {transform_indices = #map}, {transform_indices = #map}, {transform_indices = #map}]} {
    %mul3A = arith.constant 2 : i32
    %mul3A_0 = arith.muli %arg1, %mul3A : i32
    %add3A = arith.addi %mul3A_0, %arg0 : i32
    %mul3A_1 = arith.constant 98336 : i32
    %mul3A_2 = arith.muli %add3A, %mul3A_1 : i32
    %add3A_3 = arith.constant 0 : i32
    %add3A_4 = arith.addi %mul3A_2, %add3A_3 : i32
    %dma_start3A = tpu.memref_slice %arg2[%add3A_4] : memref<3146752xf32, #tpu.memory_space<hbm>> -> memref<49168xf32, #tpu.memory_space<hbm>>
    %dma_start3A_5 = tpu.memref_slice %arg2[%add3A_4] : memref<3146752xf32, #tpu.memory_space<hbm>> -> memref<49168xf32, #tpu.memory_space<hbm>>
    tpu.enqueue_dma source(%dma_start3A_5 : memref<49168xf32, #tpu.memory_space<hbm>>) target(%arg7 : memref<49168xf32, #tpu.memory_space<vmem>>) target_semaphore(%arg10 : memref<!tpu.dma_semaphore, #tpu.memory_space<semaphore_mem>>)
    %add3A_6 = arith.constant 49168 : i32
    %add3A_7 = arith.addi %mul3A_2, %add3A_6 : i32
    %dma_start3A_8 = tpu.memref_slice %arg2[%add3A_7] : memref<3146752xf32, #tpu.memory_space<hbm>> -> memref<49168xf32, #tpu.memory_space<hbm>>
    %dma_start3A_9 = tpu.memref_slice %arg2[%add3A_7] : memref<3146752xf32, #tpu.memory_space<hbm>> -> memref<49168xf32, #tpu.memory_space<hbm>>
    tpu.enqueue_dma source(%dma_start3A_9 : memref<49168xf32, #tpu.memory_space<hbm>>) target(%arg8 : memref<49168xf32, #tpu.memory_space<vmem>>) target_semaphore(%arg11 : memref<!tpu.dma_semaphore, #tpu.memory_space<semaphore_mem>>)
    "tpu.region"() ({
      %run_scoped3A = tpu.sem_alloc : memref<!tpu.dma_semaphore, #tpu.memory_space<semaphore_mem>>
      %dma_start3A_351 = arith.constant 0 : i32
      %dma_start3A_352 = tpu.memref_slice %arg6[%dma_start3A_351] : memref<3072xf32, #tpu.memory_space<vmem>> -> memref<1024xf32, #tpu.memory_space<vmem>>
      %dma_start3A_353 = arith.constant 0 : i32
      %dma_start3A_354 = tpu.memref_slice %arg6[%dma_start3A_353] : memref<3072xf32, #tpu.memory_space<vmem>> -> memref<1024xf32, #tpu.memory_space<vmem>>
      tpu.enqueue_dma source(%arg3 : memref<1024xf32, #tpu.memory_space<hbm>>) target(%dma_start3A_354 : memref<1024xf32, #tpu.memory_space<vmem>>) target_semaphore(%run_scoped3A : memref<!tpu.dma_semaphore, #tpu.memory_space<semaphore_mem>>)
      %dma_wait3A_355 = arith.constant 0 : i32
      %dma_wait3A_356 = tpu.memref_slice %arg6[%dma_wait3A_355] : memref<3072xf32, #tpu.memory_space<vmem>> -> memref<1024xf32, #tpu.memory_space<vmem>>
      %dma_wait3A_357 = arith.constant 0 : i32
      %dma_wait3A_358 = tpu.memref_slice %arg6[%dma_wait3A_357] : memref<3072xf32, #tpu.memory_space<vmem>> -> memref<1024xf32, #tpu.memory_space<vmem>>
      tpu.wait_dma2 semaphore(%run_scoped3A : memref<!tpu.dma_semaphore, #tpu.memory_space<semaphore_mem>>) src(%arg3 : memref<1024xf32, #tpu.memory_space<hbm>>) dst(%dma_wait3A_358 : memref<1024xf32, #tpu.memory_space<vmem>>)
      tpu.yield
    }) : () -> ()
    "tpu.region"() ({
      %run_scoped3A = tpu.sem_alloc : memref<!tpu.dma_semaphore, #tpu.memory_space<semaphore_mem>>
      %dma_start3A_351 = arith.constant 1024 : i32
      %dma_start3A_352 = tpu.memref_slice %arg6[%dma_start3A_351] : memref<3072xf32, #tpu.memory_space<vmem>> -> memref<1024xf32, #tpu.memory_space<vmem>>
      %dma_start3A_353 = arith.constant 1024 : i32
      %dma_start3A_354 = tpu.memref_slice %arg6[%dma_start3A_353] : memref<3072xf32, #tpu.memory_space<vmem>> -> memref<1024xf32, #tpu.memory_space<vmem>>
      tpu.enqueue_dma source(%arg4 : memref<1024xf32, #tpu.memory_space<hbm>>) target(%dma_start3A_354 : memref<1024xf32, #tpu.memory_space<vmem>>) target_semaphore(%run_scoped3A : memref<!tpu.dma_semaphore, #tpu.memory_space<semaphore_mem>>)
      %dma_wait3A_355 = arith.constant 1024 : i32
      %dma_wait3A_356 = tpu.memref_slice %arg6[%dma_wait3A_355] : memref<3072xf32, #tpu.memory_space<vmem>> -> memref<1024xf32, #tpu.memory_space<vmem>>
      %dma_wait3A_357 = arith.constant 1024 : i32
      %dma_wait3A_358 = tpu.memref_slice %arg6[%dma_wait3A_357] : memref<3072xf32, #tpu.memory_space<vmem>> -> memref<1024xf32, #tpu.memory_space<vmem>>
      tpu.wait_dma2 semaphore(%run_scoped3A : memref<!tpu.dma_semaphore, #tpu.memory_space<semaphore_mem>>) src(%arg4 : memref<1024xf32, #tpu.memory_space<hbm>>) dst(%dma_wait3A_358 : memref<1024xf32, #tpu.memory_space<vmem>>)
      tpu.yield
    }) : () -> ()
    "tpu.region"() ({
      %run_scoped3A = tpu.sem_alloc : memref<!tpu.dma_semaphore, #tpu.memory_space<semaphore_mem>>
      %dma_start3A_351 = arith.constant 2048 : i32
      %dma_start3A_352 = tpu.memref_slice %arg6[%dma_start3A_351] : memref<3072xf32, #tpu.memory_space<vmem>> -> memref<1024xf32, #tpu.memory_space<vmem>>
      %dma_start3A_353 = arith.constant 2048 : i32
      %dma_start3A_354 = tpu.memref_slice %arg6[%dma_start3A_353] : memref<3072xf32, #tpu.memory_space<vmem>> -> memref<1024xf32, #tpu.memory_space<vmem>>
      tpu.enqueue_dma source(%arg4 : memref<1024xf32, #tpu.memory_space<hbm>>) target(%dma_start3A_354 : memref<1024xf32, #tpu.memory_space<vmem>>) target_semaphore(%run_scoped3A : memref<!tpu.dma_semaphore, #tpu.memory_space<semaphore_mem>>)
      %dma_wait3A_355 = arith.constant 2048 : i32
      %dma_wait3A_356 = tpu.memref_slice %arg6[%dma_wait3A_355] : memref<3072xf32, #tpu.memory_space<vmem>> -> memref<1024xf32, #tpu.memory_space<vmem>>
      %dma_wait3A_357 = arith.constant 2048 : i32
      %dma_wait3A_358 = tpu.memref_slice %arg6[%dma_wait3A_357] : memref<3072xf32, #tpu.memory_space<vmem>> -> memref<1024xf32, #tpu.memory_space<vmem>>
      tpu.wait_dma2 semaphore(%run_scoped3A : memref<!tpu.dma_semaphore, #tpu.memory_space<semaphore_mem>>) src(%arg4 : memref<1024xf32, #tpu.memory_space<hbm>>) dst(%dma_wait3A_358 : memref<1024xf32, #tpu.memory_space<vmem>>)
      tpu.yield
    }) : () -> ()
    %iota3A = tpu.iota {dimensions = array<i32: 0>} : vector<16xi32>
    %broadcast_in_dim3A = arith.constant 0.000000e+00 : f32
    %broadcast_in_dim3A_10 = vector.broadcast %broadcast_in_dim3A : f32 to vector<16xf32>
    %dma_wait3A = tpu.memref_slice %arg2[%add3A_4] : memref<3146752xf32, #tpu.memory_space<hbm>> -> memref<49168xf32, #tpu.memory_space<hbm>>
    %dma_wait3A_11 = tpu.memref_slice %arg2[%add3A_4] : memref<3146752xf32, #tpu.memory_space<hbm>> -> memref<49168xf32, #tpu.memory_space<hbm>>
    tpu.wait_dma2 semaphore(%arg10 : memref<!tpu.dma_semaphore, #tpu.memory_space<semaphore_mem>>) src(%dma_wait3A_11 : memref<49168xf32, #tpu.memory_space<hbm>>) dst(%arg7 : memref<49168xf32, #tpu.memory_space<vmem>>)
    %scan3A = arith.constant 0 : i32
    %scan3A_12 = arith.constant 192 : i32
    %scan3A_13 = arith.addi %scan3A, %scan3A_12 : i32
    %scan3A_14 = arith.constant 8 : i32
    %scan3A_15:4 = scf.for %scan3A_351 = %scan3A to %scan3A_13 step %scan3A_14 iter_args(%scan3A_352 = %broadcast_in_dim3A_10, %scan3A_353 = %broadcast_in_dim3A_10, %scan3A_354 = %broadcast_in_dim3A_10, %scan3A_355 = %broadcast_in_dim3A_10) -> (vector<16xf32>, vector<16xf32>, vector<16xf32>, vector<16xf32>)  : i32 {
      %mul3A_356 = arith.constant 16 : i32
      %mul3A_357 = arith.muli %scan3A_351, %mul3A_356 : i32
      %multiple_of3A = tpu.assume_multiple %mul3A_357, 16 : i32
      %get3A = arith.index_cast %multiple_of3A : i32 to index
      %get3A_358 = tpu.vector_load %arg6[%get3A] {strides = array<i32>} : memref<3072xf32, #tpu.memory_space<vmem>>, vector<16xf32>,
      %add3A_359 = arith.constant 0 : i32
      %add3A_360 = arith.addi %add3A_359, %multiple_of3A : i32
      %get3A_361 = arith.index_cast %add3A_360 : i32 to index
      %get3A_362 = tpu.vector_load %arg7[%get3A_361] {strides = array<i32>} : memref<49168xf32, #tpu.memory_space<vmem>>, vector<16xf32>,
      %mul3A_363 = arith.mulf %get3A_362, %get3A_358 : vector<16xf32>
      %add3A_364 = arith.addf %scan3A_352, %mul3A_363 : vector<16xf32>
      %add3A_365 = arith.constant 3073 : i32
      %add3A_366 = arith.addi %add3A_365, %multiple_of3A : i32
      %get3A_367 = arith.index_cast %add3A_366 : i32 to index
      %get3A_368 = tpu.vector_load %arg7[%get3A_367] {strides = array<i32>} : memref<49168xf32, #tpu.memory_space<vmem>>, vector<16xf32>,
      %mul3A_369 = arith.mulf %get3A_368, %get3A_358 : vector<16xf32>
      %add3A_370 = arith.addf %scan3A_353, %mul3A_369 : vector<16xf32>
      %add3A_371 = arith.constant 6146 : i32
      %add3A_372 = arith.addi %add3A_371, %multiple_of3A : i32
      %get3A_373 = arith.index_cast %add3A_372 : i32 to index
      %get3A_374 = tpu.vector_load %arg7[%get3A_373] {strides = array<i32>} : memref<49168xf32, #tpu.memory_space<vmem>>, vector<16xf32>,
      %mul3A_375 = arith.mulf %get3A_374, %get3A_358 : vector<16xf32>
      %add3A_376 = arith.addf %scan3A_354, %mul3A_375 : vector<16xf32>
      %add3A_377 = arith.constant 9219 : i32
      %add3A_378 = arith.addi %add3A_377, %multiple_of3A : i32
      %get3A_379 = arith.index_cast %add3A_378 : i32 to index
      %get3A_380 = tpu.vector_load %arg7[%get3A_379] {strides = array<i32>} : memref<49168xf32, #tpu.memory_space<vmem>>, vector<16xf32>,
      %mul3A_381 = arith.mulf %get3A_380, %get3A_358 : vector<16xf32>
      %add3A_382 = arith.addf %scan3A_355, %mul3A_381 : vector<16xf32>
      %scan3A_383 = arith.constant 1 : i32
      %scan3A_384 = arith.addi %scan3A_351, %scan3A_383 : i32
      %mul3A_385 = arith.constant 16 : i32
      %mul3A_386 = arith.muli %scan3A_384, %mul3A_385 : i32
      %multiple_of3A_387 = tpu.assume_multiple %mul3A_386, 16 : i32
      %get3A_388 = arith.index_cast %multiple_of3A_387 : i32 to index
      %get3A_389 = tpu.vector_load %arg6[%get3A_388] {strides = array<i32>} : memref<3072xf32, #tpu.memory_space<vmem>>, vector<16xf32>,
      %add3A_390 = arith.constant 0 : i32
      %add3A_391 = arith.addi %add3A_390, %multiple_of3A_387 : i32
      %get3A_392 = arith.index_cast %add3A_391 : i32 to index
      %get3A_393 = tpu.vector_load %arg7[%get3A_392] {strides = array<i32>} : memref<49168xf32, #tpu.memory_space<vmem>>, vector<16xf32>,
      %mul3A_394 = arith.mulf %get3A_393, %get3A_389 : vector<16xf32>
      %add3A_395 = arith.addf %add3A_364, %mul3A_394 : vector<16xf32>
      %add3A_396 = arith.constant 3073 : i32
      %add3A_397 = arith.addi %add3A_396, %multiple_of3A_387 : i32
      %get3A_398 = arith.index_cast %add3A_397 : i32 to index
      %get3A_399 = tpu.vector_load %arg7[%get3A_398] {strides = array<i32>} : memref<49168xf32, #tpu.memory_space<vmem>>, vector<16xf32>,
      %mul3A_400 = arith.mulf %get3A_399, %get3A_389 : vector<16xf32>
      %add3A_401 = arith.addf %add3A_370, %mul3A_400 : vector<16xf32>
      %add3A_402 = arith.constant 6146 : i32
      %add3A_403 = arith.addi %add3A_402, %multiple_of3A_387 : i32
      %get3A_404 = arith.index_cast %add3A_403 : i32 to index
      %get3A_405 = tpu.vector_load %arg7[%get3A_404] {strides = array<i32>} : memref<49168xf32, #tpu.memory_space<vmem>>, vector<16xf32>,
      %mul3A_406 = arith.mulf %get3A_405, %get3A_389 : vector<16xf32>
      %add3A_407 = arith.addf %add3A_376, %mul3A_406 : vector<16xf32>
      %add3A_408 = arith.constant 9219 : i32
      %add3A_409 = arith.addi %add3A_408, %multiple_of3A_387 : i32
      %get3A_410 = arith.index_cast %add3A_409 : i32 to index
      %get3A_411 = tpu.vector_load %arg7[%get3A_410] {strides = array<i32>} : memref<49168xf32, #tpu.memory_space<vmem>>, vector<16xf32>,
      %mul3A_412 = arith.mulf %get3A_411, %get3A_389 : vector<16xf32>
      %add3A_413 = arith.addf %add3A_382, %mul3A_412 : vector<16xf32>
      %scan3A_414 = arith.constant 2 : i32
      %scan3A_415 = arith.addi %scan3A_351, %scan3A_414 : i32
      %mul3A_416 = arith.constant 16 : i32
      %mul3A_417 = arith.muli %scan3A_415, %mul3A_416 : i32
      %multiple_of3A_418 = tpu.assume_multiple %mul3A_417, 16 : i32
      %get3A_419 = arith.index_cast %multiple_of3A_418 : i32 to index
      %get3A_420 = tpu.vector_load %arg6[%get3A_419] {strides = array<i32>} : memref<3072xf32, #tpu.memory_space<vmem>>, vector<16xf32>,
      %add3A_421 = arith.constant 0 : i32
      %add3A_422 = arith.addi %add3A_421, %multiple_of3A_418 : i32
      %get3A_423 = arith.index_cast %add3A_422 : i32 to index
      %get3A_424 = tpu.vector_load %arg7[%get3A_423] {strides = array<i32>} : memref<49168xf32, #tpu.memory_space<vmem>>, vector<16xf32>,
      %mul3A_425 = arith.mulf %get3A_424, %get3A_420 : vector<16xf32>
      %add3A_426 = arith.addf %add3A_395, %mul3A_425 : vector<16xf32>
      %add3A_427 = arith.constant 3073 : i32
      %add3A_428 = arith.addi %add3A_427, %multiple_of3A_418 : i32
      %get3A_429 = arith.index_cast %add3A_428 : i32 to index
      %get3A_430 = tpu.vector_load %arg7[%get3A_429] {strides = array<i32>} : memref<49168xf32, #tpu.memory_space<vmem>>, vector<16xf32>,
      %mul3A_431 = arith.mulf %get3A_430, %get3A_420 : vector<16xf32>
      %add3A_432 = arith.addf %add3A_401, %mul3A_431 : vector<16xf32>
      %add3A_433 = arith.constant 6146 : i32
      %add3A_434 = arith.addi %add3A_433, %multiple_of3A_418 : i32
      %get3A_435 = arith.index_cast %add3A_434 : i32 to index
      %get3A_436 = tpu.vector_load %arg7[%get3A_435] {strides = array<i32>} : memref<49168xf32, #tpu.memory_space<vmem>>, vector<16xf32>,
      %mul3A_437 = arith.mulf %get3A_436, %get3A_420 : vector<16xf32>
      %add3A_438 = arith.addf %add3A_407, %mul3A_437 : vector<16xf32>
      %add3A_439 = arith.constant 9219 : i32
      %add3A_440 = arith.addi %add3A_439, %multiple_of3A_418 : i32
      %get3A_441 = arith.index_cast %add3A_440 : i32 to index
      %get3A_442 = tpu.vector_load %arg7[%get3A_441] {strides = array<i32>} : memref<49168xf32, #tpu.memory_space<vmem>>, vector<16xf32>,
      %mul3A_443 = arith.mulf %get3A_442, %get3A_420 : vector<16xf32>
      %add3A_444 = arith.addf %add3A_413, %mul3A_443 : vector<16xf32>
      %scan3A_445 = arith.constant 3 : i32
      %scan3A_446 = arith.addi %scan3A_351, %scan3A_445 : i32
      %mul3A_447 = arith.constant 16 : i32
      %mul3A_448 = arith.muli %scan3A_446, %mul3A_447 : i32
      %multiple_of3A_449 = tpu.assume_multiple %mul3A_448, 16 : i32
      %get3A_450 = arith.index_cast %multiple_of3A_449 : i32 to index
      %get3A_451 = tpu.vector_load %arg6[%get3A_450] {strides = array<i32>} : memref<3072xf32, #tpu.memory_space<vmem>>, vector<16xf32>,
      %add3A_452 = arith.constant 0 : i32
      %add3A_453 = arith.addi %add3A_452, %multiple_of3A_449 : i32
      %get3A_454 = arith.index_cast %add3A_453 : i32 to index
      %get3A_455 = tpu.vector_load %arg7[%get3A_454] {strides = array<i32>} : memref<49168xf32, #tpu.memory_space<vmem>>, vector<16xf32>,
      %mul3A_456 = arith.mulf %get3A_455, %get3A_451 : vector<16xf32>
      %add3A_457 = arith.addf %add3A_426, %mul3A_456 : vector<16xf32>
      %add3A_458 = arith.constant 3073 : i32
      %add3A_459 = arith.addi %add3A_458, %multiple_of3A_449 : i32
      %get3A_460 = arith.index_cast %add3A_459 : i32 to index
      %get3A_461 = tpu.vector_load %arg7[%get3A_460] {strides = array<i32>} : memref<49168xf32, #tpu.memory_space<vmem>>, vector<16xf32>,
      %mul3A_462 = arith.mulf %get3A_461, %get3A_451 : vector<16xf32>
      %add3A_463 = arith.addf %add3A_432, %mul3A_462 : vector<16xf32>
      %add3A_464 = arith.constant 6146 : i32
      %add3A_465 = arith.addi %add3A_464, %multiple_of3A_449 : i32
      %get3A_466 = arith.index_cast %add3A_465 : i32 to index
      %get3A_467 = tpu.vector_load %arg7[%get3A_466] {strides = array<i32>} : memref<49168xf32, #tpu.memory_space<vmem>>, vector<16xf32>,
      %mul3A_468 = arith.mulf %get3A_467, %get3A_451 : vector<16xf32>
      %add3A_469 = arith.addf %add3A_438, %mul3A_468 : vector<16xf32>
      %add3A_470 = arith.constant 9219 : i32
      %add3A_471 = arith.addi %add3A_470, %multiple_of3A_449 : i32
      %get3A_472 = arith.index_cast %add3A_471 : i32 to index
      %get3A_473 = tpu.vector_load %arg7[%get3A_472] {strides = array<i32>} : memref<49168xf32, #tpu.memory_space<vmem>>, vector<16xf32>,
      %mul3A_474 = arith.mulf %get3A_473, %get3A_451 : vector<16xf32>
      %add3A_475 = arith.addf %add3A_444, %mul3A_474 : vector<16xf32>
      %scan3A_476 = arith.constant 4 : i32
      %scan3A_477 = arith.addi %scan3A_351, %scan3A_476 : i32
      %mul3A_478 = arith.constant 16 : i32
      %mul3A_479 = arith.muli %scan3A_477, %mul3A_478 : i32
      %multiple_of3A_480 = tpu.assume_multiple %mul3A_479, 16 : i32
      %get3A_481 = arith.index_cast %multiple_of3A_480 : i32 to index
      %get3A_482 = tpu.vector_load %arg6[%get3A_481] {strides = array<i32>} : memref<3072xf32, #tpu.memory_space<vmem>>, vector<16xf32>,
      %add3A_483 = arith.constant 0 : i32
      %add3A_484 = arith.addi %add3A_483, %multiple_of3A_480 : i32
      %get3A_485 = arith.index_cast %add3A_484 : i32 to index
      %get3A_486 = tpu.vector_load %arg7[%get3A_485] {strides = array<i32>} : memref<49168xf32, #tpu.memory_space<vmem>>, vector<16xf32>,
      %mul3A_487 = arith.mulf %get3A_486, %get3A_482 : vector<16xf32>
      %add3A_488 = arith.addf %add3A_457, %mul3A_487 : vector<16xf32>
      %add3A_489 = arith.constant 3073 : i32
      %add3A_490 = arith.addi %add3A_489, %multiple_of3A_480 : i32
      %get3A_491 = arith.index_cast %add3A_490 : i32 to index
      %get3A_492 = tpu.vector_load %arg7[%get3A_491] {strides = array<i32>} : memref<49168xf32, #tpu.memory_space<vmem>>, vector<16xf32>,
      %mul3A_493 = arith.mulf %get3A_492, %get3A_482 : vector<16xf32>
      %add3A_494 = arith.addf %add3A_463, %mul3A_493 : vector<16xf32>
      %add3A_495 = arith.constant 6146 : i32
      %add3A_496 = arith.addi %add3A_495, %multiple_of3A_480 : i32
      %get3A_497 = arith.index_cast %add3A_496 : i32 to index
      %get3A_498 = tpu.vector_load %arg7[%get3A_497] {strides = array<i32>} : memref<49168xf32, #tpu.memory_space<vmem>>, vector<16xf32>,
      %mul3A_499 = arith.mulf %get3A_498, %get3A_482 : vector<16xf32>
      %add3A_500 = arith.addf %add3A_469, %mul3A_499 : vector<16xf32>
      %add3A_501 = arith.constant 9219 : i32
      %add3A_502 = arith.addi %add3A_501, %multiple_of3A_480 : i32
      %get3A_503 = arith.index_cast %add3A_502 : i32 to index
      %get3A_504 = tpu.vector_load %arg7[%get3A_503] {strides = array<i32>} : memref<49168xf32, #tpu.memory_space<vmem>>, vector<16xf32>,
      %mul3A_505 = arith.mulf %get3A_504, %get3A_482 : vector<16xf32>
      %add3A_506 = arith.addf %add3A_475, %mul3A_505 : vector<16xf32>
      %scan3A_507 = arith.constant 5 : i32
      %scan3A_508 = arith.addi %scan3A_351, %scan3A_507 : i32
      %mul3A_509 = arith.constant 16 : i32
      %mul3A_510 = arith.muli %scan3A_508, %mul3A_509 : i32
      %multiple_of3A_511 = tpu.assume_multiple %mul3A_510, 16 : i32
      %get3A_512 = arith.index_cast %multiple_of3A_511 : i32 to index
      %get3A_513 = tpu.vector_load %arg6[%get3A_512] {strides = array<i32>} : memref<3072xf32, #tpu.memory_space<vmem>>, vector<16xf32>,
      %add3A_514 = arith.constant 0 : i32
      %add3A_515 = arith.addi %add3A_514, %multiple_of3A_511 : i32
      %get3A_516 = arith.index_cast %add3A_515 : i32 to index
      %get3A_517 = tpu.vector_load %arg7[%get3A_516] {strides = array<i32>} : memref<49168xf32, #tpu.memory_space<vmem>>, vector<16xf32>,
      %mul3A_518 = arith.mulf %get3A_517, %get3A_513 : vector<16xf32>
      %add3A_519 = arith.addf %add3A_488, %mul3A_518 : vector<16xf32>
      %add3A_520 = arith.constant 3073 : i32
      %add3A_521 = arith.addi %add3A_520, %multiple_of3A_511 : i32
      %get3A_522 = arith.index_cast %add3A_521 : i32 to index
      %get3A_523 = tpu.vector_load %arg7[%get3A_522] {strides = array<i32>} : memref<49168xf32, #tpu.memory_space<vmem>>, vector<16xf32>,
      %mul3A_524 = arith.mulf %get3A_523, %get3A_513 : vector<16xf32>
      %add3A_525 = arith.addf %add3A_494, %mul3A_524 : vector<16xf32>
      %add3A_526 = arith.constant 6146 : i32
      %add3A_527 = arith.addi %add3A_526, %multiple_of3A_511 : i32
      %get3A_528 = arith.index_cast %add3A_527 : i32 to index
      %get3A_529 = tpu.vector_load %arg7[%get3A_528] {strides = array<i32>} : memref<49168xf32, #tpu.memory_space<vmem>>, vector<16xf32>,
      %mul3A_530 = arith.mulf %get3A_529, %get3A_513 : vector<16xf32>
      %add3A_531 = arith.addf %add3A_500, %mul3A_530 : vector<16xf32>
      %add3A_532 = arith.constant 9219 : i32
      %add3A_533 = arith.addi %add3A_532, %multiple_of3A_511 : i32
      %get3A_534 = arith.index_cast %add3A_533 : i32 to index
      %get3A_535 = tpu.vector_load %arg7[%get3A_534] {strides = array<i32>} : memref<49168xf32, #tpu.memory_space<vmem>>, vector<16xf32>,
      %mul3A_536 = arith.mulf %get3A_535, %get3A_513 : vector<16xf32>
      %add3A_537 = arith.addf %add3A_506, %mul3A_536 : vector<16xf32>
      %scan3A_538 = arith.constant 6 : i32
      %scan3A_539 = arith.addi %scan3A_351, %scan3A_538 : i32
      %mul3A_540 = arith.constant 16 : i32
      %mul3A_541 = arith.muli %scan3A_539, %mul3A_540 : i32
      %multiple_of3A_542 = tpu.assume_multiple %mul3A_541, 16 : i32
      %get3A_543 = arith.index_cast %multiple_of3A_542 : i32 to index
      %get3A_544 = tpu.vector_load %arg6[%get3A_543] {strides = array<i32>} : memref<3072xf32, #tpu.memory_space<vmem>>, vector<16xf32>,
      %add3A_545 = arith.constant 0 : i32
      %add3A_546 = arith.addi %add3A_545, %multiple_of3A_542 : i32
      %get3A_547 = arith.index_cast %add3A_546 : i32 to index
      %get3A_548 = tpu.vector_load %arg7[%get3A_547] {strides = array<i32>} : memref<49168xf32, #tpu.memory_space<vmem>>, vector<16xf32>,
      %mul3A_549 = arith.mulf %get3A_548, %get3A_544 : vector<16xf32>
      %add3A_550 = arith.addf %add3A_519, %mul3A_549 : vector<16xf32>
      %add3A_551 = arith.constant 3073 : i32
      %add3A_552 = arith.addi %add3A_551, %multiple_of3A_542 : i32
      %get3A_553 = arith.index_cast %add3A_552 : i32 to index
      %get3A_554 = tpu.vector_load %arg7[%get3A_553] {strides = array<i32>} : memref<49168xf32, #tpu.memory_space<vmem>>, vector<16xf32>,
      %mul3A_555 = arith.mulf %get3A_554, %get3A_544 : vector<16xf32>
      %add3A_556 = arith.addf %add3A_525, %mul3A_555 : vector<16xf32>
      %add3A_557 = arith.constant 6146 : i32
      %add3A_558 = arith.addi %add3A_557, %multiple_of3A_542 : i32
      %get3A_559 = arith.index_cast %add3A_558 : i32 to index
      %get3A_560 = tpu.vector_load %arg7[%get3A_559] {strides = array<i32>} : memref<49168xf32, #tpu.memory_space<vmem>>, vector<16xf32>,
      %mul3A_561 = arith.mulf %get3A_560, %get3A_544 : vector<16xf32>
      %add3A_562 = arith.addf %add3A_531, %mul3A_561 : vector<16xf32>
      %add3A_563 = arith.constant 9219 : i32
      %add3A_564 = arith.addi %add3A_563, %multiple_of3A_542 : i32
      %get3A_565 = arith.index_cast %add3A_564 : i32 to index
      %get3A_566 = tpu.vector_load %arg7[%get3A_565] {strides = array<i32>} : memref<49168xf32, #tpu.memory_space<vmem>>, vector<16xf32>,
      %mul3A_567 = arith.mulf %get3A_566, %get3A_544 : vector<16xf32>
      %add3A_568 = arith.addf %add3A_537, %mul3A_567 : vector<16xf32>
      %scan3A_569 = arith.constant 7 : i32
      %scan3A_570 = arith.addi %scan3A_351, %scan3A_569 : i32
      %mul3A_571 = arith.constant 16 : i32
      %mul3A_572 = arith.muli %scan3A_570, %mul3A_571 : i32
      %multiple_of3A_573 = tpu.assume_multiple %mul3A_572, 16 : i32
      %get3A_574 = arith.index_cast %multiple_of3A_573 : i32 to index
      %get3A_575 = tpu.vector_load %arg6[%get3A_574] {strides = array<i32>} : memref<3072xf32, #tpu.memory_space<vmem>>, vector<16xf32>,
      %add3A_576 = arith.constant 0 : i32
      %add3A_577 = arith.addi %add3A_576, %multiple_of3A_573 : i32
      %get3A_578 = arith.index_cast %add3A_577 : i32 to index
      %get3A_579 = tpu.vector_load %arg7[%get3A_578] {strides = array<i32>} : memref<49168xf32, #tpu.memory_space<vmem>>, vector<16xf32>,
      %mul3A_580 = arith.mulf %get3A_579, %get3A_575 : vector<16xf32>
      %add3A_581 = arith.addf %add3A_550, %mul3A_580 : vector<16xf32>
      %add3A_582 = arith.constant 3073 : i32
      %add3A_583 = arith.addi %add3A_582, %multiple_of3A_573 : i32
      %get3A_584 = arith.index_cast %add3A_583 : i32 to index
      %get3A_585 = tpu.vector_load %arg7[%get3A_584] {strides = array<i32>} : memref<49168xf32, #tpu.memory_space<vmem>>, vector<16xf32>,
      %mul3A_586 = arith.mulf %get3A_585, %get3A_575 : vector<16xf32>
      %add3A_587 = arith.addf %add3A_556, %mul3A_586 : vector<16xf32>
      %add3A_588 = arith.constant 6146 : i32
      %add3A_589 = arith.addi %add3A_588, %multiple_of3A_573 : i32
      %get3A_590 = arith.index_cast %add3A_589 : i32 to index
      %get3A_591 = tpu.vector_load %arg7[%get3A_590] {strides = array<i32>} : memref<49168xf32, #tpu.memory_space<vmem>>, vector<16xf32>,
      %mul3A_592 = arith.mulf %get3A_591, %get3A_575 : vector<16xf32>
      %add3A_593 = arith.addf %add3A_562, %mul3A_592 : vector<16xf32>
      %add3A_594 = arith.constant 9219 : i32
      %add3A_595 = arith.addi %add3A_594, %multiple_of3A_573 : i32
      %get3A_596 = arith.index_cast %add3A_595 : i32 to index
      %get3A_597 = tpu.vector_load %arg7[%get3A_596] {strides = array<i32>} : memref<49168xf32, #tpu.memory_space<vmem>>, vector<16xf32>,
      %mul3A_598 = arith.mulf %get3A_597, %get3A_575 : vector<16xf32>
      %add3A_599 = arith.addf %add3A_568, %mul3A_598 : vector<16xf32>
      scf.yield %add3A_581, %add3A_587, %add3A_593, %add3A_599 : vector<16xf32>, vector<16xf32>, vector<16xf32>, vector<16xf32>
    }
    %scan3A_16 = arith.constant 192 : i32
    %eq3A = arith.constant 0 : i32
    %eq3A_17 = vector.broadcast %eq3A : i32 to vector<16xi32>
    %eq3A_18 = arith.cmpi eq, %iota3A, %eq3A_17 : vector<16xi32>
    %reduce_sum3A = arith.constant true
    %reduce_sum3A_19 = vector.broadcast %reduce_sum3A : i1 to vector<16xi1>
    %reduce_sum3A_20 = tpu.scan <sum>, %scan3A_15#0 masked %reduce_sum3A_19 : vector<16xf32>, vector<16xi1> -> vector<16xf32>
    %reduce_sum3A_21 = vector.extract %reduce_sum3A_20[15] : f32 from vector<16xf32>
    %broadcast_in_dim3A_22 = vector.broadcast %reduce_sum3A_21 : f32 to vector<16xf32>
    %select_n3A = arith.select %eq3A_18, %broadcast_in_dim3A_22, %broadcast_in_dim3A_10 : vector<16xi1>, vector<16xf32>
    %eq3A_23 = arith.constant 1 : i32
    %eq3A_24 = vector.broadcast %eq3A_23 : i32 to vector<16xi32>
    %eq3A_25 = arith.cmpi eq, %iota3A, %eq3A_24 : vector<16xi32>
    %reduce_sum3A_26 = arith.constant true
    %reduce_sum3A_27 = vector.broadcast %reduce_sum3A_26 : i1 to vector<16xi1>
    %reduce_sum3A_28 = tpu.scan <sum>, %scan3A_15#1 masked %reduce_sum3A_27 : vector<16xf32>, vector<16xi1> -> vector<16xf32>
    %reduce_sum3A_29 = vector.extract %reduce_sum3A_28[15] : f32 from vector<16xf32>
    %broadcast_in_dim3A_30 = vector.broadcast %reduce_sum3A_29 : f32 to vector<16xf32>
    %select_n3A_31 = arith.select %eq3A_25, %broadcast_in_dim3A_30, %select_n3A : vector<16xi1>, vector<16xf32>
    %eq3A_32 = arith.constant 2 : i32
    %eq3A_33 = vector.broadcast %eq3A_32 : i32 to vector<16xi32>
    %eq3A_34 = arith.cmpi eq, %iota3A, %eq3A_33 : vector<16xi32>
    %reduce_sum3A_35 = arith.constant true
    %reduce_sum3A_36 = vector.broadcast %reduce_sum3A_35 : i1 to vector<16xi1>
    %reduce_sum3A_37 = tpu.scan <sum>, %scan3A_15#2 masked %reduce_sum3A_36 : vector<16xf32>, vector<16xi1> -> vector<16xf32>
    %reduce_sum3A_38 = vector.extract %reduce_sum3A_37[15] : f32 from vector<16xf32>
    %broadcast_in_dim3A_39 = vector.broadcast %reduce_sum3A_38 : f32 to vector<16xf32>
    %select_n3A_40 = arith.select %eq3A_34, %broadcast_in_dim3A_39, %select_n3A_31 : vector<16xi1>, vector<16xf32>
    %eq3A_41 = arith.constant 3 : i32
    %eq3A_42 = vector.broadcast %eq3A_41 : i32 to vector<16xi32>
    %eq3A_43 = arith.cmpi eq, %iota3A, %eq3A_42 : vector<16xi32>
    %reduce_sum3A_44 = arith.constant true
    %reduce_sum3A_45 = vector.broadcast %reduce_sum3A_44 : i1 to vector<16xi1>
    %reduce_sum3A_46 = tpu.scan <sum>, %scan3A_15#3 masked %reduce_sum3A_45 : vector<16xf32>, vector<16xi1> -> vector<16xf32>
    %reduce_sum3A_47 = vector.extract %reduce_sum3A_46[15] : f32 from vector<16xf32>
    %broadcast_in_dim3A_48 = vector.broadcast %reduce_sum3A_47 : f32 to vector<16xf32>
    %select_n3A_49 = arith.select %eq3A_43, %broadcast_in_dim3A_48, %select_n3A_40 : vector<16xi1>, vector<16xf32>
    %scan3A_50 = arith.constant 0 : i32
    %scan3A_51 = arith.constant 192 : i32
    %scan3A_52 = arith.addi %scan3A_50, %scan3A_51 : i32
    %scan3A_53 = arith.constant 8 : i32
    %scan3A_54:4 = scf.for %scan3A_351 = %scan3A_50 to %scan3A_52 step %scan3A_53 iter_args(%scan3A_352 = %broadcast_in_dim3A_10, %scan3A_353 = %broadcast_in_dim3A_10, %scan3A_354 = %broadcast_in_dim3A_10, %scan3A_355 = %broadcast_in_dim3A_10) -> (vector<16xf32>, vector<16xf32>, vector<16xf32>, vector<16xf32>)  : i32 {
      %mul3A_356 = arith.constant 16 : i32
      %mul3A_357 = arith.muli %scan3A_351, %mul3A_356 : i32
      %multiple_of3A = tpu.assume_multiple %mul3A_357, 16 : i32
      %get3A = arith.index_cast %multiple_of3A : i32 to index
      %get3A_358 = tpu.vector_load %arg6[%get3A] {strides = array<i32>} : memref<3072xf32, #tpu.memory_space<vmem>>, vector<16xf32>,
      %add3A_359 = arith.constant 12292 : i32
      %add3A_360 = arith.addi %add3A_359, %multiple_of3A : i32
      %get3A_361 = arith.index_cast %add3A_360 : i32 to index
      %get3A_362 = tpu.vector_load %arg7[%get3A_361] {strides = array<i32>} : memref<49168xf32, #tpu.memory_space<vmem>>, vector<16xf32>,
      %mul3A_363 = arith.mulf %get3A_362, %get3A_358 : vector<16xf32>
      %add3A_364 = arith.addf %scan3A_352, %mul3A_363 : vector<16xf32>
      %add3A_365 = arith.constant 15365 : i32
      %add3A_366 = arith.addi %add3A_365, %multiple_of3A : i32
      %get3A_367 = arith.index_cast %add3A_366 : i32 to index
      %get3A_368 = tpu.vector_load %arg7[%get3A_367] {strides = array<i32>} : memref<49168xf32, #tpu.memory_space<vmem>>, vector<16xf32>,
      %mul3A_369 = arith.mulf %get3A_368, %get3A_358 : vector<16xf32>
      %add3A_370 = arith.addf %scan3A_353, %mul3A_369 : vector<16xf32>
      %add3A_371 = arith.constant 18438 : i32
      %add3A_372 = arith.addi %add3A_371, %multiple_of3A : i32
      %get3A_373 = arith.index_cast %add3A_372 : i32 to index
      %get3A_374 = tpu.vector_load %arg7[%get3A_373] {strides = array<i32>} : memref<49168xf32, #tpu.memory_space<vmem>>, vector<16xf32>,
      %mul3A_375 = arith.mulf %get3A_374, %get3A_358 : vector<16xf32>
      %add3A_376 = arith.addf %scan3A_354, %mul3A_375 : vector<16xf32>
      %add3A_377 = arith.constant 21511 : i32
      %add3A_378 = arith.addi %add3A_377, %multiple_of3A : i32
      %get3A_379 = arith.index_cast %add3A_378 : i32 to index
      %get3A_380 = tpu.vector_load %arg7[%get3A_379] {strides = array<i32>} : memref<49168xf32, #tpu.memory_space<vmem>>, vector<16xf32>,
      %mul3A_381 = arith.mulf %get3A_380, %get3A_358 : vector<16xf32>
      %add3A_382 = arith.addf %scan3A_355, %mul3A_381 : vector<16xf32>
      %scan3A_383 = arith.constant 1 : i32
      %scan3A_384 = arith.addi %scan3A_351, %scan3A_383 : i32
      %mul3A_385 = arith.constant 16 : i32
      %mul3A_386 = arith.muli %scan3A_384, %mul3A_385 : i32
      %multiple_of3A_387 = tpu.assume_multiple %mul3A_386, 16 : i32
      %get3A_388 = arith.index_cast %multiple_of3A_387 : i32 to index
      %get3A_389 = tpu.vector_load %arg6[%get3A_388] {strides = array<i32>} : memref<3072xf32, #tpu.memory_space<vmem>>, vector<16xf32>,
      %add3A_390 = arith.constant 12292 : i32
      %add3A_391 = arith.addi %add3A_390, %multiple_of3A_387 : i32
      %get3A_392 = arith.index_cast %add3A_391 : i32 to index
      %get3A_393 = tpu.vector_load %arg7[%get3A_392] {strides = array<i32>} : memref<49168xf32, #tpu.memory_space<vmem>>, vector<16xf32>,
      %mul3A_394 = arith.mulf %get3A_393, %get3A_389 : vector<16xf32>
      %add3A_395 = arith.addf %add3A_364, %mul3A_394 : vector<16xf32>
      %add3A_396 = arith.constant 15365 : i32
      %add3A_397 = arith.addi %add3A_396, %multiple_of3A_387 : i32
      %get3A_398 = arith.index_cast %add3A_397 : i32 to index
      %get3A_399 = tpu.vector_load %arg7[%get3A_398] {strides = array<i32>} : memref<49168xf32, #tpu.memory_space<vmem>>, vector<16xf32>,
      %mul3A_400 = arith.mulf %get3A_399, %get3A_389 : vector<16xf32>
      %add3A_401 = arith.addf %add3A_370, %mul3A_400 : vector<16xf32>
      %add3A_402 = arith.constant 18438 : i32
      %add3A_403 = arith.addi %add3A_402, %multiple_of3A_387 : i32
      %get3A_404 = arith.index_cast %add3A_403 : i32 to index
      %get3A_405 = tpu.vector_load %arg7[%get3A_404] {strides = array<i32>} : memref<49168xf32, #tpu.memory_space<vmem>>, vector<16xf32>,
      %mul3A_406 = arith.mulf %get3A_405, %get3A_389 : vector<16xf32>
      %add3A_407 = arith.addf %add3A_376, %mul3A_406 : vector<16xf32>
      %add3A_408 = arith.constant 21511 : i32
      %add3A_409 = arith.addi %add3A_408, %multiple_of3A_387 : i32
      %get3A_410 = arith.index_cast %add3A_409 : i32 to index
      %get3A_411 = tpu.vector_load %arg7[%get3A_410] {strides = array<i32>} : memref<49168xf32, #tpu.memory_space<vmem>>, vector<16xf32>,
      %mul3A_412 = arith.mulf %get3A_411, %get3A_389 : vector<16xf32>
      %add3A_413 = arith.addf %add3A_382, %mul3A_412 : vector<16xf32>
      %scan3A_414 = arith.constant 2 : i32
      %scan3A_415 = arith.addi %scan3A_351, %scan3A_414 : i32
      %mul3A_416 = arith.constant 16 : i32
      %mul3A_417 = arith.muli %scan3A_415, %mul3A_416 : i32
      %multiple_of3A_418 = tpu.assume_multiple %mul3A_417, 16 : i32
      %get3A_419 = arith.index_cast %multiple_of3A_418 : i32 to index
      %get3A_420 = tpu.vector_load %arg6[%get3A_419] {strides = array<i32>} : memref<3072xf32, #tpu.memory_space<vmem>>, vector<16xf32>,
      %add3A_421 = arith.constant 12292 : i32
      %add3A_422 = arith.addi %add3A_421, %multiple_of3A_418 : i32
      %get3A_423 = arith.index_cast %add3A_422 : i32 to index
      %get3A_424 = tpu.vector_load %arg7[%get3A_423] {strides = array<i32>} : memref<49168xf32, #tpu.memory_space<vmem>>, vector<16xf32>,
      %mul3A_425 = arith.mulf %get3A_424, %get3A_420 : vector<16xf32>
      %add3A_426 = arith.addf %add3A_395, %mul3A_425 : vector<16xf32>
      %add3A_427 = arith.constant 15365 : i32
      %add3A_428 = arith.addi %add3A_427, %multiple_of3A_418 : i32
      %get3A_429 = arith.index_cast %add3A_428 : i32 to index
      %get3A_430 = tpu.vector_load %arg7[%get3A_429] {strides = array<i32>} : memref<49168xf32, #tpu.memory_space<vmem>>, vector<16xf32>,
      %mul3A_431 = arith.mulf %get3A_430, %get3A_420 : vector<16xf32>
      %add3A_432 = arith.addf %add3A_401, %mul3A_431 : vector<16xf32>
      %add3A_433 = arith.constant 18438 : i32
      %add3A_434 = arith.addi %add3A_433, %multiple_of3A_418 : i32
      %get3A_435 = arith.index_cast %add3A_434 : i32 to index
      %get3A_436 = tpu.vector_load %arg7[%get3A_435] {strides = array<i32>} : memref<49168xf32, #tpu.memory_space<vmem>>, vector<16xf32>,
      %mul3A_437 = arith.mulf %get3A_436, %get3A_420 : vector<16xf32>
      %add3A_438 = arith.addf %add3A_407, %mul3A_437 : vector<16xf32>
      %add3A_439 = arith.constant 21511 : i32
      %add3A_440 = arith.addi %add3A_439, %multiple_of3A_418 : i32
      %get3A_441 = arith.index_cast %add3A_440 : i32 to index
      %get3A_442 = tpu.vector_load %arg7[%get3A_441] {strides = array<i32>} : memref<49168xf32, #tpu.memory_space<vmem>>, vector<16xf32>,
      %mul3A_443 = arith.mulf %get3A_442, %get3A_420 : vector<16xf32>
      %add3A_444 = arith.addf %add3A_413, %mul3A_443 : vector<16xf32>
      %scan3A_445 = arith.constant 3 : i32
      %scan3A_446 = arith.addi %scan3A_351, %scan3A_445 : i32
      %mul3A_447 = arith.constant 16 : i32
      %mul3A_448 = arith.muli %scan3A_446, %mul3A_447 : i32
      %multiple_of3A_449 = tpu.assume_multiple %mul3A_448, 16 : i32
      %get3A_450 = arith.index_cast %multiple_of3A_449 : i32 to index
      %get3A_451 = tpu.vector_load %arg6[%get3A_450] {strides = array<i32>} : memref<3072xf32, #tpu.memory_space<vmem>>, vector<16xf32>,
      %add3A_452 = arith.constant 12292 : i32
      %add3A_453 = arith.addi %add3A_452, %multiple_of3A_449 : i32
      %get3A_454 = arith.index_cast %add3A_453 : i32 to index
      %get3A_455 = tpu.vector_load %arg7[%get3A_454] {strides = array<i32>} : memref<49168xf32, #tpu.memory_space<vmem>>, vector<16xf32>,
      %mul3A_456 = arith.mulf %get3A_455, %get3A_451 : vector<16xf32>
      %add3A_457 = arith.addf %add3A_426, %mul3A_456 : vector<16xf32>
      %add3A_458 = arith.constant 15365 : i32
      %add3A_459 = arith.addi %add3A_458, %multiple_of3A_449 : i32
      %get3A_460 = arith.index_cast %add3A_459 : i32 to index
      %get3A_461 = tpu.vector_load %arg7[%get3A_460] {strides = array<i32>} : memref<49168xf32, #tpu.memory_space<vmem>>, vector<16xf32>,
      %mul3A_462 = arith.mulf %get3A_461, %get3A_451 : vector<16xf32>
      %add3A_463 = arith.addf %add3A_432, %mul3A_462 : vector<16xf32>
      %add3A_464 = arith.constant 18438 : i32
      %add3A_465 = arith.addi %add3A_464, %multiple_of3A_449 : i32
      %get3A_466 = arith.index_cast %add3A_465 : i32 to index
      %get3A_467 = tpu.vector_load %arg7[%get3A_466] {strides = array<i32>} : memref<49168xf32, #tpu.memory_space<vmem>>, vector<16xf32>,
      %mul3A_468 = arith.mulf %get3A_467, %get3A_451 : vector<16xf32>
      %add3A_469 = arith.addf %add3A_438, %mul3A_468 : vector<16xf32>
      %add3A_470 = arith.constant 21511 : i32
      %add3A_471 = arith.addi %add3A_470, %multiple_of3A_449 : i32
      %get3A_472 = arith.index_cast %add3A_471 : i32 to index
      %get3A_473 = tpu.vector_load %arg7[%get3A_472] {strides = array<i32>} : memref<49168xf32, #tpu.memory_space<vmem>>, vector<16xf32>,
      %mul3A_474 = arith.mulf %get3A_473, %get3A_451 : vector<16xf32>
      %add3A_475 = arith.addf %add3A_444, %mul3A_474 : vector<16xf32>
      %scan3A_476 = arith.constant 4 : i32
      %scan3A_477 = arith.addi %scan3A_351, %scan3A_476 : i32
      %mul3A_478 = arith.constant 16 : i32
      %mul3A_479 = arith.muli %scan3A_477, %mul3A_478 : i32
      %multiple_of3A_480 = tpu.assume_multiple %mul3A_479, 16 : i32
      %get3A_481 = arith.index_cast %multiple_of3A_480 : i32 to index
      %get3A_482 = tpu.vector_load %arg6[%get3A_481] {strides = array<i32>} : memref<3072xf32, #tpu.memory_space<vmem>>, vector<16xf32>,
      %add3A_483 = arith.constant 12292 : i32
      %add3A_484 = arith.addi %add3A_483, %multiple_of3A_480 : i32
      %get3A_485 = arith.index_cast %add3A_484 : i32 to index
      %get3A_486 = tpu.vector_load %arg7[%get3A_485] {strides = array<i32>} : memref<49168xf32, #tpu.memory_space<vmem>>, vector<16xf32>,
      %mul3A_487 = arith.mulf %get3A_486, %get3A_482 : vector<16xf32>
      %add3A_488 = arith.addf %add3A_457, %mul3A_487 : vector<16xf32>
      %add3A_489 = arith.constant 15365 : i32
      %add3A_490 = arith.addi %add3A_489, %multiple_of3A_480 : i32
      %get3A_491 = arith.index_cast %add3A_490 : i32 to index
      %get3A_492 = tpu.vector_load %arg7[%get3A_491] {strides = array<i32>} : memref<49168xf32, #tpu.memory_space<vmem>>, vector<16xf32>,
      %mul3A_493 = arith.mulf %get3A_492, %get3A_482 : vector<16xf32>
      %add3A_494 = arith.addf %add3A_463, %mul3A_493 : vector<16xf32>
      %add3A_495 = arith.constant 18438 : i32
      %add3A_496 = arith.addi %add3A_495, %multiple_of3A_480 : i32
      %get3A_497 = arith.index_cast %add3A_496 : i32 to index
      %get3A_498 = tpu.vector_load %arg7[%get3A_497] {strides = array<i32>} : memref<49168xf32, #tpu.memory_space<vmem>>, vector<16xf32>,
      %mul3A_499 = arith.mulf %get3A_498, %get3A_482 : vector<16xf32>
      %add3A_500 = arith.addf %add3A_469, %mul3A_499 : vector<16xf32>
      %add3A_501 = arith.constant 21511 : i32
      %add3A_502 = arith.addi %add3A_501, %multiple_of3A_480 : i32
      %get3A_503 = arith.index_cast %add3A_502 : i32 to index
      %get3A_504 = tpu.vector_load %arg7[%get3A_503] {strides = array<i32>} : memref<49168xf32, #tpu.memory_space<vmem>>, vector<16xf32>,
      %mul3A_505 = arith.mulf %get3A_504, %get3A_482 : vector<16xf32>
      %add3A_506 = arith.addf %add3A_475, %mul3A_505 : vector<16xf32>
      %scan3A_507 = arith.constant 5 : i32
      %scan3A_508 = arith.addi %scan3A_351, %scan3A_507 : i32
      %mul3A_509 = arith.constant 16 : i32
      %mul3A_510 = arith.muli %scan3A_508, %mul3A_509 : i32
      %multiple_of3A_511 = tpu.assume_multiple %mul3A_510, 16 : i32
      %get3A_512 = arith.index_cast %multiple_of3A_511 : i32 to index
      %get3A_513 = tpu.vector_load %arg6[%get3A_512] {strides = array<i32>} : memref<3072xf32, #tpu.memory_space<vmem>>, vector<16xf32>,
      %add3A_514 = arith.constant 12292 : i32
      %add3A_515 = arith.addi %add3A_514, %multiple_of3A_511 : i32
      %get3A_516 = arith.index_cast %add3A_515 : i32 to index
      %get3A_517 = tpu.vector_load %arg7[%get3A_516] {strides = array<i32>} : memref<49168xf32, #tpu.memory_space<vmem>>, vector<16xf32>,
      %mul3A_518 = arith.mulf %get3A_517, %get3A_513 : vector<16xf32>
      %add3A_519 = arith.addf %add3A_488, %mul3A_518 : vector<16xf32>
      %add3A_520 = arith.constant 15365 : i32
      %add3A_521 = arith.addi %add3A_520, %multiple_of3A_511 : i32
      %get3A_522 = arith.index_cast %add3A_521 : i32 to index
      %get3A_523 = tpu.vector_load %arg7[%get3A_522] {strides = array<i32>} : memref<49168xf32, #tpu.memory_space<vmem>>, vector<16xf32>,
      %mul3A_524 = arith.mulf %get3A_523, %get3A_513 : vector<16xf32>
      %add3A_525 = arith.addf %add3A_494, %mul3A_524 : vector<16xf32>
      %add3A_526 = arith.constant 18438 : i32
      %add3A_527 = arith.addi %add3A_526, %multiple_of3A_511 : i32
      %get3A_528 = arith.index_cast %add3A_527 : i32 to index
      %get3A_529 = tpu.vector_load %arg7[%get3A_528] {strides = array<i32>} : memref<49168xf32, #tpu.memory_space<vmem>>, vector<16xf32>,
      %mul3A_530 = arith.mulf %get3A_529, %get3A_513 : vector<16xf32>
      %add3A_531 = arith.addf %add3A_500, %mul3A_530 : vector<16xf32>
      %add3A_532 = arith.constant 21511 : i32
      %add3A_533 = arith.addi %add3A_532, %multiple_of3A_511 : i32
      %get3A_534 = arith.index_cast %add3A_533 : i32 to index
      %get3A_535 = tpu.vector_load %arg7[%get3A_534] {strides = array<i32>} : memref<49168xf32, #tpu.memory_space<vmem>>, vector<16xf32>,
      %mul3A_536 = arith.mulf %get3A_535, %get3A_513 : vector<16xf32>
      %add3A_537 = arith.addf %add3A_506, %mul3A_536 : vector<16xf32>
      %scan3A_538 = arith.constant 6 : i32
      %scan3A_539 = arith.addi %scan3A_351, %scan3A_538 : i32
      %mul3A_540 = arith.constant 16 : i32
      %mul3A_541 = arith.muli %scan3A_539, %mul3A_540 : i32
      %multiple_of3A_542 = tpu.assume_multiple %mul3A_541, 16 : i32
      %get3A_543 = arith.index_cast %multiple_of3A_542 : i32 to index
      %get3A_544 = tpu.vector_load %arg6[%get3A_543] {strides = array<i32>} : memref<3072xf32, #tpu.memory_space<vmem>>, vector<16xf32>,
      %add3A_545 = arith.constant 12292 : i32
      %add3A_546 = arith.addi %add3A_545, %multiple_of3A_542 : i32
      %get3A_547 = arith.index_cast %add3A_546 : i32 to index
      %get3A_548 = tpu.vector_load %arg7[%get3A_547] {strides = array<i32>} : memref<49168xf32, #tpu.memory_space<vmem>>, vector<16xf32>,
      %mul3A_549 = arith.mulf %get3A_548, %get3A_544 : vector<16xf32>
      %add3A_550 = arith.addf %add3A_519, %mul3A_549 : vector<16xf32>
      %add3A_551 = arith.constant 15365 : i32
      %add3A_552 = arith.addi %add3A_551, %multiple_of3A_542 : i32
      %get3A_553 = arith.index_cast %add3A_552 : i32 to index
      %get3A_554 = tpu.vector_load %arg7[%get3A_553] {strides = array<i32>} : memref<49168xf32, #tpu.memory_space<vmem>>, vector<16xf32>,
      %mul3A_555 = arith.mulf %get3A_554, %get3A_544 : vector<16xf32>
      %add3A_556 = arith.addf %add3A_525, %mul3A_555 : vector<16xf32>
      %add3A_557 = arith.constant 18438 : i32
      %add3A_558 = arith.addi %add3A_557, %multiple_of3A_542 : i32
      %get3A_559 = arith.index_cast %add3A_558 : i32 to index
      %get3A_560 = tpu.vector_load %arg7[%get3A_559] {strides = array<i32>} : memref<49168xf32, #tpu.memory_space<vmem>>, vector<16xf32>,
      %mul3A_561 = arith.mulf %get3A_560, %get3A_544 : vector<16xf32>
      %add3A_562 = arith.addf %add3A_531, %mul3A_561 : vector<16xf32>
      %add3A_563 = arith.constant 21511 : i32
      %add3A_564 = arith.addi %add3A_563, %multiple_of3A_542 : i32
      %get3A_565 = arith.index_cast %add3A_564 : i32 to index
      %get3A_566 = tpu.vector_load %arg7[%get3A_565] {strides = array<i32>} : memref<49168xf32, #tpu.memory_space<vmem>>, vector<16xf32>,
      %mul3A_567 = arith.mulf %get3A_566, %get3A_544 : vector<16xf32>
      %add3A_568 = arith.addf %add3A_537, %mul3A_567 : vector<16xf32>
      %scan3A_569 = arith.constant 7 : i32
      %scan3A_570 = arith.addi %scan3A_351, %scan3A_569 : i32
      %mul3A_571 = arith.constant 16 : i32
      %mul3A_572 = arith.muli %scan3A_570, %mul3A_571 : i32
      %multiple_of3A_573 = tpu.assume_multiple %mul3A_572, 16 : i32
      %get3A_574 = arith.index_cast %multiple_of3A_573 : i32 to index
      %get3A_575 = tpu.vector_load %arg6[%get3A_574] {strides = array<i32>} : memref<3072xf32, #tpu.memory_space<vmem>>, vector<16xf32>,
      %add3A_576 = arith.constant 12292 : i32
      %add3A_577 = arith.addi %add3A_576, %multiple_of3A_573 : i32
      %get3A_578 = arith.index_cast %add3A_577 : i32 to index
      %get3A_579 = tpu.vector_load %arg7[%get3A_578] {strides = array<i32>} : memref<49168xf32, #tpu.memory_space<vmem>>, vector<16xf32>,
      %mul3A_580 = arith.mulf %get3A_579, %get3A_575 : vector<16xf32>
      %add3A_581 = arith.addf %add3A_550, %mul3A_580 : vector<16xf32>
      %add3A_582 = arith.constant 15365 : i32
      %add3A_583 = arith.addi %add3A_582, %multiple_of3A_573 : i32
      %get3A_584 = arith.index_cast %add3A_583 : i32 to index
      %get3A_585 = tpu.vector_load %arg7[%get3A_584] {strides = array<i32>} : memref<49168xf32, #tpu.memory_space<vmem>>, vector<16xf32>,
      %mul3A_586 = arith.mulf %get3A_585, %get3A_575 : vector<16xf32>
      %add3A_587 = arith.addf %add3A_556, %mul3A_586 : vector<16xf32>
      %add3A_588 = arith.constant 18438 : i32
      %add3A_589 = arith.addi %add3A_588, %multiple_of3A_573 : i32
      %get3A_590 = arith.index_cast %add3A_589 : i32 to index
      %get3A_591 = tpu.vector_load %arg7[%get3A_590] {strides = array<i32>} : memref<49168xf32, #tpu.memory_space<vmem>>, vector<16xf32>,
      %mul3A_592 = arith.mulf %get3A_591, %get3A_575 : vector<16xf32>
      %add3A_593 = arith.addf %add3A_562, %mul3A_592 : vector<16xf32>
      %add3A_594 = arith.constant 21511 : i32
      %add3A_595 = arith.addi %add3A_594, %multiple_of3A_573 : i32
      %get3A_596 = arith.index_cast %add3A_595 : i32 to index
      %get3A_597 = tpu.vector_load %arg7[%get3A_596] {strides = array<i32>} : memref<49168xf32, #tpu.memory_space<vmem>>, vector<16xf32>,
      %mul3A_598 = arith.mulf %get3A_597, %get3A_575 : vector<16xf32>
      %add3A_599 = arith.addf %add3A_568, %mul3A_598 : vector<16xf32>
      scf.yield %add3A_581, %add3A_587, %add3A_593, %add3A_599 : vector<16xf32>, vector<16xf32>, vector<16xf32>, vector<16xf32>
    }
    %scan3A_55 = arith.constant 192 : i32
    %eq3A_56 = arith.constant 4 : i32
    %eq3A_57 = vector.broadcast %eq3A_56 : i32 to vector<16xi32>
    %eq3A_58 = arith.cmpi eq, %iota3A, %eq3A_57 : vector<16xi32>
    %reduce_sum3A_59 = arith.constant true
    %reduce_sum3A_60 = vector.broadcast %reduce_sum3A_59 : i1 to vector<16xi1>
    %reduce_sum3A_61 = tpu.scan <sum>, %scan3A_54#0 masked %reduce_sum3A_60 : vector<16xf32>, vector<16xi1> -> vector<16xf32>
    %reduce_sum3A_62 = vector.extract %reduce_sum3A_61[15] : f32 from vector<16xf32>
    %broadcast_in_dim3A_63 = vector.broadcast %reduce_sum3A_62 : f32 to vector<16xf32>
    %select_n3A_64 = arith.select %eq3A_58, %broadcast_in_dim3A_63, %select_n3A_49 : vector<16xi1>, vector<16xf32>
    %eq3A_65 = arith.constant 5 : i32
    %eq3A_66 = vector.broadcast %eq3A_65 : i32 to vector<16xi32>
    %eq3A_67 = arith.cmpi eq, %iota3A, %eq3A_66 : vector<16xi32>
    %reduce_sum3A_68 = arith.constant true
    %reduce_sum3A_69 = vector.broadcast %reduce_sum3A_68 : i1 to vector<16xi1>
    %reduce_sum3A_70 = tpu.scan <sum>, %scan3A_54#1 masked %reduce_sum3A_69 : vector<16xf32>, vector<16xi1> -> vector<16xf32>
    %reduce_sum3A_71 = vector.extract %reduce_sum3A_70[15] : f32 from vector<16xf32>
    %broadcast_in_dim3A_72 = vector.broadcast %reduce_sum3A_71 : f32 to vector<16xf32>
    %select_n3A_73 = arith.select %eq3A_67, %broadcast_in_dim3A_72, %select_n3A_64 : vector<16xi1>, vector<16xf32>
    %eq3A_74 = arith.constant 6 : i32
    %eq3A_75 = vector.broadcast %eq3A_74 : i32 to vector<16xi32>
    %eq3A_76 = arith.cmpi eq, %iota3A, %eq3A_75 : vector<16xi32>
    %reduce_sum3A_77 = arith.constant true
    %reduce_sum3A_78 = vector.broadcast %reduce_sum3A_77 : i1 to vector<16xi1>
    %reduce_sum3A_79 = tpu.scan <sum>, %scan3A_54#2 masked %reduce_sum3A_78 : vector<16xf32>, vector<16xi1> -> vector<16xf32>
    %reduce_sum3A_80 = vector.extract %reduce_sum3A_79[15] : f32 from vector<16xf32>
    %broadcast_in_dim3A_81 = vector.broadcast %reduce_sum3A_80 : f32 to vector<16xf32>
    %select_n3A_82 = arith.select %eq3A_76, %broadcast_in_dim3A_81, %select_n3A_73 : vector<16xi1>, vector<16xf32>
    %eq3A_83 = arith.constant 7 : i32
    %eq3A_84 = vector.broadcast %eq3A_83 : i32 to vector<16xi32>
    %eq3A_85 = arith.cmpi eq, %iota3A, %eq3A_84 : vector<16xi32>
    %reduce_sum3A_86 = arith.constant true
    %reduce_sum3A_87 = vector.broadcast %reduce_sum3A_86 : i1 to vector<16xi1>
    %reduce_sum3A_88 = tpu.scan <sum>, %scan3A_54#3 masked %reduce_sum3A_87 : vector<16xf32>, vector<16xi1> -> vector<16xf32>
    %reduce_sum3A_89 = vector.extract %reduce_sum3A_88[15] : f32 from vector<16xf32>
    %broadcast_in_dim3A_90 = vector.broadcast %reduce_sum3A_89 : f32 to vector<16xf32>
    %select_n3A_91 = arith.select %eq3A_85, %broadcast_in_dim3A_90, %select_n3A_82 : vector<16xi1>, vector<16xf32>
    %scan3A_92 = arith.constant 0 : i32
    %scan3A_93 = arith.constant 192 : i32
    %scan3A_94 = arith.addi %scan3A_92, %scan3A_93 : i32
    %scan3A_95 = arith.constant 8 : i32
    %scan3A_96:4 = scf.for %scan3A_351 = %scan3A_92 to %scan3A_94 step %scan3A_95 iter_args(%scan3A_352 = %broadcast_in_dim3A_10, %scan3A_353 = %broadcast_in_dim3A_10, %scan3A_354 = %broadcast_in_dim3A_10, %scan3A_355 = %broadcast_in_dim3A_10) -> (vector<16xf32>, vector<16xf32>, vector<16xf32>, vector<16xf32>)  : i32 {
      %mul3A_356 = arith.constant 16 : i32
      %mul3A_357 = arith.muli %scan3A_351, %mul3A_356 : i32
      %multiple_of3A = tpu.assume_multiple %mul3A_357, 16 : i32
      %get3A = arith.index_cast %multiple_of3A : i32 to index
      %get3A_358 = tpu.vector_load %arg6[%get3A] {strides = array<i32>} : memref<3072xf32, #tpu.memory_space<vmem>>, vector<16xf32>,
      %add3A_359 = arith.constant 24584 : i32
      %add3A_360 = arith.addi %add3A_359, %multiple_of3A : i32
      %get3A_361 = arith.index_cast %add3A_360 : i32 to index
      %get3A_362 = tpu.vector_load %arg7[%get3A_361] {strides = array<i32>} : memref<49168xf32, #tpu.memory_space<vmem>>, vector<16xf32>,
      %mul3A_363 = arith.mulf %get3A_362, %get3A_358 : vector<16xf32>
      %add3A_364 = arith.addf %scan3A_352, %mul3A_363 : vector<16xf32>
      %add3A_365 = arith.constant 27657 : i32
      %add3A_366 = arith.addi %add3A_365, %multiple_of3A : i32
      %get3A_367 = arith.index_cast %add3A_366 : i32 to index
      %get3A_368 = tpu.vector_load %arg7[%get3A_367] {strides = array<i32>} : memref<49168xf32, #tpu.memory_space<vmem>>, vector<16xf32>,
      %mul3A_369 = arith.mulf %get3A_368, %get3A_358 : vector<16xf32>
      %add3A_370 = arith.addf %scan3A_353, %mul3A_369 : vector<16xf32>
      %add3A_371 = arith.constant 30730 : i32
      %add3A_372 = arith.addi %add3A_371, %multiple_of3A : i32
      %get3A_373 = arith.index_cast %add3A_372 : i32 to index
      %get3A_374 = tpu.vector_load %arg7[%get3A_373] {strides = array<i32>} : memref<49168xf32, #tpu.memory_space<vmem>>, vector<16xf32>,
      %mul3A_375 = arith.mulf %get3A_374, %get3A_358 : vector<16xf32>
      %add3A_376 = arith.addf %scan3A_354, %mul3A_375 : vector<16xf32>
      %add3A_377 = arith.constant 33803 : i32
      %add3A_378 = arith.addi %add3A_377, %multiple_of3A : i32
      %get3A_379 = arith.index_cast %add3A_378 : i32 to index
      %get3A_380 = tpu.vector_load %arg7[%get3A_379] {strides = array<i32>} : memref<49168xf32, #tpu.memory_space<vmem>>, vector<16xf32>,
      %mul3A_381 = arith.mulf %get3A_380, %get3A_358 : vector<16xf32>
      %add3A_382 = arith.addf %scan3A_355, %mul3A_381 : vector<16xf32>
      %scan3A_383 = arith.constant 1 : i32
      %scan3A_384 = arith.addi %scan3A_351, %scan3A_383 : i32
      %mul3A_385 = arith.constant 16 : i32
      %mul3A_386 = arith.muli %scan3A_384, %mul3A_385 : i32
      %multiple_of3A_387 = tpu.assume_multiple %mul3A_386, 16 : i32
      %get3A_388 = arith.index_cast %multiple_of3A_387 : i32 to index
      %get3A_389 = tpu.vector_load %arg6[%get3A_388] {strides = array<i32>} : memref<3072xf32, #tpu.memory_space<vmem>>, vector<16xf32>,
      %add3A_390 = arith.constant 24584 : i32
      %add3A_391 = arith.addi %add3A_390, %multiple_of3A_387 : i32
      %get3A_392 = arith.index_cast %add3A_391 : i32 to index
      %get3A_393 = tpu.vector_load %arg7[%get3A_392] {strides = array<i32>} : memref<49168xf32, #tpu.memory_space<vmem>>, vector<16xf32>,
      %mul3A_394 = arith.mulf %get3A_393, %get3A_389 : vector<16xf32>
      %add3A_395 = arith.addf %add3A_364, %mul3A_394 : vector<16xf32>
      %add3A_396 = arith.constant 27657 : i32
      %add3A_397 = arith.addi %add3A_396, %multiple_of3A_387 : i32
      %get3A_398 = arith.index_cast %add3A_397 : i32 to index
      %get3A_399 = tpu.vector_load %arg7[%get3A_398] {strides = array<i32>} : memref<49168xf32, #tpu.memory_space<vmem>>, vector<16xf32>,
      %mul3A_400 = arith.mulf %get3A_399, %get3A_389 : vector<16xf32>
      %add3A_401 = arith.addf %add3A_370, %mul3A_400 : vector<16xf32>
      %add3A_402 = arith.constant 30730 : i32
      %add3A_403 = arith.addi %add3A_402, %multiple_of3A_387 : i32
      %get3A_404 = arith.index_cast %add3A_403 : i32 to index
      %get3A_405 = tpu.vector_load %arg7[%get3A_404] {strides = array<i32>} : memref<49168xf32, #tpu.memory_space<vmem>>, vector<16xf32>,
      %mul3A_406 = arith.mulf %get3A_405, %get3A_389 : vector<16xf32>
      %add3A_407 = arith.addf %add3A_376, %mul3A_406 : vector<16xf32>
      %add3A_408 = arith.constant 33803 : i32
      %add3A_409 = arith.addi %add3A_408, %multiple_of3A_387 : i32
      %get3A_410 = arith.index_cast %add3A_409 : i32 to index
      %get3A_411 = tpu.vector_load %arg7[%get3A_410] {strides = array<i32>} : memref<49168xf32, #tpu.memory_space<vmem>>, vector<16xf32>,
      %mul3A_412 = arith.mulf %get3A_411, %get3A_389 : vector<16xf32>
      %add3A_413 = arith.addf %add3A_382, %mul3A_412 : vector<16xf32>
      %scan3A_414 = arith.constant 2 : i32
      %scan3A_415 = arith.addi %scan3A_351, %scan3A_414 : i32
      %mul3A_416 = arith.constant 16 : i32
      %mul3A_417 = arith.muli %scan3A_415, %mul3A_416 : i32
      %multiple_of3A_418 = tpu.assume_multiple %mul3A_417, 16 : i32
      %get3A_419 = arith.index_cast %multiple_of3A_418 : i32 to index
      %get3A_420 = tpu.vector_load %arg6[%get3A_419] {strides = array<i32>} : memref<3072xf32, #tpu.memory_space<vmem>>, vector<16xf32>,
      %add3A_421 = arith.constant 24584 : i32
      %add3A_422 = arith.addi %add3A_421, %multiple_of3A_418 : i32
      %get3A_423 = arith.index_cast %add3A_422 : i32 to index
      %get3A_424 = tpu.vector_load %arg7[%get3A_423] {strides = array<i32>} : memref<49168xf32, #tpu.memory_space<vmem>>, vector<16xf32>,
      %mul3A_425 = arith.mulf %get3A_424, %get3A_420 : vector<16xf32>
      %add3A_426 = arith.addf %add3A_395, %mul3A_425 : vector<16xf32>
      %add3A_427 = arith.constant 27657 : i32
      %add3A_428 = arith.addi %add3A_427, %multiple_of3A_418 : i32
      %get3A_429 = arith.index_cast %add3A_428 : i32 to index
      %get3A_430 = tpu.vector_load %arg7[%get3A_429] {strides = array<i32>} : memref<49168xf32, #tpu.memory_space<vmem>>, vector<16xf32>,
      %mul3A_431 = arith.mulf %get3A_430, %get3A_420 : vector<16xf32>
      %add3A_432 = arith.addf %add3A_401, %mul3A_431 : vector<16xf32>
      %add3A_433 = arith.constant 30730 : i32
      %add3A_434 = arith.addi %add3A_433, %multiple_of3A_418 : i32
      %get3A_435 = arith.index_cast %add3A_434 : i32 to index
      %get3A_436 = tpu.vector_load %arg7[%get3A_435] {strides = array<i32>} : memref<49168xf32, #tpu.memory_space<vmem>>, vector<16xf32>,
      %mul3A_437 = arith.mulf %get3A_436, %get3A_420 : vector<16xf32>
      %add3A_438 = arith.addf %add3A_407, %mul3A_437 : vector<16xf32>
      %add3A_439 = arith.constant 33803 : i32
      %add3A_440 = arith.addi %add3A_439, %multiple_of3A_418 : i32
      %get3A_441 = arith.index_cast %add3A_440 : i32 to index
      %get3A_442 = tpu.vector_load %arg7[%get3A_441] {strides = array<i32>} : memref<49168xf32, #tpu.memory_space<vmem>>, vector<16xf32>,
      %mul3A_443 = arith.mulf %get3A_442, %get3A_420 : vector<16xf32>
      %add3A_444 = arith.addf %add3A_413, %mul3A_443 : vector<16xf32>
      %scan3A_445 = arith.constant 3 : i32
      %scan3A_446 = arith.addi %scan3A_351, %scan3A_445 : i32
      %mul3A_447 = arith.constant 16 : i32
      %mul3A_448 = arith.muli %scan3A_446, %mul3A_447 : i32
      %multiple_of3A_449 = tpu.assume_multiple %mul3A_448, 16 : i32
      %get3A_450 = arith.index_cast %multiple_of3A_449 : i32 to index
      %get3A_451 = tpu.vector_load %arg6[%get3A_450] {strides = array<i32>} : memref<3072xf32, #tpu.memory_space<vmem>>, vector<16xf32>,
      %add3A_452 = arith.constant 24584 : i32
      %add3A_453 = arith.addi %add3A_452, %multiple_of3A_449 : i32
      %get3A_454 = arith.index_cast %add3A_453 : i32 to index
      %get3A_455 = tpu.vector_load %arg7[%get3A_454] {strides = array<i32>} : memref<49168xf32, #tpu.memory_space<vmem>>, vector<16xf32>,
      %mul3A_456 = arith.mulf %get3A_455, %get3A_451 : vector<16xf32>
      %add3A_457 = arith.addf %add3A_426, %mul3A_456 : vector<16xf32>
      %add3A_458 = arith.constant 27657 : i32
      %add3A_459 = arith.addi %add3A_458, %multiple_of3A_449 : i32
      %get3A_460 = arith.index_cast %add3A_459 : i32 to index
      %get3A_461 = tpu.vector_load %arg7[%get3A_460] {strides = array<i32>} : memref<49168xf32, #tpu.memory_space<vmem>>, vector<16xf32>,
      %mul3A_462 = arith.mulf %get3A_461, %get3A_451 : vector<16xf32>
      %add3A_463 = arith.addf %add3A_432, %mul3A_462 : vector<16xf32>
      %add3A_464 = arith.constant 30730 : i32
      %add3A_465 = arith.addi %add3A_464, %multiple_of3A_449 : i32
      %get3A_466 = arith.index_cast %add3A_465 : i32 to index
      %get3A_467 = tpu.vector_load %arg7[%get3A_466] {strides = array<i32>} : memref<49168xf32, #tpu.memory_space<vmem>>, vector<16xf32>,
      %mul3A_468 = arith.mulf %get3A_467, %get3A_451 : vector<16xf32>
      %add3A_469 = arith.addf %add3A_438, %mul3A_468 : vector<16xf32>
      %add3A_470 = arith.constant 33803 : i32
      %add3A_471 = arith.addi %add3A_470, %multiple_of3A_449 : i32
      %get3A_472 = arith.index_cast %add3A_471 : i32 to index
      %get3A_473 = tpu.vector_load %arg7[%get3A_472] {strides = array<i32>} : memref<49168xf32, #tpu.memory_space<vmem>>, vector<16xf32>,
      %mul3A_474 = arith.mulf %get3A_473, %get3A_451 : vector<16xf32>
      %add3A_475 = arith.addf %add3A_444, %mul3A_474 : vector<16xf32>
      %scan3A_476 = arith.constant 4 : i32
      %scan3A_477 = arith.addi %scan3A_351, %scan3A_476 : i32
      %mul3A_478 = arith.constant 16 : i32
      %mul3A_479 = arith.muli %scan3A_477, %mul3A_478 : i32
      %multiple_of3A_480 = tpu.assume_multiple %mul3A_479, 16 : i32
      %get3A_481 = arith.index_cast %multiple_of3A_480 : i32 to index
      %get3A_482 = tpu.vector_load %arg6[%get3A_481] {strides = array<i32>} : memref<3072xf32, #tpu.memory_space<vmem>>, vector<16xf32>,
      %add3A_483 = arith.constant 24584 : i32
      %add3A_484 = arith.addi %add3A_483, %multiple_of3A_480 : i32
      %get3A_485 = arith.index_cast %add3A_484 : i32 to index
      %get3A_486 = tpu.vector_load %arg7[%get3A_485] {strides = array<i32>} : memref<49168xf32, #tpu.memory_space<vmem>>, vector<16xf32>,
      %mul3A_487 = arith.mulf %get3A_486, %get3A_482 : vector<16xf32>
      %add3A_488 = arith.addf %add3A_457, %mul3A_487 : vector<16xf32>
      %add3A_489 = arith.constant 27657 : i32
      %add3A_490 = arith.addi %add3A_489, %multiple_of3A_480 : i32
      %get3A_491 = arith.index_cast %add3A_490 : i32 to index
      %get3A_492 = tpu.vector_load %arg7[%get3A_491] {strides = array<i32>} : memref<49168xf32, #tpu.memory_space<vmem>>, vector<16xf32>,
      %mul3A_493 = arith.mulf %get3A_492, %get3A_482 : vector<16xf32>
      %add3A_494 = arith.addf %add3A_463, %mul3A_493 : vector<16xf32>
      %add3A_495 = arith.constant 30730 : i32
      %add3A_496 = arith.addi %add3A_495, %multiple_of3A_480 : i32
      %get3A_497 = arith.index_cast %add3A_496 : i32 to index
      %get3A_498 = tpu.vector_load %arg7[%get3A_497] {strides = array<i32>} : memref<49168xf32, #tpu.memory_space<vmem>>, vector<16xf32>,
      %mul3A_499 = arith.mulf %get3A_498, %get3A_482 : vector<16xf32>
      %add3A_500 = arith.addf %add3A_469, %mul3A_499 : vector<16xf32>
      %add3A_501 = arith.constant 33803 : i32
      %add3A_502 = arith.addi %add3A_501, %multiple_of3A_480 : i32
      %get3A_503 = arith.index_cast %add3A_502 : i32 to index
      %get3A_504 = tpu.vector_load %arg7[%get3A_503] {strides = array<i32>} : memref<49168xf32, #tpu.memory_space<vmem>>, vector<16xf32>,
      %mul3A_505 = arith.mulf %get3A_504, %get3A_482 : vector<16xf32>
      %add3A_506 = arith.addf %add3A_475, %mul3A_505 : vector<16xf32>
      %scan3A_507 = arith.constant 5 : i32
      %scan3A_508 = arith.addi %scan3A_351, %scan3A_507 : i32
      %mul3A_509 = arith.constant 16 : i32
      %mul3A_510 = arith.muli %scan3A_508, %mul3A_509 : i32
      %multiple_of3A_511 = tpu.assume_multiple %mul3A_510, 16 : i32
      %get3A_512 = arith.index_cast %multiple_of3A_511 : i32 to index
      %get3A_513 = tpu.vector_load %arg6[%get3A_512] {strides = array<i32>} : memref<3072xf32, #tpu.memory_space<vmem>>, vector<16xf32>,
      %add3A_514 = arith.constant 24584 : i32
      %add3A_515 = arith.addi %add3A_514, %multiple_of3A_511 : i32
      %get3A_516 = arith.index_cast %add3A_515 : i32 to index
      %get3A_517 = tpu.vector_load %arg7[%get3A_516] {strides = array<i32>} : memref<49168xf32, #tpu.memory_space<vmem>>, vector<16xf32>,
      %mul3A_518 = arith.mulf %get3A_517, %get3A_513 : vector<16xf32>
      %add3A_519 = arith.addf %add3A_488, %mul3A_518 : vector<16xf32>
      %add3A_520 = arith.constant 27657 : i32
      %add3A_521 = arith.addi %add3A_520, %multiple_of3A_511 : i32
      %get3A_522 = arith.index_cast %add3A_521 : i32 to index
      %get3A_523 = tpu.vector_load %arg7[%get3A_522] {strides = array<i32>} : memref<49168xf32, #tpu.memory_space<vmem>>, vector<16xf32>,
      %mul3A_524 = arith.mulf %get3A_523, %get3A_513 : vector<16xf32>
      %add3A_525 = arith.addf %add3A_494, %mul3A_524 : vector<16xf32>
      %add3A_526 = arith.constant 30730 : i32
      %add3A_527 = arith.addi %add3A_526, %multiple_of3A_511 : i32
      %get3A_528 = arith.index_cast %add3A_527 : i32 to index
      %get3A_529 = tpu.vector_load %arg7[%get3A_528] {strides = array<i32>} : memref<49168xf32, #tpu.memory_space<vmem>>, vector<16xf32>,
      %mul3A_530 = arith.mulf %get3A_529, %get3A_513 : vector<16xf32>
      %add3A_531 = arith.addf %add3A_500, %mul3A_530 : vector<16xf32>
      %add3A_532 = arith.constant 33803 : i32
      %add3A_533 = arith.addi %add3A_532, %multiple_of3A_511 : i32
      %get3A_534 = arith.index_cast %add3A_533 : i32 to index
      %get3A_535 = tpu.vector_load %arg7[%get3A_534] {strides = array<i32>} : memref<49168xf32, #tpu.memory_space<vmem>>, vector<16xf32>,
      %mul3A_536 = arith.mulf %get3A_535, %get3A_513 : vector<16xf32>
      %add3A_537 = arith.addf %add3A_506, %mul3A_536 : vector<16xf32>
      %scan3A_538 = arith.constant 6 : i32
      %scan3A_539 = arith.addi %scan3A_351, %scan3A_538 : i32
      %mul3A_540 = arith.constant 16 : i32
      %mul3A_541 = arith.muli %scan3A_539, %mul3A_540 : i32
      %multiple_of3A_542 = tpu.assume_multiple %mul3A_541, 16 : i32
      %get3A_543 = arith.index_cast %multiple_of3A_542 : i32 to index
      %get3A_544 = tpu.vector_load %arg6[%get3A_543] {strides = array<i32>} : memref<3072xf32, #tpu.memory_space<vmem>>, vector<16xf32>,
      %add3A_545 = arith.constant 24584 : i32
      %add3A_546 = arith.addi %add3A_545, %multiple_of3A_542 : i32
      %get3A_547 = arith.index_cast %add3A_546 : i32 to index
      %get3A_548 = tpu.vector_load %arg7[%get3A_547] {strides = array<i32>} : memref<49168xf32, #tpu.memory_space<vmem>>, vector<16xf32>,
      %mul3A_549 = arith.mulf %get3A_548, %get3A_544 : vector<16xf32>
      %add3A_550 = arith.addf %add3A_519, %mul3A_549 : vector<16xf32>
      %add3A_551 = arith.constant 27657 : i32
      %add3A_552 = arith.addi %add3A_551, %multiple_of3A_542 : i32
      %get3A_553 = arith.index_cast %add3A_552 : i32 to index
      %get3A_554 = tpu.vector_load %arg7[%get3A_553] {strides = array<i32>} : memref<49168xf32, #tpu.memory_space<vmem>>, vector<16xf32>,
      %mul3A_555 = arith.mulf %get3A_554, %get3A_544 : vector<16xf32>
      %add3A_556 = arith.addf %add3A_525, %mul3A_555 : vector<16xf32>
      %add3A_557 = arith.constant 30730 : i32
      %add3A_558 = arith.addi %add3A_557, %multiple_of3A_542 : i32
      %get3A_559 = arith.index_cast %add3A_558 : i32 to index
      %get3A_560 = tpu.vector_load %arg7[%get3A_559] {strides = array<i32>} : memref<49168xf32, #tpu.memory_space<vmem>>, vector<16xf32>,
      %mul3A_561 = arith.mulf %get3A_560, %get3A_544 : vector<16xf32>
      %add3A_562 = arith.addf %add3A_531, %mul3A_561 : vector<16xf32>
      %add3A_563 = arith.constant 33803 : i32
      %add3A_564 = arith.addi %add3A_563, %multiple_of3A_542 : i32
      %get3A_565 = arith.index_cast %add3A_564 : i32 to index
      %get3A_566 = tpu.vector_load %arg7[%get3A_565] {strides = array<i32>} : memref<49168xf32, #tpu.memory_space<vmem>>, vector<16xf32>,
      %mul3A_567 = arith.mulf %get3A_566, %get3A_544 : vector<16xf32>
      %add3A_568 = arith.addf %add3A_537, %mul3A_567 : vector<16xf32>
      %scan3A_569 = arith.constant 7 : i32
      %scan3A_570 = arith.addi %scan3A_351, %scan3A_569 : i32
      %mul3A_571 = arith.constant 16 : i32
      %mul3A_572 = arith.muli %scan3A_570, %mul3A_571 : i32
      %multiple_of3A_573 = tpu.assume_multiple %mul3A_572, 16 : i32
      %get3A_574 = arith.index_cast %multiple_of3A_573 : i32 to index
      %get3A_575 = tpu.vector_load %arg6[%get3A_574] {strides = array<i32>} : memref<3072xf32, #tpu.memory_space<vmem>>, vector<16xf32>,
      %add3A_576 = arith.constant 24584 : i32
      %add3A_577 = arith.addi %add3A_576, %multiple_of3A_573 : i32
      %get3A_578 = arith.index_cast %add3A_577 : i32 to index
      %get3A_579 = tpu.vector_load %arg7[%get3A_578] {strides = array<i32>} : memref<49168xf32, #tpu.memory_space<vmem>>, vector<16xf32>,
      %mul3A_580 = arith.mulf %get3A_579, %get3A_575 : vector<16xf32>
      %add3A_581 = arith.addf %add3A_550, %mul3A_580 : vector<16xf32>
      %add3A_582 = arith.constant 27657 : i32
      %add3A_583 = arith.addi %add3A_582, %multiple_of3A_573 : i32
      %get3A_584 = arith.index_cast %add3A_583 : i32 to index
      %get3A_585 = tpu.vector_load %arg7[%get3A_584] {strides = array<i32>} : memref<49168xf32, #tpu.memory_space<vmem>>, vector<16xf32>,
      %mul3A_586 = arith.mulf %get3A_585, %get3A_575 : vector<16xf32>
      %add3A_587 = arith.addf %add3A_556, %mul3A_586 : vector<16xf32>
      %add3A_588 = arith.constant 30730 : i32
      %add3A_589 = arith.addi %add3A_588, %multiple_of3A_573 : i32
      %get3A_590 = arith.index_cast %add3A_589 : i32 to index
      %get3A_591 = tpu.vector_load %arg7[%get3A_590] {strides = array<i32>} : memref<49168xf32, #tpu.memory_space<vmem>>, vector<16xf32>,
      %mul3A_592 = arith.mulf %get3A_591, %get3A_575 : vector<16xf32>
      %add3A_593 = arith.addf %add3A_562, %mul3A_592 : vector<16xf32>
      %add3A_594 = arith.constant 33803 : i32
      %add3A_595 = arith.addi %add3A_594, %multiple_of3A_573 : i32
      %get3A_596 = arith.index_cast %add3A_595 : i32 to index
      %get3A_597 = tpu.vector_load %arg7[%get3A_596] {strides = array<i32>} : memref<49168xf32, #tpu.memory_space<vmem>>, vector<16xf32>,
      %mul3A_598 = arith.mulf %get3A_597, %get3A_575 : vector<16xf32>
      %add3A_599 = arith.addf %add3A_568, %mul3A_598 : vector<16xf32>
      scf.yield %add3A_581, %add3A_587, %add3A_593, %add3A_599 : vector<16xf32>, vector<16xf32>, vector<16xf32>, vector<16xf32>
    }
    %scan3A_97 = arith.constant 192 : i32
    %eq3A_98 = arith.constant 8 : i32
    %eq3A_99 = vector.broadcast %eq3A_98 : i32 to vector<16xi32>
    %eq3A_100 = arith.cmpi eq, %iota3A, %eq3A_99 : vector<16xi32>
    %reduce_sum3A_101 = arith.constant true
    %reduce_sum3A_102 = vector.broadcast %reduce_sum3A_101 : i1 to vector<16xi1>
    %reduce_sum3A_103 = tpu.scan <sum>, %scan3A_96#0 masked %reduce_sum3A_102 : vector<16xf32>, vector<16xi1> -> vector<16xf32>
    %reduce_sum3A_104 = vector.extract %reduce_sum3A_103[15] : f32 from vector<16xf32>
    %broadcast_in_dim3A_105 = vector.broadcast %reduce_sum3A_104 : f32 to vector<16xf32>
    %select_n3A_106 = arith.select %eq3A_100, %broadcast_in_dim3A_105, %select_n3A_91 : vector<16xi1>, vector<16xf32>
    %eq3A_107 = arith.constant 9 : i32
    %eq3A_108 = vector.broadcast %eq3A_107 : i32 to vector<16xi32>
    %eq3A_109 = arith.cmpi eq, %iota3A, %eq3A_108 : vector<16xi32>
    %reduce_sum3A_110 = arith.constant true
    %reduce_sum3A_111 = vector.broadcast %reduce_sum3A_110 : i1 to vector<16xi1>
    %reduce_sum3A_112 = tpu.scan <sum>, %scan3A_96#1 masked %reduce_sum3A_111 : vector<16xf32>, vector<16xi1> -> vector<16xf32>
    %reduce_sum3A_113 = vector.extract %reduce_sum3A_112[15] : f32 from vector<16xf32>
    %broadcast_in_dim3A_114 = vector.broadcast %reduce_sum3A_113 : f32 to vector<16xf32>
    %select_n3A_115 = arith.select %eq3A_109, %broadcast_in_dim3A_114, %select_n3A_106 : vector<16xi1>, vector<16xf32>
    %eq3A_116 = arith.constant 10 : i32
    %eq3A_117 = vector.broadcast %eq3A_116 : i32 to vector<16xi32>
    %eq3A_118 = arith.cmpi eq, %iota3A, %eq3A_117 : vector<16xi32>
    %reduce_sum3A_119 = arith.constant true
    %reduce_sum3A_120 = vector.broadcast %reduce_sum3A_119 : i1 to vector<16xi1>
    %reduce_sum3A_121 = tpu.scan <sum>, %scan3A_96#2 masked %reduce_sum3A_120 : vector<16xf32>, vector<16xi1> -> vector<16xf32>
    %reduce_sum3A_122 = vector.extract %reduce_sum3A_121[15] : f32 from vector<16xf32>
    %broadcast_in_dim3A_123 = vector.broadcast %reduce_sum3A_122 : f32 to vector<16xf32>
    %select_n3A_124 = arith.select %eq3A_118, %broadcast_in_dim3A_123, %select_n3A_115 : vector<16xi1>, vector<16xf32>
    %eq3A_125 = arith.constant 11 : i32
    %eq3A_126 = vector.broadcast %eq3A_125 : i32 to vector<16xi32>
    %eq3A_127 = arith.cmpi eq, %iota3A, %eq3A_126 : vector<16xi32>
    %reduce_sum3A_128 = arith.constant true
    %reduce_sum3A_129 = vector.broadcast %reduce_sum3A_128 : i1 to vector<16xi1>
    %reduce_sum3A_130 = tpu.scan <sum>, %scan3A_96#3 masked %reduce_sum3A_129 : vector<16xf32>, vector<16xi1> -> vector<16xf32>
    %reduce_sum3A_131 = vector.extract %reduce_sum3A_130[15] : f32 from vector<16xf32>
    %broadcast_in_dim3A_132 = vector.broadcast %reduce_sum3A_131 : f32 to vector<16xf32>
    %select_n3A_133 = arith.select %eq3A_127, %broadcast_in_dim3A_132, %select_n3A_124 : vector<16xi1>, vector<16xf32>
    %scan3A_134 = arith.constant 0 : i32
    %scan3A_135 = arith.constant 192 : i32
    %scan3A_136 = arith.addi %scan3A_134, %scan3A_135 : i32
    %scan3A_137 = arith.constant 8 : i32
    %scan3A_138:4 = scf.for %scan3A_351 = %scan3A_134 to %scan3A_136 step %scan3A_137 iter_args(%scan3A_352 = %broadcast_in_dim3A_10, %scan3A_353 = %broadcast_in_dim3A_10, %scan3A_354 = %broadcast_in_dim3A_10, %scan3A_355 = %broadcast_in_dim3A_10) -> (vector<16xf32>, vector<16xf32>, vector<16xf32>, vector<16xf32>)  : i32 {
      %mul3A_356 = arith.constant 16 : i32
      %mul3A_357 = arith.muli %scan3A_351, %mul3A_356 : i32
      %multiple_of3A = tpu.assume_multiple %mul3A_357, 16 : i32
      %get3A = arith.index_cast %multiple_of3A : i32 to index
      %get3A_358 = tpu.vector_load %arg6[%get3A] {strides = array<i32>} : memref<3072xf32, #tpu.memory_space<vmem>>, vector<16xf32>,
      %add3A_359 = arith.constant 36876 : i32
      %add3A_360 = arith.addi %add3A_359, %multiple_of3A : i32
      %get3A_361 = arith.index_cast %add3A_360 : i32 to index
      %get3A_362 = tpu.vector_load %arg7[%get3A_361] {strides = array<i32>} : memref<49168xf32, #tpu.memory_space<vmem>>, vector<16xf32>,
      %mul3A_363 = arith.mulf %get3A_362, %get3A_358 : vector<16xf32>
      %add3A_364 = arith.addf %scan3A_352, %mul3A_363 : vector<16xf32>
      %add3A_365 = arith.constant 39949 : i32
      %add3A_366 = arith.addi %add3A_365, %multiple_of3A : i32
      %get3A_367 = arith.index_cast %add3A_366 : i32 to index
      %get3A_368 = tpu.vector_load %arg7[%get3A_367] {strides = array<i32>} : memref<49168xf32, #tpu.memory_space<vmem>>, vector<16xf32>,
      %mul3A_369 = arith.mulf %get3A_368, %get3A_358 : vector<16xf32>
      %add3A_370 = arith.addf %scan3A_353, %mul3A_369 : vector<16xf32>
      %add3A_371 = arith.constant 43022 : i32
      %add3A_372 = arith.addi %add3A_371, %multiple_of3A : i32
      %get3A_373 = arith.index_cast %add3A_372 : i32 to index
      %get3A_374 = tpu.vector_load %arg7[%get3A_373] {strides = array<i32>} : memref<49168xf32, #tpu.memory_space<vmem>>, vector<16xf32>,
      %mul3A_375 = arith.mulf %get3A_374, %get3A_358 : vector<16xf32>
      %add3A_376 = arith.addf %scan3A_354, %mul3A_375 : vector<16xf32>
      %add3A_377 = arith.constant 46095 : i32
      %add3A_378 = arith.addi %add3A_377, %multiple_of3A : i32
      %get3A_379 = arith.index_cast %add3A_378 : i32 to index
      %get3A_380 = tpu.vector_load %arg7[%get3A_379] {strides = array<i32>} : memref<49168xf32, #tpu.memory_space<vmem>>, vector<16xf32>,
      %mul3A_381 = arith.mulf %get3A_380, %get3A_358 : vector<16xf32>
      %add3A_382 = arith.addf %scan3A_355, %mul3A_381 : vector<16xf32>
      %scan3A_383 = arith.constant 1 : i32
      %scan3A_384 = arith.addi %scan3A_351, %scan3A_383 : i32
      %mul3A_385 = arith.constant 16 : i32
      %mul3A_386 = arith.muli %scan3A_384, %mul3A_385 : i32
      %multiple_of3A_387 = tpu.assume_multiple %mul3A_386, 16 : i32
      %get3A_388 = arith.index_cast %multiple_of3A_387 : i32 to index
      %get3A_389 = tpu.vector_load %arg6[%get3A_388] {strides = array<i32>} : memref<3072xf32, #tpu.memory_space<vmem>>, vector<16xf32>,
      %add3A_390 = arith.constant 36876 : i32
      %add3A_391 = arith.addi %add3A_390, %multiple_of3A_387 : i32
      %get3A_392 = arith.index_cast %add3A_391 : i32 to index
      %get3A_393 = tpu.vector_load %arg7[%get3A_392] {strides = array<i32>} : memref<49168xf32, #tpu.memory_space<vmem>>, vector<16xf32>,
      %mul3A_394 = arith.mulf %get3A_393, %get3A_389 : vector<16xf32>
      %add3A_395 = arith.addf %add3A_364, %mul3A_394 : vector<16xf32>
      %add3A_396 = arith.constant 39949 : i32
      %add3A_397 = arith.addi %add3A_396, %multiple_of3A_387 : i32
      %get3A_398 = arith.index_cast %add3A_397 : i32 to index
      %get3A_399 = tpu.vector_load %arg7[%get3A_398] {strides = array<i32>} : memref<49168xf32, #tpu.memory_space<vmem>>, vector<16xf32>,
      %mul3A_400 = arith.mulf %get3A_399, %get3A_389 : vector<16xf32>
      %add3A_401 = arith.addf %add3A_370, %mul3A_400 : vector<16xf32>
      %add3A_402 = arith.constant 43022 : i32
      %add3A_403 = arith.addi %add3A_402, %multiple_of3A_387 : i32
      %get3A_404 = arith.index_cast %add3A_403 : i32 to index
      %get3A_405 = tpu.vector_load %arg7[%get3A_404] {strides = array<i32>} : memref<49168xf32, #tpu.memory_space<vmem>>, vector<16xf32>,
      %mul3A_406 = arith.mulf %get3A_405, %get3A_389 : vector<16xf32>
      %add3A_407 = arith.addf %add3A_376, %mul3A_406 : vector<16xf32>
      %add3A_408 = arith.constant 46095 : i32
      %add3A_409 = arith.addi %add3A_408, %multiple_of3A_387 : i32
      %get3A_410 = arith.index_cast %add3A_409 : i32 to index
      %get3A_411 = tpu.vector_load %arg7[%get3A_410] {strides = array<i32>} : memref<49168xf32, #tpu.memory_space<vmem>>, vector<16xf32>,
      %mul3A_412 = arith.mulf %get3A_411, %get3A_389 : vector<16xf32>
      %add3A_413 = arith.addf %add3A_382, %mul3A_412 : vector<16xf32>
      %scan3A_414 = arith.constant 2 : i32
      %scan3A_415 = arith.addi %scan3A_351, %scan3A_414 : i32
      %mul3A_416 = arith.constant 16 : i32
      %mul3A_417 = arith.muli %scan3A_415, %mul3A_416 : i32
      %multiple_of3A_418 = tpu.assume_multiple %mul3A_417, 16 : i32
      %get3A_419 = arith.index_cast %multiple_of3A_418 : i32 to index
      %get3A_420 = tpu.vector_load %arg6[%get3A_419] {strides = array<i32>} : memref<3072xf32, #tpu.memory_space<vmem>>, vector<16xf32>,
      %add3A_421 = arith.constant 36876 : i32
      %add3A_422 = arith.addi %add3A_421, %multiple_of3A_418 : i32
      %get3A_423 = arith.index_cast %add3A_422 : i32 to index
      %get3A_424 = tpu.vector_load %arg7[%get3A_423] {strides = array<i32>} : memref<49168xf32, #tpu.memory_space<vmem>>, vector<16xf32>,
      %mul3A_425 = arith.mulf %get3A_424, %get3A_420 : vector<16xf32>
      %add3A_426 = arith.addf %add3A_395, %mul3A_425 : vector<16xf32>
      %add3A_427 = arith.constant 39949 : i32
      %add3A_428 = arith.addi %add3A_427, %multiple_of3A_418 : i32
      %get3A_429 = arith.index_cast %add3A_428 : i32 to index
      %get3A_430 = tpu.vector_load %arg7[%get3A_429] {strides = array<i32>} : memref<49168xf32, #tpu.memory_space<vmem>>, vector<16xf32>,
      %mul3A_431 = arith.mulf %get3A_430, %get3A_420 : vector<16xf32>
      %add3A_432 = arith.addf %add3A_401, %mul3A_431 : vector<16xf32>
      %add3A_433 = arith.constant 43022 : i32
      %add3A_434 = arith.addi %add3A_433, %multiple_of3A_418 : i32
      %get3A_435 = arith.index_cast %add3A_434 : i32 to index
      %get3A_436 = tpu.vector_load %arg7[%get3A_435] {strides = array<i32>} : memref<49168xf32, #tpu.memory_space<vmem>>, vector<16xf32>,
      %mul3A_437 = arith.mulf %get3A_436, %get3A_420 : vector<16xf32>
      %add3A_438 = arith.addf %add3A_407, %mul3A_437 : vector<16xf32>
      %add3A_439 = arith.constant 46095 : i32
      %add3A_440 = arith.addi %add3A_439, %multiple_of3A_418 : i32
      %get3A_441 = arith.index_cast %add3A_440 : i32 to index
      %get3A_442 = tpu.vector_load %arg7[%get3A_441] {strides = array<i32>} : memref<49168xf32, #tpu.memory_space<vmem>>, vector<16xf32>,
      %mul3A_443 = arith.mulf %get3A_442, %get3A_420 : vector<16xf32>
      %add3A_444 = arith.addf %add3A_413, %mul3A_443 : vector<16xf32>
      %scan3A_445 = arith.constant 3 : i32
      %scan3A_446 = arith.addi %scan3A_351, %scan3A_445 : i32
      %mul3A_447 = arith.constant 16 : i32
      %mul3A_448 = arith.muli %scan3A_446, %mul3A_447 : i32
      %multiple_of3A_449 = tpu.assume_multiple %mul3A_448, 16 : i32
      %get3A_450 = arith.index_cast %multiple_of3A_449 : i32 to index
      %get3A_451 = tpu.vector_load %arg6[%get3A_450] {strides = array<i32>} : memref<3072xf32, #tpu.memory_space<vmem>>, vector<16xf32>,
      %add3A_452 = arith.constant 36876 : i32
      %add3A_453 = arith.addi %add3A_452, %multiple_of3A_449 : i32
      %get3A_454 = arith.index_cast %add3A_453 : i32 to index
      %get3A_455 = tpu.vector_load %arg7[%get3A_454] {strides = array<i32>} : memref<49168xf32, #tpu.memory_space<vmem>>, vector<16xf32>,
      %mul3A_456 = arith.mulf %get3A_455, %get3A_451 : vector<16xf32>
      %add3A_457 = arith.addf %add3A_426, %mul3A_456 : vector<16xf32>
      %add3A_458 = arith.constant 39949 : i32
      %add3A_459 = arith.addi %add3A_458, %multiple_of3A_449 : i32
      %get3A_460 = arith.index_cast %add3A_459 : i32 to index
      %get3A_461 = tpu.vector_load %arg7[%get3A_460] {strides = array<i32>} : memref<49168xf32, #tpu.memory_space<vmem>>, vector<16xf32>,
      %mul3A_462 = arith.mulf %get3A_461, %get3A_451 : vector<16xf32>
      %add3A_463 = arith.addf %add3A_432, %mul3A_462 : vector<16xf32>
      %add3A_464 = arith.constant 43022 : i32
      %add3A_465 = arith.addi %add3A_464, %multiple_of3A_449 : i32
      %get3A_466 = arith.index_cast %add3A_465 : i32 to index
      %get3A_467 = tpu.vector_load %arg7[%get3A_466] {strides = array<i32>} : memref<49168xf32, #tpu.memory_space<vmem>>, vector<16xf32>,
      %mul3A_468 = arith.mulf %get3A_467, %get3A_451 : vector<16xf32>
      %add3A_469 = arith.addf %add3A_438, %mul3A_468 : vector<16xf32>
      %add3A_470 = arith.constant 46095 : i32
      %add3A_471 = arith.addi %add3A_470, %multiple_of3A_449 : i32
      %get3A_472 = arith.index_cast %add3A_471 : i32 to index
      %get3A_473 = tpu.vector_load %arg7[%get3A_472] {strides = array<i32>} : memref<49168xf32, #tpu.memory_space<vmem>>, vector<16xf32>,
      %mul3A_474 = arith.mulf %get3A_473, %get3A_451 : vector<16xf32>
      %add3A_475 = arith.addf %add3A_444, %mul3A_474 : vector<16xf32>
      %scan3A_476 = arith.constant 4 : i32
      %scan3A_477 = arith.addi %scan3A_351, %scan3A_476 : i32
      %mul3A_478 = arith.constant 16 : i32
      %mul3A_479 = arith.muli %scan3A_477, %mul3A_478 : i32
      %multiple_of3A_480 = tpu.assume_multiple %mul3A_479, 16 : i32
      %get3A_481 = arith.index_cast %multiple_of3A_480 : i32 to index
      %get3A_482 = tpu.vector_load %arg6[%get3A_481] {strides = array<i32>} : memref<3072xf32, #tpu.memory_space<vmem>>, vector<16xf32>,
      %add3A_483 = arith.constant 36876 : i32
      %add3A_484 = arith.addi %add3A_483, %multiple_of3A_480 : i32
      %get3A_485 = arith.index_cast %add3A_484 : i32 to index
      %get3A_486 = tpu.vector_load %arg7[%get3A_485] {strides = array<i32>} : memref<49168xf32, #tpu.memory_space<vmem>>, vector<16xf32>,
      %mul3A_487 = arith.mulf %get3A_486, %get3A_482 : vector<16xf32>
      %add3A_488 = arith.addf %add3A_457, %mul3A_487 : vector<16xf32>
      %add3A_489 = arith.constant 39949 : i32
      %add3A_490 = arith.addi %add3A_489, %multiple_of3A_480 : i32
      %get3A_491 = arith.index_cast %add3A_490 : i32 to index
      %get3A_492 = tpu.vector_load %arg7[%get3A_491] {strides = array<i32>} : memref<49168xf32, #tpu.memory_space<vmem>>, vector<16xf32>,
      %mul3A_493 = arith.mulf %get3A_492, %get3A_482 : vector<16xf32>
      %add3A_494 = arith.addf %add3A_463, %mul3A_493 : vector<16xf32>
      %add3A_495 = arith.constant 43022 : i32
      %add3A_496 = arith.addi %add3A_495, %multiple_of3A_480 : i32
      %get3A_497 = arith.index_cast %add3A_496 : i32 to index
      %get3A_498 = tpu.vector_load %arg7[%get3A_497] {strides = array<i32>} : memref<49168xf32, #tpu.memory_space<vmem>>, vector<16xf32>,
      %mul3A_499 = arith.mulf %get3A_498, %get3A_482 : vector<16xf32>
      %add3A_500 = arith.addf %add3A_469, %mul3A_499 : vector<16xf32>
      %add3A_501 = arith.constant 46095 : i32
      %add3A_502 = arith.addi %add3A_501, %multiple_of3A_480 : i32
      %get3A_503 = arith.index_cast %add3A_502 : i32 to index
      %get3A_504 = tpu.vector_load %arg7[%get3A_503] {strides = array<i32>} : memref<49168xf32, #tpu.memory_space<vmem>>, vector<16xf32>,
      %mul3A_505 = arith.mulf %get3A_504, %get3A_482 : vector<16xf32>
      %add3A_506 = arith.addf %add3A_475, %mul3A_505 : vector<16xf32>
      %scan3A_507 = arith.constant 5 : i32
      %scan3A_508 = arith.addi %scan3A_351, %scan3A_507 : i32
      %mul3A_509 = arith.constant 16 : i32
      %mul3A_510 = arith.muli %scan3A_508, %mul3A_509 : i32
      %multiple_of3A_511 = tpu.assume_multiple %mul3A_510, 16 : i32
      %get3A_512 = arith.index_cast %multiple_of3A_511 : i32 to index
      %get3A_513 = tpu.vector_load %arg6[%get3A_512] {strides = array<i32>} : memref<3072xf32, #tpu.memory_space<vmem>>, vector<16xf32>,
      %add3A_514 = arith.constant 36876 : i32
      %add3A_515 = arith.addi %add3A_514, %multiple_of3A_511 : i32
      %get3A_516 = arith.index_cast %add3A_515 : i32 to index
      %get3A_517 = tpu.vector_load %arg7[%get3A_516] {strides = array<i32>} : memref<49168xf32, #tpu.memory_space<vmem>>, vector<16xf32>,
      %mul3A_518 = arith.mulf %get3A_517, %get3A_513 : vector<16xf32>
      %add3A_519 = arith.addf %add3A_488, %mul3A_518 : vector<16xf32>
      %add3A_520 = arith.constant 39949 : i32
      %add3A_521 = arith.addi %add3A_520, %multiple_of3A_511 : i32
      %get3A_522 = arith.index_cast %add3A_521 : i32 to index
      %get3A_523 = tpu.vector_load %arg7[%get3A_522] {strides = array<i32>} : memref<49168xf32, #tpu.memory_space<vmem>>, vector<16xf32>,
      %mul3A_524 = arith.mulf %get3A_523, %get3A_513 : vector<16xf32>
      %add3A_525 = arith.addf %add3A_494, %mul3A_524 : vector<16xf32>
      %add3A_526 = arith.constant 43022 : i32
      %add3A_527 = arith.addi %add3A_526, %multiple_of3A_511 : i32
      %get3A_528 = arith.index_cast %add3A_527 : i32 to index
      %get3A_529 = tpu.vector_load %arg7[%get3A_528] {strides = array<i32>} : memref<49168xf32, #tpu.memory_space<vmem>>, vector<16xf32>,
      %mul3A_530 = arith.mulf %get3A_529, %get3A_513 : vector<16xf32>
      %add3A_531 = arith.addf %add3A_500, %mul3A_530 : vector<16xf32>
      %add3A_532 = arith.constant 46095 : i32
      %add3A_533 = arith.addi %add3A_532, %multiple_of3A_511 : i32
      %get3A_534 = arith.index_cast %add3A_533 : i32 to index
      %get3A_535 = tpu.vector_load %arg7[%get3A_534] {strides = array<i32>} : memref<49168xf32, #tpu.memory_space<vmem>>, vector<16xf32>,
      %mul3A_536 = arith.mulf %get3A_535, %get3A_513 : vector<16xf32>
      %add3A_537 = arith.addf %add3A_506, %mul3A_536 : vector<16xf32>
      %scan3A_538 = arith.constant 6 : i32
      %scan3A_539 = arith.addi %scan3A_351, %scan3A_538 : i32
      %mul3A_540 = arith.constant 16 : i32
      %mul3A_541 = arith.muli %scan3A_539, %mul3A_540 : i32
      %multiple_of3A_542 = tpu.assume_multiple %mul3A_541, 16 : i32
      %get3A_543 = arith.index_cast %multiple_of3A_542 : i32 to index
      %get3A_544 = tpu.vector_load %arg6[%get3A_543] {strides = array<i32>} : memref<3072xf32, #tpu.memory_space<vmem>>, vector<16xf32>,
      %add3A_545 = arith.constant 36876 : i32
      %add3A_546 = arith.addi %add3A_545, %multiple_of3A_542 : i32
      %get3A_547 = arith.index_cast %add3A_546 : i32 to index
      %get3A_548 = tpu.vector_load %arg7[%get3A_547] {strides = array<i32>} : memref<49168xf32, #tpu.memory_space<vmem>>, vector<16xf32>,
      %mul3A_549 = arith.mulf %get3A_548, %get3A_544 : vector<16xf32>
      %add3A_550 = arith.addf %add3A_519, %mul3A_549 : vector<16xf32>
      %add3A_551 = arith.constant 39949 : i32
      %add3A_552 = arith.addi %add3A_551, %multiple_of3A_542 : i32
      %get3A_553 = arith.index_cast %add3A_552 : i32 to index
      %get3A_554 = tpu.vector_load %arg7[%get3A_553] {strides = array<i32>} : memref<49168xf32, #tpu.memory_space<vmem>>, vector<16xf32>,
      %mul3A_555 = arith.mulf %get3A_554, %get3A_544 : vector<16xf32>
      %add3A_556 = arith.addf %add3A_525, %mul3A_555 : vector<16xf32>
      %add3A_557 = arith.constant 43022 : i32
      %add3A_558 = arith.addi %add3A_557, %multiple_of3A_542 : i32
      %get3A_559 = arith.index_cast %add3A_558 : i32 to index
      %get3A_560 = tpu.vector_load %arg7[%get3A_559] {strides = array<i32>} : memref<49168xf32, #tpu.memory_space<vmem>>, vector<16xf32>,
      %mul3A_561 = arith.mulf %get3A_560, %get3A_544 : vector<16xf32>
      %add3A_562 = arith.addf %add3A_531, %mul3A_561 : vector<16xf32>
      %add3A_563 = arith.constant 46095 : i32
      %add3A_564 = arith.addi %add3A_563, %multiple_of3A_542 : i32
      %get3A_565 = arith.index_cast %add3A_564 : i32 to index
      %get3A_566 = tpu.vector_load %arg7[%get3A_565] {strides = array<i32>} : memref<49168xf32, #tpu.memory_space<vmem>>, vector<16xf32>,
      %mul3A_567 = arith.mulf %get3A_566, %get3A_544 : vector<16xf32>
      %add3A_568 = arith.addf %add3A_537, %mul3A_567 : vector<16xf32>
      %scan3A_569 = arith.constant 7 : i32
      %scan3A_570 = arith.addi %scan3A_351, %scan3A_569 : i32
      %mul3A_571 = arith.constant 16 : i32
      %mul3A_572 = arith.muli %scan3A_570, %mul3A_571 : i32
      %multiple_of3A_573 = tpu.assume_multiple %mul3A_572, 16 : i32
      %get3A_574 = arith.index_cast %multiple_of3A_573 : i32 to index
      %get3A_575 = tpu.vector_load %arg6[%get3A_574] {strides = array<i32>} : memref<3072xf32, #tpu.memory_space<vmem>>, vector<16xf32>,
      %add3A_576 = arith.constant 36876 : i32
      %add3A_577 = arith.addi %add3A_576, %multiple_of3A_573 : i32
      %get3A_578 = arith.index_cast %add3A_577 : i32 to index
      %get3A_579 = tpu.vector_load %arg7[%get3A_578] {strides = array<i32>} : memref<49168xf32, #tpu.memory_space<vmem>>, vector<16xf32>,
      %mul3A_580 = arith.mulf %get3A_579, %get3A_575 : vector<16xf32>
      %add3A_581 = arith.addf %add3A_550, %mul3A_580 : vector<16xf32>
      %add3A_582 = arith.constant 39949 : i32
      %add3A_583 = arith.addi %add3A_582, %multiple_of3A_573 : i32
      %get3A_584 = arith.index_cast %add3A_583 : i32 to index
      %get3A_585 = tpu.vector_load %arg7[%get3A_584] {strides = array<i32>} : memref<49168xf32, #tpu.memory_space<vmem>>, vector<16xf32>,
      %mul3A_586 = arith.mulf %get3A_585, %get3A_575 : vector<16xf32>
      %add3A_587 = arith.addf %add3A_556, %mul3A_586 : vector<16xf32>
      %add3A_588 = arith.constant 43022 : i32
      %add3A_589 = arith.addi %add3A_588, %multiple_of3A_573 : i32
      %get3A_590 = arith.index_cast %add3A_589 : i32 to index
      %get3A_591 = tpu.vector_load %arg7[%get3A_590] {strides = array<i32>} : memref<49168xf32, #tpu.memory_space<vmem>>, vector<16xf32>,
      %mul3A_592 = arith.mulf %get3A_591, %get3A_575 : vector<16xf32>
      %add3A_593 = arith.addf %add3A_562, %mul3A_592 : vector<16xf32>
      %add3A_594 = arith.constant 46095 : i32
      %add3A_595 = arith.addi %add3A_594, %multiple_of3A_573 : i32
      %get3A_596 = arith.index_cast %add3A_595 : i32 to index
      %get3A_597 = tpu.vector_load %arg7[%get3A_596] {strides = array<i32>} : memref<49168xf32, #tpu.memory_space<vmem>>, vector<16xf32>,
      %mul3A_598 = arith.mulf %get3A_597, %get3A_575 : vector<16xf32>
      %add3A_599 = arith.addf %add3A_568, %mul3A_598 : vector<16xf32>
      scf.yield %add3A_581, %add3A_587, %add3A_593, %add3A_599 : vector<16xf32>, vector<16xf32>, vector<16xf32>, vector<16xf32>
    }
    %scan3A_139 = arith.constant 192 : i32
    %eq3A_140 = arith.constant 12 : i32
    %eq3A_141 = vector.broadcast %eq3A_140 : i32 to vector<16xi32>
    %eq3A_142 = arith.cmpi eq, %iota3A, %eq3A_141 : vector<16xi32>
    %reduce_sum3A_143 = arith.constant true
    %reduce_sum3A_144 = vector.broadcast %reduce_sum3A_143 : i1 to vector<16xi1>
    %reduce_sum3A_145 = tpu.scan <sum>, %scan3A_138#0 masked %reduce_sum3A_144 : vector<16xf32>, vector<16xi1> -> vector<16xf32>
    %reduce_sum3A_146 = vector.extract %reduce_sum3A_145[15] : f32 from vector<16xf32>
    %broadcast_in_dim3A_147 = vector.broadcast %reduce_sum3A_146 : f32 to vector<16xf32>
    %select_n3A_148 = arith.select %eq3A_142, %broadcast_in_dim3A_147, %select_n3A_133 : vector<16xi1>, vector<16xf32>
    %eq3A_149 = arith.constant 13 : i32
    %eq3A_150 = vector.broadcast %eq3A_149 : i32 to vector<16xi32>
    %eq3A_151 = arith.cmpi eq, %iota3A, %eq3A_150 : vector<16xi32>
    %reduce_sum3A_152 = arith.constant true
    %reduce_sum3A_153 = vector.broadcast %reduce_sum3A_152 : i1 to vector<16xi1>
    %reduce_sum3A_154 = tpu.scan <sum>, %scan3A_138#1 masked %reduce_sum3A_153 : vector<16xf32>, vector<16xi1> -> vector<16xf32>
    %reduce_sum3A_155 = vector.extract %reduce_sum3A_154[15] : f32 from vector<16xf32>
    %broadcast_in_dim3A_156 = vector.broadcast %reduce_sum3A_155 : f32 to vector<16xf32>
    %select_n3A_157 = arith.select %eq3A_151, %broadcast_in_dim3A_156, %select_n3A_148 : vector<16xi1>, vector<16xf32>
    %eq3A_158 = arith.constant 14 : i32
    %eq3A_159 = vector.broadcast %eq3A_158 : i32 to vector<16xi32>
    %eq3A_160 = arith.cmpi eq, %iota3A, %eq3A_159 : vector<16xi32>
    %reduce_sum3A_161 = arith.constant true
    %reduce_sum3A_162 = vector.broadcast %reduce_sum3A_161 : i1 to vector<16xi1>
    %reduce_sum3A_163 = tpu.scan <sum>, %scan3A_138#2 masked %reduce_sum3A_162 : vector<16xf32>, vector<16xi1> -> vector<16xf32>
    %reduce_sum3A_164 = vector.extract %reduce_sum3A_163[15] : f32 from vector<16xf32>
    %broadcast_in_dim3A_165 = vector.broadcast %reduce_sum3A_164 : f32 to vector<16xf32>
    %select_n3A_166 = arith.select %eq3A_160, %broadcast_in_dim3A_165, %select_n3A_157 : vector<16xi1>, vector<16xf32>
    %eq3A_167 = arith.constant 15 : i32
    %eq3A_168 = vector.broadcast %eq3A_167 : i32 to vector<16xi32>
    %eq3A_169 = arith.cmpi eq, %iota3A, %eq3A_168 : vector<16xi32>
    %reduce_sum3A_170 = arith.constant true
    %reduce_sum3A_171 = vector.broadcast %reduce_sum3A_170 : i1 to vector<16xi1>
    %reduce_sum3A_172 = tpu.scan <sum>, %scan3A_138#3 masked %reduce_sum3A_171 : vector<16xf32>, vector<16xi1> -> vector<16xf32>
    %reduce_sum3A_173 = vector.extract %reduce_sum3A_172[15] : f32 from vector<16xf32>
    %broadcast_in_dim3A_174 = vector.broadcast %reduce_sum3A_173 : f32 to vector<16xf32>
    %select_n3A_175 = arith.select %eq3A_169, %broadcast_in_dim3A_174, %select_n3A_166 : vector<16xi1>, vector<16xf32>
    %dma_wait3A_176 = tpu.memref_slice %arg2[%add3A_7] : memref<3146752xf32, #tpu.memory_space<hbm>> -> memref<49168xf32, #tpu.memory_space<hbm>>
    %dma_wait3A_177 = tpu.memref_slice %arg2[%add3A_7] : memref<3146752xf32, #tpu.memory_space<hbm>> -> memref<49168xf32, #tpu.memory_space<hbm>>
    tpu.wait_dma2 semaphore(%arg11 : memref<!tpu.dma_semaphore, #tpu.memory_space<semaphore_mem>>) src(%dma_wait3A_177 : memref<49168xf32, #tpu.memory_space<hbm>>) dst(%arg8 : memref<49168xf32, #tpu.memory_space<vmem>>)
    %scan3A_178 = arith.constant 0 : i32
    %scan3A_179 = arith.constant 192 : i32
    %scan3A_180 = arith.addi %scan3A_178, %scan3A_179 : i32
    %scan3A_181 = arith.constant 8 : i32
    %scan3A_182:4 = scf.for %scan3A_351 = %scan3A_178 to %scan3A_180 step %scan3A_181 iter_args(%scan3A_352 = %broadcast_in_dim3A_10, %scan3A_353 = %broadcast_in_dim3A_10, %scan3A_354 = %broadcast_in_dim3A_10, %scan3A_355 = %broadcast_in_dim3A_10) -> (vector<16xf32>, vector<16xf32>, vector<16xf32>, vector<16xf32>)  : i32 {
      %mul3A_356 = arith.constant 16 : i32
      %mul3A_357 = arith.muli %scan3A_351, %mul3A_356 : i32
      %multiple_of3A = tpu.assume_multiple %mul3A_357, 16 : i32
      %get3A = arith.index_cast %multiple_of3A : i32 to index
      %get3A_358 = tpu.vector_load %arg6[%get3A] {strides = array<i32>} : memref<3072xf32, #tpu.memory_space<vmem>>, vector<16xf32>,
      %add3A_359 = arith.constant 0 : i32
      %add3A_360 = arith.addi %add3A_359, %multiple_of3A : i32
      %get3A_361 = arith.index_cast %add3A_360 : i32 to index
      %get3A_362 = tpu.vector_load %arg8[%get3A_361] {strides = array<i32>} : memref<49168xf32, #tpu.memory_space<vmem>>, vector<16xf32>,
      %mul3A_363 = arith.mulf %get3A_362, %get3A_358 : vector<16xf32>
      %add3A_364 = arith.addf %scan3A_352, %mul3A_363 : vector<16xf32>
      %add3A_365 = arith.constant 3073 : i32
      %add3A_366 = arith.addi %add3A_365, %multiple_of3A : i32
      %get3A_367 = arith.index_cast %add3A_366 : i32 to index
      %get3A_368 = tpu.vector_load %arg8[%get3A_367] {strides = array<i32>} : memref<49168xf32, #tpu.memory_space<vmem>>, vector<16xf32>,
      %mul3A_369 = arith.mulf %get3A_368, %get3A_358 : vector<16xf32>
      %add3A_370 = arith.addf %scan3A_353, %mul3A_369 : vector<16xf32>
      %add3A_371 = arith.constant 6146 : i32
      %add3A_372 = arith.addi %add3A_371, %multiple_of3A : i32
      %get3A_373 = arith.index_cast %add3A_372 : i32 to index
      %get3A_374 = tpu.vector_load %arg8[%get3A_373] {strides = array<i32>} : memref<49168xf32, #tpu.memory_space<vmem>>, vector<16xf32>,
      %mul3A_375 = arith.mulf %get3A_374, %get3A_358 : vector<16xf32>
      %add3A_376 = arith.addf %scan3A_354, %mul3A_375 : vector<16xf32>
      %add3A_377 = arith.constant 9219 : i32
      %add3A_378 = arith.addi %add3A_377, %multiple_of3A : i32
      %get3A_379 = arith.index_cast %add3A_378 : i32 to index
      %get3A_380 = tpu.vector_load %arg8[%get3A_379] {strides = array<i32>} : memref<49168xf32, #tpu.memory_space<vmem>>, vector<16xf32>,
      %mul3A_381 = arith.mulf %get3A_380, %get3A_358 : vector<16xf32>
      %add3A_382 = arith.addf %scan3A_355, %mul3A_381 : vector<16xf32>
      %scan3A_383 = arith.constant 1 : i32
      %scan3A_384 = arith.addi %scan3A_351, %scan3A_383 : i32
      %mul3A_385 = arith.constant 16 : i32
      %mul3A_386 = arith.muli %scan3A_384, %mul3A_385 : i32
      %multiple_of3A_387 = tpu.assume_multiple %mul3A_386, 16 : i32
      %get3A_388 = arith.index_cast %multiple_of3A_387 : i32 to index
      %get3A_389 = tpu.vector_load %arg6[%get3A_388] {strides = array<i32>} : memref<3072xf32, #tpu.memory_space<vmem>>, vector<16xf32>,
      %add3A_390 = arith.constant 0 : i32
      %add3A_391 = arith.addi %add3A_390, %multiple_of3A_387 : i32
      %get3A_392 = arith.index_cast %add3A_391 : i32 to index
      %get3A_393 = tpu.vector_load %arg8[%get3A_392] {strides = array<i32>} : memref<49168xf32, #tpu.memory_space<vmem>>, vector<16xf32>,
      %mul3A_394 = arith.mulf %get3A_393, %get3A_389 : vector<16xf32>
      %add3A_395 = arith.addf %add3A_364, %mul3A_394 : vector<16xf32>
      %add3A_396 = arith.constant 3073 : i32
      %add3A_397 = arith.addi %add3A_396, %multiple_of3A_387 : i32
      %get3A_398 = arith.index_cast %add3A_397 : i32 to index
      %get3A_399 = tpu.vector_load %arg8[%get3A_398] {strides = array<i32>} : memref<49168xf32, #tpu.memory_space<vmem>>, vector<16xf32>,
      %mul3A_400 = arith.mulf %get3A_399, %get3A_389 : vector<16xf32>
      %add3A_401 = arith.addf %add3A_370, %mul3A_400 : vector<16xf32>
      %add3A_402 = arith.constant 6146 : i32
      %add3A_403 = arith.addi %add3A_402, %multiple_of3A_387 : i32
      %get3A_404 = arith.index_cast %add3A_403 : i32 to index
      %get3A_405 = tpu.vector_load %arg8[%get3A_404] {strides = array<i32>} : memref<49168xf32, #tpu.memory_space<vmem>>, vector<16xf32>,
      %mul3A_406 = arith.mulf %get3A_405, %get3A_389 : vector<16xf32>
      %add3A_407 = arith.addf %add3A_376, %mul3A_406 : vector<16xf32>
      %add3A_408 = arith.constant 9219 : i32
      %add3A_409 = arith.addi %add3A_408, %multiple_of3A_387 : i32
      %get3A_410 = arith.index_cast %add3A_409 : i32 to index
      %get3A_411 = tpu.vector_load %arg8[%get3A_410] {strides = array<i32>} : memref<49168xf32, #tpu.memory_space<vmem>>, vector<16xf32>,
      %mul3A_412 = arith.mulf %get3A_411, %get3A_389 : vector<16xf32>
      %add3A_413 = arith.addf %add3A_382, %mul3A_412 : vector<16xf32>
      %scan3A_414 = arith.constant 2 : i32
      %scan3A_415 = arith.addi %scan3A_351, %scan3A_414 : i32
      %mul3A_416 = arith.constant 16 : i32
      %mul3A_417 = arith.muli %scan3A_415, %mul3A_416 : i32
      %multiple_of3A_418 = tpu.assume_multiple %mul3A_417, 16 : i32
      %get3A_419 = arith.index_cast %multiple_of3A_418 : i32 to index
      %get3A_420 = tpu.vector_load %arg6[%get3A_419] {strides = array<i32>} : memref<3072xf32, #tpu.memory_space<vmem>>, vector<16xf32>,
      %add3A_421 = arith.constant 0 : i32
      %add3A_422 = arith.addi %add3A_421, %multiple_of3A_418 : i32
      %get3A_423 = arith.index_cast %add3A_422 : i32 to index
      %get3A_424 = tpu.vector_load %arg8[%get3A_423] {strides = array<i32>} : memref<49168xf32, #tpu.memory_space<vmem>>, vector<16xf32>,
      %mul3A_425 = arith.mulf %get3A_424, %get3A_420 : vector<16xf32>
      %add3A_426 = arith.addf %add3A_395, %mul3A_425 : vector<16xf32>
      %add3A_427 = arith.constant 3073 : i32
      %add3A_428 = arith.addi %add3A_427, %multiple_of3A_418 : i32
      %get3A_429 = arith.index_cast %add3A_428 : i32 to index
      %get3A_430 = tpu.vector_load %arg8[%get3A_429] {strides = array<i32>} : memref<49168xf32, #tpu.memory_space<vmem>>, vector<16xf32>,
      %mul3A_431 = arith.mulf %get3A_430, %get3A_420 : vector<16xf32>
      %add3A_432 = arith.addf %add3A_401, %mul3A_431 : vector<16xf32>
      %add3A_433 = arith.constant 6146 : i32
      %add3A_434 = arith.addi %add3A_433, %multiple_of3A_418 : i32
      %get3A_435 = arith.index_cast %add3A_434 : i32 to index
      %get3A_436 = tpu.vector_load %arg8[%get3A_435] {strides = array<i32>} : memref<49168xf32, #tpu.memory_space<vmem>>, vector<16xf32>,
      %mul3A_437 = arith.mulf %get3A_436, %get3A_420 : vector<16xf32>
      %add3A_438 = arith.addf %add3A_407, %mul3A_437 : vector<16xf32>
      %add3A_439 = arith.constant 9219 : i32
      %add3A_440 = arith.addi %add3A_439, %multiple_of3A_418 : i32
      %get3A_441 = arith.index_cast %add3A_440 : i32 to index
      %get3A_442 = tpu.vector_load %arg8[%get3A_441] {strides = array<i32>} : memref<49168xf32, #tpu.memory_space<vmem>>, vector<16xf32>,
      %mul3A_443 = arith.mulf %get3A_442, %get3A_420 : vector<16xf32>
      %add3A_444 = arith.addf %add3A_413, %mul3A_443 : vector<16xf32>
      %scan3A_445 = arith.constant 3 : i32
      %scan3A_446 = arith.addi %scan3A_351, %scan3A_445 : i32
      %mul3A_447 = arith.constant 16 : i32
      %mul3A_448 = arith.muli %scan3A_446, %mul3A_447 : i32
      %multiple_of3A_449 = tpu.assume_multiple %mul3A_448, 16 : i32
      %get3A_450 = arith.index_cast %multiple_of3A_449 : i32 to index
      %get3A_451 = tpu.vector_load %arg6[%get3A_450] {strides = array<i32>} : memref<3072xf32, #tpu.memory_space<vmem>>, vector<16xf32>,
      %add3A_452 = arith.constant 0 : i32
      %add3A_453 = arith.addi %add3A_452, %multiple_of3A_449 : i32
      %get3A_454 = arith.index_cast %add3A_453 : i32 to index
      %get3A_455 = tpu.vector_load %arg8[%get3A_454] {strides = array<i32>} : memref<49168xf32, #tpu.memory_space<vmem>>, vector<16xf32>,
      %mul3A_456 = arith.mulf %get3A_455, %get3A_451 : vector<16xf32>
      %add3A_457 = arith.addf %add3A_426, %mul3A_456 : vector<16xf32>
      %add3A_458 = arith.constant 3073 : i32
      %add3A_459 = arith.addi %add3A_458, %multiple_of3A_449 : i32
      %get3A_460 = arith.index_cast %add3A_459 : i32 to index
      %get3A_461 = tpu.vector_load %arg8[%get3A_460] {strides = array<i32>} : memref<49168xf32, #tpu.memory_space<vmem>>, vector<16xf32>,
      %mul3A_462 = arith.mulf %get3A_461, %get3A_451 : vector<16xf32>
      %add3A_463 = arith.addf %add3A_432, %mul3A_462 : vector<16xf32>
      %add3A_464 = arith.constant 6146 : i32
      %add3A_465 = arith.addi %add3A_464, %multiple_of3A_449 : i32
      %get3A_466 = arith.index_cast %add3A_465 : i32 to index
      %get3A_467 = tpu.vector_load %arg8[%get3A_466] {strides = array<i32>} : memref<49168xf32, #tpu.memory_space<vmem>>, vector<16xf32>,
      %mul3A_468 = arith.mulf %get3A_467, %get3A_451 : vector<16xf32>
      %add3A_469 = arith.addf %add3A_438, %mul3A_468 : vector<16xf32>
      %add3A_470 = arith.constant 9219 : i32
      %add3A_471 = arith.addi %add3A_470, %multiple_of3A_449 : i32
      %get3A_472 = arith.index_cast %add3A_471 : i32 to index
      %get3A_473 = tpu.vector_load %arg8[%get3A_472] {strides = array<i32>} : memref<49168xf32, #tpu.memory_space<vmem>>, vector<16xf32>,
      %mul3A_474 = arith.mulf %get3A_473, %get3A_451 : vector<16xf32>
      %add3A_475 = arith.addf %add3A_444, %mul3A_474 : vector<16xf32>
      %scan3A_476 = arith.constant 4 : i32
      %scan3A_477 = arith.addi %scan3A_351, %scan3A_476 : i32
      %mul3A_478 = arith.constant 16 : i32
      %mul3A_479 = arith.muli %scan3A_477, %mul3A_478 : i32
      %multiple_of3A_480 = tpu.assume_multiple %mul3A_479, 16 : i32
      %get3A_481 = arith.index_cast %multiple_of3A_480 : i32 to index
      %get3A_482 = tpu.vector_load %arg6[%get3A_481] {strides = array<i32>} : memref<3072xf32, #tpu.memory_space<vmem>>, vector<16xf32>,
      %add3A_483 = arith.constant 0 : i32
      %add3A_484 = arith.addi %add3A_483, %multiple_of3A_480 : i32
      %get3A_485 = arith.index_cast %add3A_484 : i32 to index
      %get3A_486 = tpu.vector_load %arg8[%get3A_485] {strides = array<i32>} : memref<49168xf32, #tpu.memory_space<vmem>>, vector<16xf32>,
      %mul3A_487 = arith.mulf %get3A_486, %get3A_482 : vector<16xf32>
      %add3A_488 = arith.addf %add3A_457, %mul3A_487 : vector<16xf32>
      %add3A_489 = arith.constant 3073 : i32
      %add3A_490 = arith.addi %add3A_489, %multiple_of3A_480 : i32
      %get3A_491 = arith.index_cast %add3A_490 : i32 to index
      %get3A_492 = tpu.vector_load %arg8[%get3A_491] {strides = array<i32>} : memref<49168xf32, #tpu.memory_space<vmem>>, vector<16xf32>,
      %mul3A_493 = arith.mulf %get3A_492, %get3A_482 : vector<16xf32>
      %add3A_494 = arith.addf %add3A_463, %mul3A_493 : vector<16xf32>
      %add3A_495 = arith.constant 6146 : i32
      %add3A_496 = arith.addi %add3A_495, %multiple_of3A_480 : i32
      %get3A_497 = arith.index_cast %add3A_496 : i32 to index
      %get3A_498 = tpu.vector_load %arg8[%get3A_497] {strides = array<i32>} : memref<49168xf32, #tpu.memory_space<vmem>>, vector<16xf32>,
      %mul3A_499 = arith.mulf %get3A_498, %get3A_482 : vector<16xf32>
      %add3A_500 = arith.addf %add3A_469, %mul3A_499 : vector<16xf32>
      %add3A_501 = arith.constant 9219 : i32
      %add3A_502 = arith.addi %add3A_501, %multiple_of3A_480 : i32
      %get3A_503 = arith.index_cast %add3A_502 : i32 to index
      %get3A_504 = tpu.vector_load %arg8[%get3A_503] {strides = array<i32>} : memref<49168xf32, #tpu.memory_space<vmem>>, vector<16xf32>,
      %mul3A_505 = arith.mulf %get3A_504, %get3A_482 : vector<16xf32>
      %add3A_506 = arith.addf %add3A_475, %mul3A_505 : vector<16xf32>
      %scan3A_507 = arith.constant 5 : i32
      %scan3A_508 = arith.addi %scan3A_351, %scan3A_507 : i32
      %mul3A_509 = arith.constant 16 : i32
      %mul3A_510 = arith.muli %scan3A_508, %mul3A_509 : i32
      %multiple_of3A_511 = tpu.assume_multiple %mul3A_510, 16 : i32
      %get3A_512 = arith.index_cast %multiple_of3A_511 : i32 to index
      %get3A_513 = tpu.vector_load %arg6[%get3A_512] {strides = array<i32>} : memref<3072xf32, #tpu.memory_space<vmem>>, vector<16xf32>,
      %add3A_514 = arith.constant 0 : i32
      %add3A_515 = arith.addi %add3A_514, %multiple_of3A_511 : i32
      %get3A_516 = arith.index_cast %add3A_515 : i32 to index
      %get3A_517 = tpu.vector_load %arg8[%get3A_516] {strides = array<i32>} : memref<49168xf32, #tpu.memory_space<vmem>>, vector<16xf32>,
      %mul3A_518 = arith.mulf %get3A_517, %get3A_513 : vector<16xf32>
      %add3A_519 = arith.addf %add3A_488, %mul3A_518 : vector<16xf32>
      %add3A_520 = arith.constant 3073 : i32
      %add3A_521 = arith.addi %add3A_520, %multiple_of3A_511 : i32
      %get3A_522 = arith.index_cast %add3A_521 : i32 to index
      %get3A_523 = tpu.vector_load %arg8[%get3A_522] {strides = array<i32>} : memref<49168xf32, #tpu.memory_space<vmem>>, vector<16xf32>,
      %mul3A_524 = arith.mulf %get3A_523, %get3A_513 : vector<16xf32>
      %add3A_525 = arith.addf %add3A_494, %mul3A_524 : vector<16xf32>
      %add3A_526 = arith.constant 6146 : i32
      %add3A_527 = arith.addi %add3A_526, %multiple_of3A_511 : i32
      %get3A_528 = arith.index_cast %add3A_527 : i32 to index
      %get3A_529 = tpu.vector_load %arg8[%get3A_528] {strides = array<i32>} : memref<49168xf32, #tpu.memory_space<vmem>>, vector<16xf32>,
      %mul3A_530 = arith.mulf %get3A_529, %get3A_513 : vector<16xf32>
      %add3A_531 = arith.addf %add3A_500, %mul3A_530 : vector<16xf32>
      %add3A_532 = arith.constant 9219 : i32
      %add3A_533 = arith.addi %add3A_532, %multiple_of3A_511 : i32
      %get3A_534 = arith.index_cast %add3A_533 : i32 to index
      %get3A_535 = tpu.vector_load %arg8[%get3A_534] {strides = array<i32>} : memref<49168xf32, #tpu.memory_space<vmem>>, vector<16xf32>,
      %mul3A_536 = arith.mulf %get3A_535, %get3A_513 : vector<16xf32>
      %add3A_537 = arith.addf %add3A_506, %mul3A_536 : vector<16xf32>
      %scan3A_538 = arith.constant 6 : i32
      %scan3A_539 = arith.addi %scan3A_351, %scan3A_538 : i32
      %mul3A_540 = arith.constant 16 : i32
      %mul3A_541 = arith.muli %scan3A_539, %mul3A_540 : i32
      %multiple_of3A_542 = tpu.assume_multiple %mul3A_541, 16 : i32
      %get3A_543 = arith.index_cast %multiple_of3A_542 : i32 to index
      %get3A_544 = tpu.vector_load %arg6[%get3A_543] {strides = array<i32>} : memref<3072xf32, #tpu.memory_space<vmem>>, vector<16xf32>,
      %add3A_545 = arith.constant 0 : i32
      %add3A_546 = arith.addi %add3A_545, %multiple_of3A_542 : i32
      %get3A_547 = arith.index_cast %add3A_546 : i32 to index
      %get3A_548 = tpu.vector_load %arg8[%get3A_547] {strides = array<i32>} : memref<49168xf32, #tpu.memory_space<vmem>>, vector<16xf32>,
      %mul3A_549 = arith.mulf %get3A_548, %get3A_544 : vector<16xf32>
      %add3A_550 = arith.addf %add3A_519, %mul3A_549 : vector<16xf32>
      %add3A_551 = arith.constant 3073 : i32
      %add3A_552 = arith.addi %add3A_551, %multiple_of3A_542 : i32
      %get3A_553 = arith.index_cast %add3A_552 : i32 to index
      %get3A_554 = tpu.vector_load %arg8[%get3A_553] {strides = array<i32>} : memref<49168xf32, #tpu.memory_space<vmem>>, vector<16xf32>,
      %mul3A_555 = arith.mulf %get3A_554, %get3A_544 : vector<16xf32>
      %add3A_556 = arith.addf %add3A_525, %mul3A_555 : vector<16xf32>
      %add3A_557 = arith.constant 6146 : i32
      %add3A_558 = arith.addi %add3A_557, %multiple_of3A_542 : i32
      %get3A_559 = arith.index_cast %add3A_558 : i32 to index
      %get3A_560 = tpu.vector_load %arg8[%get3A_559] {strides = array<i32>} : memref<49168xf32, #tpu.memory_space<vmem>>, vector<16xf32>,
      %mul3A_561 = arith.mulf %get3A_560, %get3A_544 : vector<16xf32>
      %add3A_562 = arith.addf %add3A_531, %mul3A_561 : vector<16xf32>
      %add3A_563 = arith.constant 9219 : i32
      %add3A_564 = arith.addi %add3A_563, %multiple_of3A_542 : i32
      %get3A_565 = arith.index_cast %add3A_564 : i32 to index
      %get3A_566 = tpu.vector_load %arg8[%get3A_565] {strides = array<i32>} : memref<49168xf32, #tpu.memory_space<vmem>>, vector<16xf32>,
      %mul3A_567 = arith.mulf %get3A_566, %get3A_544 : vector<16xf32>
      %add3A_568 = arith.addf %add3A_537, %mul3A_567 : vector<16xf32>
      %scan3A_569 = arith.constant 7 : i32
      %scan3A_570 = arith.addi %scan3A_351, %scan3A_569 : i32
      %mul3A_571 = arith.constant 16 : i32
      %mul3A_572 = arith.muli %scan3A_570, %mul3A_571 : i32
      %multiple_of3A_573 = tpu.assume_multiple %mul3A_572, 16 : i32
      %get3A_574 = arith.index_cast %multiple_of3A_573 : i32 to index
      %get3A_575 = tpu.vector_load %arg6[%get3A_574] {strides = array<i32>} : memref<3072xf32, #tpu.memory_space<vmem>>, vector<16xf32>,
      %add3A_576 = arith.constant 0 : i32
      %add3A_577 = arith.addi %add3A_576, %multiple_of3A_573 : i32
      %get3A_578 = arith.index_cast %add3A_577 : i32 to index
      %get3A_579 = tpu.vector_load %arg8[%get3A_578] {strides = array<i32>} : memref<49168xf32, #tpu.memory_space<vmem>>, vector<16xf32>,
      %mul3A_580 = arith.mulf %get3A_579, %get3A_575 : vector<16xf32>
      %add3A_581 = arith.addf %add3A_550, %mul3A_580 : vector<16xf32>
      %add3A_582 = arith.constant 3073 : i32
      %add3A_583 = arith.addi %add3A_582, %multiple_of3A_573 : i32
      %get3A_584 = arith.index_cast %add3A_583 : i32 to index
      %get3A_585 = tpu.vector_load %arg8[%get3A_584] {strides = array<i32>} : memref<49168xf32, #tpu.memory_space<vmem>>, vector<16xf32>,
      %mul3A_586 = arith.mulf %get3A_585, %get3A_575 : vector<16xf32>
      %add3A_587 = arith.addf %add3A_556, %mul3A_586 : vector<16xf32>
      %add3A_588 = arith.constant 6146 : i32
      %add3A_589 = arith.addi %add3A_588, %multiple_of3A_573 : i32
      %get3A_590 = arith.index_cast %add3A_589 : i32 to index
      %get3A_591 = tpu.vector_load %arg8[%get3A_590] {strides = array<i32>} : memref<49168xf32, #tpu.memory_space<vmem>>, vector<16xf32>,
      %mul3A_592 = arith.mulf %get3A_591, %get3A_575 : vector<16xf32>
      %add3A_593 = arith.addf %add3A_562, %mul3A_592 : vector<16xf32>
      %add3A_594 = arith.constant 9219 : i32
      %add3A_595 = arith.addi %add3A_594, %multiple_of3A_573 : i32
      %get3A_596 = arith.index_cast %add3A_595 : i32 to index
      %get3A_597 = tpu.vector_load %arg8[%get3A_596] {strides = array<i32>} : memref<49168xf32, #tpu.memory_space<vmem>>, vector<16xf32>,
      %mul3A_598 = arith.mulf %get3A_597, %get3A_575 : vector<16xf32>
      %add3A_599 = arith.addf %add3A_568, %mul3A_598 : vector<16xf32>
      scf.yield %add3A_581, %add3A_587, %add3A_593, %add3A_599 : vector<16xf32>, vector<16xf32>, vector<16xf32>, vector<16xf32>
    }
    %scan3A_183 = arith.constant 192 : i32
    %eq3A_184 = arith.constant 0 : i32
    %eq3A_185 = vector.broadcast %eq3A_184 : i32 to vector<16xi32>
    %eq3A_186 = arith.cmpi eq, %iota3A, %eq3A_185 : vector<16xi32>
    %reduce_sum3A_187 = arith.constant true
    %reduce_sum3A_188 = vector.broadcast %reduce_sum3A_187 : i1 to vector<16xi1>
    %reduce_sum3A_189 = tpu.scan <sum>, %scan3A_182#0 masked %reduce_sum3A_188 : vector<16xf32>, vector<16xi1> -> vector<16xf32>
    %reduce_sum3A_190 = vector.extract %reduce_sum3A_189[15] : f32 from vector<16xf32>
    %broadcast_in_dim3A_191 = vector.broadcast %reduce_sum3A_190 : f32 to vector<16xf32>
    %select_n3A_192 = arith.select %eq3A_186, %broadcast_in_dim3A_191, %broadcast_in_dim3A_10 : vector<16xi1>, vector<16xf32>
    %eq3A_193 = arith.constant 1 : i32
    %eq3A_194 = vector.broadcast %eq3A_193 : i32 to vector<16xi32>
    %eq3A_195 = arith.cmpi eq, %iota3A, %eq3A_194 : vector<16xi32>
    %reduce_sum3A_196 = arith.constant true
    %reduce_sum3A_197 = vector.broadcast %reduce_sum3A_196 : i1 to vector<16xi1>
    %reduce_sum3A_198 = tpu.scan <sum>, %scan3A_182#1 masked %reduce_sum3A_197 : vector<16xf32>, vector<16xi1> -> vector<16xf32>
    %reduce_sum3A_199 = vector.extract %reduce_sum3A_198[15] : f32 from vector<16xf32>
    %broadcast_in_dim3A_200 = vector.broadcast %reduce_sum3A_199 : f32 to vector<16xf32>
    %select_n3A_201 = arith.select %eq3A_195, %broadcast_in_dim3A_200, %select_n3A_192 : vector<16xi1>, vector<16xf32>
    %eq3A_202 = arith.constant 2 : i32
    %eq3A_203 = vector.broadcast %eq3A_202 : i32 to vector<16xi32>
    %eq3A_204 = arith.cmpi eq, %iota3A, %eq3A_203 : vector<16xi32>
    %reduce_sum3A_205 = arith.constant true
    %reduce_sum3A_206 = vector.broadcast %reduce_sum3A_205 : i1 to vector<16xi1>
    %reduce_sum3A_207 = tpu.scan <sum>, %scan3A_182#2 masked %reduce_sum3A_206 : vector<16xf32>, vector<16xi1> -> vector<16xf32>
    %reduce_sum3A_208 = vector.extract %reduce_sum3A_207[15] : f32 from vector<16xf32>
    %broadcast_in_dim3A_209 = vector.broadcast %reduce_sum3A_208 : f32 to vector<16xf32>
    %select_n3A_210 = arith.select %eq3A_204, %broadcast_in_dim3A_209, %select_n3A_201 : vector<16xi1>, vector<16xf32>
    %eq3A_211 = arith.constant 3 : i32
    %eq3A_212 = vector.broadcast %eq3A_211 : i32 to vector<16xi32>
    %eq3A_213 = arith.cmpi eq, %iota3A, %eq3A_212 : vector<16xi32>
    %reduce_sum3A_214 = arith.constant true
    %reduce_sum3A_215 = vector.broadcast %reduce_sum3A_214 : i1 to vector<16xi1>
    %reduce_sum3A_216 = tpu.scan <sum>, %scan3A_182#3 masked %reduce_sum3A_215 : vector<16xf32>, vector<16xi1> -> vector<16xf32>
    %reduce_sum3A_217 = vector.extract %reduce_sum3A_216[15] : f32 from vector<16xf32>
    %broadcast_in_dim3A_218 = vector.broadcast %reduce_sum3A_217 : f32 to vector<16xf32>
    %select_n3A_219 = arith.select %eq3A_213, %broadcast_in_dim3A_218, %select_n3A_210 : vector<16xi1>, vector<16xf32>
    %scan3A_220 = arith.constant 0 : i32
    %scan3A_221 = arith.constant 192 : i32
    %scan3A_222 = arith.addi %scan3A_220, %scan3A_221 : i32
    %scan3A_223 = arith.constant 8 : i32
    %scan3A_224:4 = scf.for %scan3A_351 = %scan3A_220 to %scan3A_222 step %scan3A_223 iter_args(%scan3A_352 = %broadcast_in_dim3A_10, %scan3A_353 = %broadcast_in_dim3A_10, %scan3A_354 = %broadcast_in_dim3A_10, %scan3A_355 = %broadcast_in_dim3A_10) -> (vector<16xf32>, vector<16xf32>, vector<16xf32>, vector<16xf32>)  : i32 {
      %mul3A_356 = arith.constant 16 : i32
      %mul3A_357 = arith.muli %scan3A_351, %mul3A_356 : i32
      %multiple_of3A = tpu.assume_multiple %mul3A_357, 16 : i32
      %get3A = arith.index_cast %multiple_of3A : i32 to index
      %get3A_358 = tpu.vector_load %arg6[%get3A] {strides = array<i32>} : memref<3072xf32, #tpu.memory_space<vmem>>, vector<16xf32>,
      %add3A_359 = arith.constant 12292 : i32
      %add3A_360 = arith.addi %add3A_359, %multiple_of3A : i32
      %get3A_361 = arith.index_cast %add3A_360 : i32 to index
      %get3A_362 = tpu.vector_load %arg8[%get3A_361] {strides = array<i32>} : memref<49168xf32, #tpu.memory_space<vmem>>, vector<16xf32>,
      %mul3A_363 = arith.mulf %get3A_362, %get3A_358 : vector<16xf32>
      %add3A_364 = arith.addf %scan3A_352, %mul3A_363 : vector<16xf32>
      %add3A_365 = arith.constant 15365 : i32
      %add3A_366 = arith.addi %add3A_365, %multiple_of3A : i32
      %get3A_367 = arith.index_cast %add3A_366 : i32 to index
      %get3A_368 = tpu.vector_load %arg8[%get3A_367] {strides = array<i32>} : memref<49168xf32, #tpu.memory_space<vmem>>, vector<16xf32>,
      %mul3A_369 = arith.mulf %get3A_368, %get3A_358 : vector<16xf32>
      %add3A_370 = arith.addf %scan3A_353, %mul3A_369 : vector<16xf32>
      %add3A_371 = arith.constant 18438 : i32
      %add3A_372 = arith.addi %add3A_371, %multiple_of3A : i32
      %get3A_373 = arith.index_cast %add3A_372 : i32 to index
      %get3A_374 = tpu.vector_load %arg8[%get3A_373] {strides = array<i32>} : memref<49168xf32, #tpu.memory_space<vmem>>, vector<16xf32>,
      %mul3A_375 = arith.mulf %get3A_374, %get3A_358 : vector<16xf32>
      %add3A_376 = arith.addf %scan3A_354, %mul3A_375 : vector<16xf32>
      %add3A_377 = arith.constant 21511 : i32
      %add3A_378 = arith.addi %add3A_377, %multiple_of3A : i32
      %get3A_379 = arith.index_cast %add3A_378 : i32 to index
      %get3A_380 = tpu.vector_load %arg8[%get3A_379] {strides = array<i32>} : memref<49168xf32, #tpu.memory_space<vmem>>, vector<16xf32>,
      %mul3A_381 = arith.mulf %get3A_380, %get3A_358 : vector<16xf32>
      %add3A_382 = arith.addf %scan3A_355, %mul3A_381 : vector<16xf32>
      %scan3A_383 = arith.constant 1 : i32
      %scan3A_384 = arith.addi %scan3A_351, %scan3A_383 : i32
      %mul3A_385 = arith.constant 16 : i32
      %mul3A_386 = arith.muli %scan3A_384, %mul3A_385 : i32
      %multiple_of3A_387 = tpu.assume_multiple %mul3A_386, 16 : i32
      %get3A_388 = arith.index_cast %multiple_of3A_387 : i32 to index
      %get3A_389 = tpu.vector_load %arg6[%get3A_388] {strides = array<i32>} : memref<3072xf32, #tpu.memory_space<vmem>>, vector<16xf32>,
      %add3A_390 = arith.constant 12292 : i32
      %add3A_391 = arith.addi %add3A_390, %multiple_of3A_387 : i32
      %get3A_392 = arith.index_cast %add3A_391 : i32 to index
      %get3A_393 = tpu.vector_load %arg8[%get3A_392] {strides = array<i32>} : memref<49168xf32, #tpu.memory_space<vmem>>, vector<16xf32>,
      %mul3A_394 = arith.mulf %get3A_393, %get3A_389 : vector<16xf32>
      %add3A_395 = arith.addf %add3A_364, %mul3A_394 : vector<16xf32>
      %add3A_396 = arith.constant 15365 : i32
      %add3A_397 = arith.addi %add3A_396, %multiple_of3A_387 : i32
      %get3A_398 = arith.index_cast %add3A_397 : i32 to index
      %get3A_399 = tpu.vector_load %arg8[%get3A_398] {strides = array<i32>} : memref<49168xf32, #tpu.memory_space<vmem>>, vector<16xf32>,
      %mul3A_400 = arith.mulf %get3A_399, %get3A_389 : vector<16xf32>
      %add3A_401 = arith.addf %add3A_370, %mul3A_400 : vector<16xf32>
      %add3A_402 = arith.constant 18438 : i32
      %add3A_403 = arith.addi %add3A_402, %multiple_of3A_387 : i32
      %get3A_404 = arith.index_cast %add3A_403 : i32 to index
      %get3A_405 = tpu.vector_load %arg8[%get3A_404] {strides = array<i32>} : memref<49168xf32, #tpu.memory_space<vmem>>, vector<16xf32>,
      %mul3A_406 = arith.mulf %get3A_405, %get3A_389 : vector<16xf32>
      %add3A_407 = arith.addf %add3A_376, %mul3A_406 : vector<16xf32>
      %add3A_408 = arith.constant 21511 : i32
      %add3A_409 = arith.addi %add3A_408, %multiple_of3A_387 : i32
      %get3A_410 = arith.index_cast %add3A_409 : i32 to index
      %get3A_411 = tpu.vector_load %arg8[%get3A_410] {strides = array<i32>} : memref<49168xf32, #tpu.memory_space<vmem>>, vector<16xf32>,
      %mul3A_412 = arith.mulf %get3A_411, %get3A_389 : vector<16xf32>
      %add3A_413 = arith.addf %add3A_382, %mul3A_412 : vector<16xf32>
      %scan3A_414 = arith.constant 2 : i32
      %scan3A_415 = arith.addi %scan3A_351, %scan3A_414 : i32
      %mul3A_416 = arith.constant 16 : i32
      %mul3A_417 = arith.muli %scan3A_415, %mul3A_416 : i32
      %multiple_of3A_418 = tpu.assume_multiple %mul3A_417, 16 : i32
      %get3A_419 = arith.index_cast %multiple_of3A_418 : i32 to index
      %get3A_420 = tpu.vector_load %arg6[%get3A_419] {strides = array<i32>} : memref<3072xf32, #tpu.memory_space<vmem>>, vector<16xf32>,
      %add3A_421 = arith.constant 12292 : i32
      %add3A_422 = arith.addi %add3A_421, %multiple_of3A_418 : i32
      %get3A_423 = arith.index_cast %add3A_422 : i32 to index
      %get3A_424 = tpu.vector_load %arg8[%get3A_423] {strides = array<i32>} : memref<49168xf32, #tpu.memory_space<vmem>>, vector<16xf32>,
      %mul3A_425 = arith.mulf %get3A_424, %get3A_420 : vector<16xf32>
      %add3A_426 = arith.addf %add3A_395, %mul3A_425 : vector<16xf32>
      %add3A_427 = arith.constant 15365 : i32
      %add3A_428 = arith.addi %add3A_427, %multiple_of3A_418 : i32
      %get3A_429 = arith.index_cast %add3A_428 : i32 to index
      %get3A_430 = tpu.vector_load %arg8[%get3A_429] {strides = array<i32>} : memref<49168xf32, #tpu.memory_space<vmem>>, vector<16xf32>,
      %mul3A_431 = arith.mulf %get3A_430, %get3A_420 : vector<16xf32>
      %add3A_432 = arith.addf %add3A_401, %mul3A_431 : vector<16xf32>
      %add3A_433 = arith.constant 18438 : i32
      %add3A_434 = arith.addi %add3A_433, %multiple_of3A_418 : i32
      %get3A_435 = arith.index_cast %add3A_434 : i32 to index
      %get3A_436 = tpu.vector_load %arg8[%get3A_435] {strides = array<i32>} : memref<49168xf32, #tpu.memory_space<vmem>>, vector<16xf32>,
      %mul3A_437 = arith.mulf %get3A_436, %get3A_420 : vector<16xf32>
      %add3A_438 = arith.addf %add3A_407, %mul3A_437 : vector<16xf32>
      %add3A_439 = arith.constant 21511 : i32
      %add3A_440 = arith.addi %add3A_439, %multiple_of3A_418 : i32
      %get3A_441 = arith.index_cast %add3A_440 : i32 to index
      %get3A_442 = tpu.vector_load %arg8[%get3A_441] {strides = array<i32>} : memref<49168xf32, #tpu.memory_space<vmem>>, vector<16xf32>,
      %mul3A_443 = arith.mulf %get3A_442, %get3A_420 : vector<16xf32>
      %add3A_444 = arith.addf %add3A_413, %mul3A_443 : vector<16xf32>
      %scan3A_445 = arith.constant 3 : i32
      %scan3A_446 = arith.addi %scan3A_351, %scan3A_445 : i32
      %mul3A_447 = arith.constant 16 : i32
      %mul3A_448 = arith.muli %scan3A_446, %mul3A_447 : i32
      %multiple_of3A_449 = tpu.assume_multiple %mul3A_448, 16 : i32
      %get3A_450 = arith.index_cast %multiple_of3A_449 : i32 to index
      %get3A_451 = tpu.vector_load %arg6[%get3A_450] {strides = array<i32>} : memref<3072xf32, #tpu.memory_space<vmem>>, vector<16xf32>,
      %add3A_452 = arith.constant 12292 : i32
      %add3A_453 = arith.addi %add3A_452, %multiple_of3A_449 : i32
      %get3A_454 = arith.index_cast %add3A_453 : i32 to index
      %get3A_455 = tpu.vector_load %arg8[%get3A_454] {strides = array<i32>} : memref<49168xf32, #tpu.memory_space<vmem>>, vector<16xf32>,
      %mul3A_456 = arith.mulf %get3A_455, %get3A_451 : vector<16xf32>
      %add3A_457 = arith.addf %add3A_426, %mul3A_456 : vector<16xf32>
      %add3A_458 = arith.constant 15365 : i32
      %add3A_459 = arith.addi %add3A_458, %multiple_of3A_449 : i32
      %get3A_460 = arith.index_cast %add3A_459 : i32 to index
      %get3A_461 = tpu.vector_load %arg8[%get3A_460] {strides = array<i32>} : memref<49168xf32, #tpu.memory_space<vmem>>, vector<16xf32>,
      %mul3A_462 = arith.mulf %get3A_461, %get3A_451 : vector<16xf32>
      %add3A_463 = arith.addf %add3A_432, %mul3A_462 : vector<16xf32>
      %add3A_464 = arith.constant 18438 : i32
      %add3A_465 = arith.addi %add3A_464, %multiple_of3A_449 : i32
      %get3A_466 = arith.index_cast %add3A_465 : i32 to index
      %get3A_467 = tpu.vector_load %arg8[%get3A_466] {strides = array<i32>} : memref<49168xf32, #tpu.memory_space<vmem>>, vector<16xf32>,
      %mul3A_468 = arith.mulf %get3A_467, %get3A_451 : vector<16xf32>
      %add3A_469 = arith.addf %add3A_438, %mul3A_468 : vector<16xf32>
      %add3A_470 = arith.constant 21511 : i32
      %add3A_471 = arith.addi %add3A_470, %multiple_of3A_449 : i32
      %get3A_472 = arith.index_cast %add3A_471 : i32 to index
      %get3A_473 = tpu.vector_load %arg8[%get3A_472] {strides = array<i32>} : memref<49168xf32, #tpu.memory_space<vmem>>, vector<16xf32>,
      %mul3A_474 = arith.mulf %get3A_473, %get3A_451 : vector<16xf32>
      %add3A_475 = arith.addf %add3A_444, %mul3A_474 : vector<16xf32>
      %scan3A_476 = arith.constant 4 : i32
      %scan3A_477 = arith.addi %scan3A_351, %scan3A_476 : i32
      %mul3A_478 = arith.constant 16 : i32
      %mul3A_479 = arith.muli %scan3A_477, %mul3A_478 : i32
      %multiple_of3A_480 = tpu.assume_multiple %mul3A_479, 16 : i32
      %get3A_481 = arith.index_cast %multiple_of3A_480 : i32 to index
      %get3A_482 = tpu.vector_load %arg6[%get3A_481] {strides = array<i32>} : memref<3072xf32, #tpu.memory_space<vmem>>, vector<16xf32>,
      %add3A_483 = arith.constant 12292 : i32
      %add3A_484 = arith.addi %add3A_483, %multiple_of3A_480 : i32
      %get3A_485 = arith.index_cast %add3A_484 : i32 to index
      %get3A_486 = tpu.vector_load %arg8[%get3A_485] {strides = array<i32>} : memref<49168xf32, #tpu.memory_space<vmem>>, vector<16xf32>,
      %mul3A_487 = arith.mulf %get3A_486, %get3A_482 : vector<16xf32>
      %add3A_488 = arith.addf %add3A_457, %mul3A_487 : vector<16xf32>
      %add3A_489 = arith.constant 15365 : i32
      %add3A_490 = arith.addi %add3A_489, %multiple_of3A_480 : i32
      %get3A_491 = arith.index_cast %add3A_490 : i32 to index
      %get3A_492 = tpu.vector_load %arg8[%get3A_491] {strides = array<i32>} : memref<49168xf32, #tpu.memory_space<vmem>>, vector<16xf32>,
      %mul3A_493 = arith.mulf %get3A_492, %get3A_482 : vector<16xf32>
      %add3A_494 = arith.addf %add3A_463, %mul3A_493 : vector<16xf32>
      %add3A_495 = arith.constant 18438 : i32
      %add3A_496 = arith.addi %add3A_495, %multiple_of3A_480 : i32
      %get3A_497 = arith.index_cast %add3A_496 : i32 to index
      %get3A_498 = tpu.vector_load %arg8[%get3A_497] {strides = array<i32>} : memref<49168xf32, #tpu.memory_space<vmem>>, vector<16xf32>,
      %mul3A_499 = arith.mulf %get3A_498, %get3A_482 : vector<16xf32>
      %add3A_500 = arith.addf %add3A_469, %mul3A_499 : vector<16xf32>
      %add3A_501 = arith.constant 21511 : i32
      %add3A_502 = arith.addi %add3A_501, %multiple_of3A_480 : i32
      %get3A_503 = arith.index_cast %add3A_502 : i32 to index
      %get3A_504 = tpu.vector_load %arg8[%get3A_503] {strides = array<i32>} : memref<49168xf32, #tpu.memory_space<vmem>>, vector<16xf32>,
      %mul3A_505 = arith.mulf %get3A_504, %get3A_482 : vector<16xf32>
      %add3A_506 = arith.addf %add3A_475, %mul3A_505 : vector<16xf32>
      %scan3A_507 = arith.constant 5 : i32
      %scan3A_508 = arith.addi %scan3A_351, %scan3A_507 : i32
      %mul3A_509 = arith.constant 16 : i32
      %mul3A_510 = arith.muli %scan3A_508, %mul3A_509 : i32
      %multiple_of3A_511 = tpu.assume_multiple %mul3A_510, 16 : i32
      %get3A_512 = arith.index_cast %multiple_of3A_511 : i32 to index
      %get3A_513 = tpu.vector_load %arg6[%get3A_512] {strides = array<i32>} : memref<3072xf32, #tpu.memory_space<vmem>>, vector<16xf32>,
      %add3A_514 = arith.constant 12292 : i32
      %add3A_515 = arith.addi %add3A_514, %multiple_of3A_511 : i32
      %get3A_516 = arith.index_cast %add3A_515 : i32 to index
      %get3A_517 = tpu.vector_load %arg8[%get3A_516] {strides = array<i32>} : memref<49168xf32, #tpu.memory_space<vmem>>, vector<16xf32>,
      %mul3A_518 = arith.mulf %get3A_517, %get3A_513 : vector<16xf32>
      %add3A_519 = arith.addf %add3A_488, %mul3A_518 : vector<16xf32>
      %add3A_520 = arith.constant 15365 : i32
      %add3A_521 = arith.addi %add3A_520, %multiple_of3A_511 : i32
      %get3A_522 = arith.index_cast %add3A_521 : i32 to index
      %get3A_523 = tpu.vector_load %arg8[%get3A_522] {strides = array<i32>} : memref<49168xf32, #tpu.memory_space<vmem>>, vector<16xf32>,
      %mul3A_524 = arith.mulf %get3A_523, %get3A_513 : vector<16xf32>
      %add3A_525 = arith.addf %add3A_494, %mul3A_524 : vector<16xf32>
      %add3A_526 = arith.constant 18438 : i32
      %add3A_527 = arith.addi %add3A_526, %multiple_of3A_511 : i32
      %get3A_528 = arith.index_cast %add3A_527 : i32 to index
      %get3A_529 = tpu.vector_load %arg8[%get3A_528] {strides = array<i32>} : memref<49168xf32, #tpu.memory_space<vmem>>, vector<16xf32>,
      %mul3A_530 = arith.mulf %get3A_529, %get3A_513 : vector<16xf32>
      %add3A_531 = arith.addf %add3A_500, %mul3A_530 : vector<16xf32>
      %add3A_532 = arith.constant 21511 : i32
      %add3A_533 = arith.addi %add3A_532, %multiple_of3A_511 : i32
      %get3A_534 = arith.index_cast %add3A_533 : i32 to index
      %get3A_535 = tpu.vector_load %arg8[%get3A_534] {strides = array<i32>} : memref<49168xf32, #tpu.memory_space<vmem>>, vector<16xf32>,
      %mul3A_536 = arith.mulf %get3A_535, %get3A_513 : vector<16xf32>
      %add3A_537 = arith.addf %add3A_506, %mul3A_536 : vector<16xf32>
      %scan3A_538 = arith.constant 6 : i32
      %scan3A_539 = arith.addi %scan3A_351, %scan3A_538 : i32
      %mul3A_540 = arith.constant 16 : i32
      %mul3A_541 = arith.muli %scan3A_539, %mul3A_540 : i32
      %multiple_of3A_542 = tpu.assume_multiple %mul3A_541, 16 : i32
      %get3A_543 = arith.index_cast %multiple_of3A_542 : i32 to index
      %get3A_544 = tpu.vector_load %arg6[%get3A_543] {strides = array<i32>} : memref<3072xf32, #tpu.memory_space<vmem>>, vector<16xf32>,
      %add3A_545 = arith.constant 12292 : i32
      %add3A_546 = arith.addi %add3A_545, %multiple_of3A_542 : i32
      %get3A_547 = arith.index_cast %add3A_546 : i32 to index
      %get3A_548 = tpu.vector_load %arg8[%get3A_547] {strides = array<i32>} : memref<49168xf32, #tpu.memory_space<vmem>>, vector<16xf32>,
      %mul3A_549 = arith.mulf %get3A_548, %get3A_544 : vector<16xf32>
      %add3A_550 = arith.addf %add3A_519, %mul3A_549 : vector<16xf32>
      %add3A_551 = arith.constant 15365 : i32
      %add3A_552 = arith.addi %add3A_551, %multiple_of3A_542 : i32
      %get3A_553 = arith.index_cast %add3A_552 : i32 to index
      %get3A_554 = tpu.vector_load %arg8[%get3A_553] {strides = array<i32>} : memref<49168xf32, #tpu.memory_space<vmem>>, vector<16xf32>,
      %mul3A_555 = arith.mulf %get3A_554, %get3A_544 : vector<16xf32>
      %add3A_556 = arith.addf %add3A_525, %mul3A_555 : vector<16xf32>
      %add3A_557 = arith.constant 18438 : i32
      %add3A_558 = arith.addi %add3A_557, %multiple_of3A_542 : i32
      %get3A_559 = arith.index_cast %add3A_558 : i32 to index
      %get3A_560 = tpu.vector_load %arg8[%get3A_559] {strides = array<i32>} : memref<49168xf32, #tpu.memory_space<vmem>>, vector<16xf32>,
      %mul3A_561 = arith.mulf %get3A_560, %get3A_544 : vector<16xf32>
      %add3A_562 = arith.addf %add3A_531, %mul3A_561 : vector<16xf32>
      %add3A_563 = arith.constant 21511 : i32
      %add3A_564 = arith.addi %add3A_563, %multiple_of3A_542 : i32
      %get3A_565 = arith.index_cast %add3A_564 : i32 to index
      %get3A_566 = tpu.vector_load %arg8[%get3A_565] {strides = array<i32>} : memref<49168xf32, #tpu.memory_space<vmem>>, vector<16xf32>,
      %mul3A_567 = arith.mulf %get3A_566, %get3A_544 : vector<16xf32>
      %add3A_568 = arith.addf %add3A_537, %mul3A_567 : vector<16xf32>
      %scan3A_569 = arith.constant 7 : i32
      %scan3A_570 = arith.addi %scan3A_351, %scan3A_569 : i32
      %mul3A_571 = arith.constant 16 : i32
      %mul3A_572 = arith.muli %scan3A_570, %mul3A_571 : i32
      %multiple_of3A_573 = tpu.assume_multiple %mul3A_572, 16 : i32
      %get3A_574 = arith.index_cast %multiple_of3A_573 : i32 to index
      %get3A_575 = tpu.vector_load %arg6[%get3A_574] {strides = array<i32>} : memref<3072xf32, #tpu.memory_space<vmem>>, vector<16xf32>,
      %add3A_576 = arith.constant 12292 : i32
      %add3A_577 = arith.addi %add3A_576, %multiple_of3A_573 : i32
      %get3A_578 = arith.index_cast %add3A_577 : i32 to index
      %get3A_579 = tpu.vector_load %arg8[%get3A_578] {strides = array<i32>} : memref<49168xf32, #tpu.memory_space<vmem>>, vector<16xf32>,
      %mul3A_580 = arith.mulf %get3A_579, %get3A_575 : vector<16xf32>
      %add3A_581 = arith.addf %add3A_550, %mul3A_580 : vector<16xf32>
      %add3A_582 = arith.constant 15365 : i32
      %add3A_583 = arith.addi %add3A_582, %multiple_of3A_573 : i32
      %get3A_584 = arith.index_cast %add3A_583 : i32 to index
      %get3A_585 = tpu.vector_load %arg8[%get3A_584] {strides = array<i32>} : memref<49168xf32, #tpu.memory_space<vmem>>, vector<16xf32>,
      %mul3A_586 = arith.mulf %get3A_585, %get3A_575 : vector<16xf32>
      %add3A_587 = arith.addf %add3A_556, %mul3A_586 : vector<16xf32>
      %add3A_588 = arith.constant 18438 : i32
      %add3A_589 = arith.addi %add3A_588, %multiple_of3A_573 : i32
      %get3A_590 = arith.index_cast %add3A_589 : i32 to index
      %get3A_591 = tpu.vector_load %arg8[%get3A_590] {strides = array<i32>} : memref<49168xf32, #tpu.memory_space<vmem>>, vector<16xf32>,
      %mul3A_592 = arith.mulf %get3A_591, %get3A_575 : vector<16xf32>
      %add3A_593 = arith.addf %add3A_562, %mul3A_592 : vector<16xf32>
      %add3A_594 = arith.constant 21511 : i32
      %add3A_595 = arith.addi %add3A_594, %multiple_of3A_573 : i32
      %get3A_596 = arith.index_cast %add3A_595 : i32 to index
      %get3A_597 = tpu.vector_load %arg8[%get3A_596] {strides = array<i32>} : memref<49168xf32, #tpu.memory_space<vmem>>, vector<16xf32>,
      %mul3A_598 = arith.mulf %get3A_597, %get3A_575 : vector<16xf32>
      %add3A_599 = arith.addf %add3A_568, %mul3A_598 : vector<16xf32>
      scf.yield %add3A_581, %add3A_587, %add3A_593, %add3A_599 : vector<16xf32>, vector<16xf32>, vector<16xf32>, vector<16xf32>
    }
    %scan3A_225 = arith.constant 192 : i32
    %eq3A_226 = arith.constant 4 : i32
    %eq3A_227 = vector.broadcast %eq3A_226 : i32 to vector<16xi32>
    %eq3A_228 = arith.cmpi eq, %iota3A, %eq3A_227 : vector<16xi32>
    %reduce_sum3A_229 = arith.constant true
    %reduce_sum3A_230 = vector.broadcast %reduce_sum3A_229 : i1 to vector<16xi1>
    %reduce_sum3A_231 = tpu.scan <sum>, %scan3A_224#0 masked %reduce_sum3A_230 : vector<16xf32>, vector<16xi1> -> vector<16xf32>
    %reduce_sum3A_232 = vector.extract %reduce_sum3A_231[15] : f32 from vector<16xf32>
    %broadcast_in_dim3A_233 = vector.broadcast %reduce_sum3A_232 : f32 to vector<16xf32>
    %select_n3A_234 = arith.select %eq3A_228, %broadcast_in_dim3A_233, %select_n3A_219 : vector<16xi1>, vector<16xf32>
    %eq3A_235 = arith.constant 5 : i32
    %eq3A_236 = vector.broadcast %eq3A_235 : i32 to vector<16xi32>
    %eq3A_237 = arith.cmpi eq, %iota3A, %eq3A_236 : vector<16xi32>
    %reduce_sum3A_238 = arith.constant true
    %reduce_sum3A_239 = vector.broadcast %reduce_sum3A_238 : i1 to vector<16xi1>
    %reduce_sum3A_240 = tpu.scan <sum>, %scan3A_224#1 masked %reduce_sum3A_239 : vector<16xf32>, vector<16xi1> -> vector<16xf32>
    %reduce_sum3A_241 = vector.extract %reduce_sum3A_240[15] : f32 from vector<16xf32>
    %broadcast_in_dim3A_242 = vector.broadcast %reduce_sum3A_241 : f32 to vector<16xf32>
    %select_n3A_243 = arith.select %eq3A_237, %broadcast_in_dim3A_242, %select_n3A_234 : vector<16xi1>, vector<16xf32>
    %eq3A_244 = arith.constant 6 : i32
    %eq3A_245 = vector.broadcast %eq3A_244 : i32 to vector<16xi32>
    %eq3A_246 = arith.cmpi eq, %iota3A, %eq3A_245 : vector<16xi32>
    %reduce_sum3A_247 = arith.constant true
    %reduce_sum3A_248 = vector.broadcast %reduce_sum3A_247 : i1 to vector<16xi1>
    %reduce_sum3A_249 = tpu.scan <sum>, %scan3A_224#2 masked %reduce_sum3A_248 : vector<16xf32>, vector<16xi1> -> vector<16xf32>
    %reduce_sum3A_250 = vector.extract %reduce_sum3A_249[15] : f32 from vector<16xf32>
    %broadcast_in_dim3A_251 = vector.broadcast %reduce_sum3A_250 : f32 to vector<16xf32>
    %select_n3A_252 = arith.select %eq3A_246, %broadcast_in_dim3A_251, %select_n3A_243 : vector<16xi1>, vector<16xf32>
    %eq3A_253 = arith.constant 7 : i32
    %eq3A_254 = vector.broadcast %eq3A_253 : i32 to vector<16xi32>
    %eq3A_255 = arith.cmpi eq, %iota3A, %eq3A_254 : vector<16xi32>
    %reduce_sum3A_256 = arith.constant true
    %reduce_sum3A_257 = vector.broadcast %reduce_sum3A_256 : i1 to vector<16xi1>
    %reduce_sum3A_258 = tpu.scan <sum>, %scan3A_224#3 masked %reduce_sum3A_257 : vector<16xf32>, vector<16xi1> -> vector<16xf32>
    %reduce_sum3A_259 = vector.extract %reduce_sum3A_258[15] : f32 from vector<16xf32>
    %broadcast_in_dim3A_260 = vector.broadcast %reduce_sum3A_259 : f32 to vector<16xf32>
    %select_n3A_261 = arith.select %eq3A_255, %broadcast_in_dim3A_260, %select_n3A_252 : vector<16xi1>, vector<16xf32>
    %scan3A_262 = arith.constant 0 : i32
    %scan3A_263 = arith.constant 192 : i32
    %scan3A_264 = arith.addi %scan3A_262, %scan3A_263 : i32
    %scan3A_265 = arith.constant 8 : i32
    %scan3A_266:4 = scf.for %scan3A_351 = %scan3A_262 to %scan3A_264 step %scan3A_265 iter_args(%scan3A_352 = %broadcast_in_dim3A_10, %scan3A_353 = %broadcast_in_dim3A_10, %scan3A_354 = %broadcast_in_dim3A_10, %scan3A_355 = %broadcast_in_dim3A_10) -> (vector<16xf32>, vector<16xf32>, vector<16xf32>, vector<16xf32>)  : i32 {
      %mul3A_356 = arith.constant 16 : i32
      %mul3A_357 = arith.muli %scan3A_351, %mul3A_356 : i32
      %multiple_of3A = tpu.assume_multiple %mul3A_357, 16 : i32
      %get3A = arith.index_cast %multiple_of3A : i32 to index
      %get3A_358 = tpu.vector_load %arg6[%get3A] {strides = array<i32>} : memref<3072xf32, #tpu.memory_space<vmem>>, vector<16xf32>,
      %add3A_359 = arith.constant 24584 : i32
      %add3A_360 = arith.addi %add3A_359, %multiple_of3A : i32
      %get3A_361 = arith.index_cast %add3A_360 : i32 to index
      %get3A_362 = tpu.vector_load %arg8[%get3A_361] {strides = array<i32>} : memref<49168xf32, #tpu.memory_space<vmem>>, vector<16xf32>,
      %mul3A_363 = arith.mulf %get3A_362, %get3A_358 : vector<16xf32>
      %add3A_364 = arith.addf %scan3A_352, %mul3A_363 : vector<16xf32>
      %add3A_365 = arith.constant 27657 : i32
      %add3A_366 = arith.addi %add3A_365, %multiple_of3A : i32
      %get3A_367 = arith.index_cast %add3A_366 : i32 to index
      %get3A_368 = tpu.vector_load %arg8[%get3A_367] {strides = array<i32>} : memref<49168xf32, #tpu.memory_space<vmem>>, vector<16xf32>,
      %mul3A_369 = arith.mulf %get3A_368, %get3A_358 : vector<16xf32>
      %add3A_370 = arith.addf %scan3A_353, %mul3A_369 : vector<16xf32>
      %add3A_371 = arith.constant 30730 : i32
      %add3A_372 = arith.addi %add3A_371, %multiple_of3A : i32
      %get3A_373 = arith.index_cast %add3A_372 : i32 to index
      %get3A_374 = tpu.vector_load %arg8[%get3A_373] {strides = array<i32>} : memref<49168xf32, #tpu.memory_space<vmem>>, vector<16xf32>,
      %mul3A_375 = arith.mulf %get3A_374, %get3A_358 : vector<16xf32>
      %add3A_376 = arith.addf %scan3A_354, %mul3A_375 : vector<16xf32>
      %add3A_377 = arith.constant 33803 : i32
      %add3A_378 = arith.addi %add3A_377, %multiple_of3A : i32
      %get3A_379 = arith.index_cast %add3A_378 : i32 to index
      %get3A_380 = tpu.vector_load %arg8[%get3A_379] {strides = array<i32>} : memref<49168xf32, #tpu.memory_space<vmem>>, vector<16xf32>,
      %mul3A_381 = arith.mulf %get3A_380, %get3A_358 : vector<16xf32>
      %add3A_382 = arith.addf %scan3A_355, %mul3A_381 : vector<16xf32>
      %scan3A_383 = arith.constant 1 : i32
      %scan3A_384 = arith.addi %scan3A_351, %scan3A_383 : i32
      %mul3A_385 = arith.constant 16 : i32
      %mul3A_386 = arith.muli %scan3A_384, %mul3A_385 : i32
      %multiple_of3A_387 = tpu.assume_multiple %mul3A_386, 16 : i32
      %get3A_388 = arith.index_cast %multiple_of3A_387 : i32 to index
      %get3A_389 = tpu.vector_load %arg6[%get3A_388] {strides = array<i32>} : memref<3072xf32, #tpu.memory_space<vmem>>, vector<16xf32>,
      %add3A_390 = arith.constant 24584 : i32
      %add3A_391 = arith.addi %add3A_390, %multiple_of3A_387 : i32
      %get3A_392 = arith.index_cast %add3A_391 : i32 to index
      %get3A_393 = tpu.vector_load %arg8[%get3A_392] {strides = array<i32>} : memref<49168xf32, #tpu.memory_space<vmem>>, vector<16xf32>,
      %mul3A_394 = arith.mulf %get3A_393, %get3A_389 : vector<16xf32>
      %add3A_395 = arith.addf %add3A_364, %mul3A_394 : vector<16xf32>
      %add3A_396 = arith.constant 27657 : i32
      %add3A_397 = arith.addi %add3A_396, %multiple_of3A_387 : i32
      %get3A_398 = arith.index_cast %add3A_397 : i32 to index
      %get3A_399 = tpu.vector_load %arg8[%get3A_398] {strides = array<i32>} : memref<49168xf32, #tpu.memory_space<vmem>>, vector<16xf32>,
      %mul3A_400 = arith.mulf %get3A_399, %get3A_389 : vector<16xf32>
      %add3A_401 = arith.addf %add3A_370, %mul3A_400 : vector<16xf32>
      %add3A_402 = arith.constant 30730 : i32
      %add3A_403 = arith.addi %add3A_402, %multiple_of3A_387 : i32
      %get3A_404 = arith.index_cast %add3A_403 : i32 to index
      %get3A_405 = tpu.vector_load %arg8[%get3A_404] {strides = array<i32>} : memref<49168xf32, #tpu.memory_space<vmem>>, vector<16xf32>,
      %mul3A_406 = arith.mulf %get3A_405, %get3A_389 : vector<16xf32>
      %add3A_407 = arith.addf %add3A_376, %mul3A_406 : vector<16xf32>
      %add3A_408 = arith.constant 33803 : i32
      %add3A_409 = arith.addi %add3A_408, %multiple_of3A_387 : i32
      %get3A_410 = arith.index_cast %add3A_409 : i32 to index
      %get3A_411 = tpu.vector_load %arg8[%get3A_410] {strides = array<i32>} : memref<49168xf32, #tpu.memory_space<vmem>>, vector<16xf32>,
      %mul3A_412 = arith.mulf %get3A_411, %get3A_389 : vector<16xf32>
      %add3A_413 = arith.addf %add3A_382, %mul3A_412 : vector<16xf32>
      %scan3A_414 = arith.constant 2 : i32
      %scan3A_415 = arith.addi %scan3A_351, %scan3A_414 : i32
      %mul3A_416 = arith.constant 16 : i32
      %mul3A_417 = arith.muli %scan3A_415, %mul3A_416 : i32
      %multiple_of3A_418 = tpu.assume_multiple %mul3A_417, 16 : i32
      %get3A_419 = arith.index_cast %multiple_of3A_418 : i32 to index
      %get3A_420 = tpu.vector_load %arg6[%get3A_419] {strides = array<i32>} : memref<3072xf32, #tpu.memory_space<vmem>>, vector<16xf32>,
      %add3A_421 = arith.constant 24584 : i32
      %add3A_422 = arith.addi %add3A_421, %multiple_of3A_418 : i32
      %get3A_423 = arith.index_cast %add3A_422 : i32 to index
      %get3A_424 = tpu.vector_load %arg8[%get3A_423] {strides = array<i32>} : memref<49168xf32, #tpu.memory_space<vmem>>, vector<16xf32>,
      %mul3A_425 = arith.mulf %get3A_424, %get3A_420 : vector<16xf32>
      %add3A_426 = arith.addf %add3A_395, %mul3A_425 : vector<16xf32>
      %add3A_427 = arith.constant 27657 : i32
      %add3A_428 = arith.addi %add3A_427, %multiple_of3A_418 : i32
      %get3A_429 = arith.index_cast %add3A_428 : i32 to index
      %get3A_430 = tpu.vector_load %arg8[%get3A_429] {strides = array<i32>} : memref<49168xf32, #tpu.memory_space<vmem>>, vector<16xf32>,
      %mul3A_431 = arith.mulf %get3A_430, %get3A_420 : vector<16xf32>
      %add3A_432 = arith.addf %add3A_401, %mul3A_431 : vector<16xf32>
      %add3A_433 = arith.constant 30730 : i32
      %add3A_434 = arith.addi %add3A_433, %multiple_of3A_418 : i32
      %get3A_435 = arith.index_cast %add3A_434 : i32 to index
      %get3A_436 = tpu.vector_load %arg8[%get3A_435] {strides = array<i32>} : memref<49168xf32, #tpu.memory_space<vmem>>, vector<16xf32>,
      %mul3A_437 = arith.mulf %get3A_436, %get3A_420 : vector<16xf32>
      %add3A_438 = arith.addf %add3A_407, %mul3A_437 : vector<16xf32>
      %add3A_439 = arith.constant 33803 : i32
      %add3A_440 = arith.addi %add3A_439, %multiple_of3A_418 : i32
      %get3A_441 = arith.index_cast %add3A_440 : i32 to index
      %get3A_442 = tpu.vector_load %arg8[%get3A_441] {strides = array<i32>} : memref<49168xf32, #tpu.memory_space<vmem>>, vector<16xf32>,
      %mul3A_443 = arith.mulf %get3A_442, %get3A_420 : vector<16xf32>
      %add3A_444 = arith.addf %add3A_413, %mul3A_443 : vector<16xf32>
      %scan3A_445 = arith.constant 3 : i32
      %scan3A_446 = arith.addi %scan3A_351, %scan3A_445 : i32
      %mul3A_447 = arith.constant 16 : i32
      %mul3A_448 = arith.muli %scan3A_446, %mul3A_447 : i32
      %multiple_of3A_449 = tpu.assume_multiple %mul3A_448, 16 : i32
      %get3A_450 = arith.index_cast %multiple_of3A_449 : i32 to index
      %get3A_451 = tpu.vector_load %arg6[%get3A_450] {strides = array<i32>} : memref<3072xf32, #tpu.memory_space<vmem>>, vector<16xf32>,
      %add3A_452 = arith.constant 24584 : i32
      %add3A_453 = arith.addi %add3A_452, %multiple_of3A_449 : i32
      %get3A_454 = arith.index_cast %add3A_453 : i32 to index
      %get3A_455 = tpu.vector_load %arg8[%get3A_454] {strides = array<i32>} : memref<49168xf32, #tpu.memory_space<vmem>>, vector<16xf32>,
      %mul3A_456 = arith.mulf %get3A_455, %get3A_451 : vector<16xf32>
      %add3A_457 = arith.addf %add3A_426, %mul3A_456 : vector<16xf32>
      %add3A_458 = arith.constant 27657 : i32
      %add3A_459 = arith.addi %add3A_458, %multiple_of3A_449 : i32
      %get3A_460 = arith.index_cast %add3A_459 : i32 to index
      %get3A_461 = tpu.vector_load %arg8[%get3A_460] {strides = array<i32>} : memref<49168xf32, #tpu.memory_space<vmem>>, vector<16xf32>,
      %mul3A_462 = arith.mulf %get3A_461, %get3A_451 : vector<16xf32>
      %add3A_463 = arith.addf %add3A_432, %mul3A_462 : vector<16xf32>
      %add3A_464 = arith.constant 30730 : i32
      %add3A_465 = arith.addi %add3A_464, %multiple_of3A_449 : i32
      %get3A_466 = arith.index_cast %add3A_465 : i32 to index
      %get3A_467 = tpu.vector_load %arg8[%get3A_466] {strides = array<i32>} : memref<49168xf32, #tpu.memory_space<vmem>>, vector<16xf32>,
      %mul3A_468 = arith.mulf %get3A_467, %get3A_451 : vector<16xf32>
      %add3A_469 = arith.addf %add3A_438, %mul3A_468 : vector<16xf32>
      %add3A_470 = arith.constant 33803 : i32
      %add3A_471 = arith.addi %add3A_470, %multiple_of3A_449 : i32
      %get3A_472 = arith.index_cast %add3A_471 : i32 to index
      %get3A_473 = tpu.vector_load %arg8[%get3A_472] {strides = array<i32>} : memref<49168xf32, #tpu.memory_space<vmem>>, vector<16xf32>,
      %mul3A_474 = arith.mulf %get3A_473, %get3A_451 : vector<16xf32>
      %add3A_475 = arith.addf %add3A_444, %mul3A_474 : vector<16xf32>
      %scan3A_476 = arith.constant 4 : i32
      %scan3A_477 = arith.addi %scan3A_351, %scan3A_476 : i32
      %mul3A_478 = arith.constant 16 : i32
      %mul3A_479 = arith.muli %scan3A_477, %mul3A_478 : i32
      %multiple_of3A_480 = tpu.assume_multiple %mul3A_479, 16 : i32
      %get3A_481 = arith.index_cast %multiple_of3A_480 : i32 to index
      %get3A_482 = tpu.vector_load %arg6[%get3A_481] {strides = array<i32>} : memref<3072xf32, #tpu.memory_space<vmem>>, vector<16xf32>,
      %add3A_483 = arith.constant 24584 : i32
      %add3A_484 = arith.addi %add3A_483, %multiple_of3A_480 : i32
      %get3A_485 = arith.index_cast %add3A_484 : i32 to index
      %get3A_486 = tpu.vector_load %arg8[%get3A_485] {strides = array<i32>} : memref<49168xf32, #tpu.memory_space<vmem>>, vector<16xf32>,
      %mul3A_487 = arith.mulf %get3A_486, %get3A_482 : vector<16xf32>
      %add3A_488 = arith.addf %add3A_457, %mul3A_487 : vector<16xf32>
      %add3A_489 = arith.constant 27657 : i32
      %add3A_490 = arith.addi %add3A_489, %multiple_of3A_480 : i32
      %get3A_491 = arith.index_cast %add3A_490 : i32 to index
      %get3A_492 = tpu.vector_load %arg8[%get3A_491] {strides = array<i32>} : memref<49168xf32, #tpu.memory_space<vmem>>, vector<16xf32>,
      %mul3A_493 = arith.mulf %get3A_492, %get3A_482 : vector<16xf32>
      %add3A_494 = arith.addf %add3A_463, %mul3A_493 : vector<16xf32>
      %add3A_495 = arith.constant 30730 : i32
      %add3A_496 = arith.addi %add3A_495, %multiple_of3A_480 : i32
      %get3A_497 = arith.index_cast %add3A_496 : i32 to index
      %get3A_498 = tpu.vector_load %arg8[%get3A_497] {strides = array<i32>} : memref<49168xf32, #tpu.memory_space<vmem>>, vector<16xf32>,
      %mul3A_499 = arith.mulf %get3A_498, %get3A_482 : vector<16xf32>
      %add3A_500 = arith.addf %add3A_469, %mul3A_499 : vector<16xf32>
      %add3A_501 = arith.constant 33803 : i32
      %add3A_502 = arith.addi %add3A_501, %multiple_of3A_480 : i32
      %get3A_503 = arith.index_cast %add3A_502 : i32 to index
      %get3A_504 = tpu.vector_load %arg8[%get3A_503] {strides = array<i32>} : memref<49168xf32, #tpu.memory_space<vmem>>, vector<16xf32>,
      %mul3A_505 = arith.mulf %get3A_504, %get3A_482 : vector<16xf32>
      %add3A_506 = arith.addf %add3A_475, %mul3A_505 : vector<16xf32>
      %scan3A_507 = arith.constant 5 : i32
      %scan3A_508 = arith.addi %scan3A_351, %scan3A_507 : i32
      %mul3A_509 = arith.constant 16 : i32
      %mul3A_510 = arith.muli %scan3A_508, %mul3A_509 : i32
      %multiple_of3A_511 = tpu.assume_multiple %mul3A_510, 16 : i32
      %get3A_512 = arith.index_cast %multiple_of3A_511 : i32 to index
      %get3A_513 = tpu.vector_load %arg6[%get3A_512] {strides = array<i32>} : memref<3072xf32, #tpu.memory_space<vmem>>, vector<16xf32>,
      %add3A_514 = arith.constant 24584 : i32
      %add3A_515 = arith.addi %add3A_514, %multiple_of3A_511 : i32
      %get3A_516 = arith.index_cast %add3A_515 : i32 to index
      %get3A_517 = tpu.vector_load %arg8[%get3A_516] {strides = array<i32>} : memref<49168xf32, #tpu.memory_space<vmem>>, vector<16xf32>,
      %mul3A_518 = arith.mulf %get3A_517, %get3A_513 : vector<16xf32>
      %add3A_519 = arith.addf %add3A_488, %mul3A_518 : vector<16xf32>
      %add3A_520 = arith.constant 27657 : i32
      %add3A_521 = arith.addi %add3A_520, %multiple_of3A_511 : i32
      %get3A_522 = arith.index_cast %add3A_521 : i32 to index
      %get3A_523 = tpu.vector_load %arg8[%get3A_522] {strides = array<i32>} : memref<49168xf32, #tpu.memory_space<vmem>>, vector<16xf32>,
      %mul3A_524 = arith.mulf %get3A_523, %get3A_513 : vector<16xf32>
      %add3A_525 = arith.addf %add3A_494, %mul3A_524 : vector<16xf32>
      %add3A_526 = arith.constant 30730 : i32
      %add3A_527 = arith.addi %add3A_526, %multiple_of3A_511 : i32
      %get3A_528 = arith.index_cast %add3A_527 : i32 to index
      %get3A_529 = tpu.vector_load %arg8[%get3A_528] {strides = array<i32>} : memref<49168xf32, #tpu.memory_space<vmem>>, vector<16xf32>,
      %mul3A_530 = arith.mulf %get3A_529, %get3A_513 : vector<16xf32>
      %add3A_531 = arith.addf %add3A_500, %mul3A_530 : vector<16xf32>
      %add3A_532 = arith.constant 33803 : i32
      %add3A_533 = arith.addi %add3A_532, %multiple_of3A_511 : i32
      %get3A_534 = arith.index_cast %add3A_533 : i32 to index
      %get3A_535 = tpu.vector_load %arg8[%get3A_534] {strides = array<i32>} : memref<49168xf32, #tpu.memory_space<vmem>>, vector<16xf32>,
      %mul3A_536 = arith.mulf %get3A_535, %get3A_513 : vector<16xf32>
      %add3A_537 = arith.addf %add3A_506, %mul3A_536 : vector<16xf32>
      %scan3A_538 = arith.constant 6 : i32
      %scan3A_539 = arith.addi %scan3A_351, %scan3A_538 : i32
      %mul3A_540 = arith.constant 16 : i32
      %mul3A_541 = arith.muli %scan3A_539, %mul3A_540 : i32
      %multiple_of3A_542 = tpu.assume_multiple %mul3A_541, 16 : i32
      %get3A_543 = arith.index_cast %multiple_of3A_542 : i32 to index
      %get3A_544 = tpu.vector_load %arg6[%get3A_543] {strides = array<i32>} : memref<3072xf32, #tpu.memory_space<vmem>>, vector<16xf32>,
      %add3A_545 = arith.constant 24584 : i32
      %add3A_546 = arith.addi %add3A_545, %multiple_of3A_542 : i32
      %get3A_547 = arith.index_cast %add3A_546 : i32 to index
      %get3A_548 = tpu.vector_load %arg8[%get3A_547] {strides = array<i32>} : memref<49168xf32, #tpu.memory_space<vmem>>, vector<16xf32>,
      %mul3A_549 = arith.mulf %get3A_548, %get3A_544 : vector<16xf32>
      %add3A_550 = arith.addf %add3A_519, %mul3A_549 : vector<16xf32>
      %add3A_551 = arith.constant 27657 : i32
      %add3A_552 = arith.addi %add3A_551, %multiple_of3A_542 : i32
      %get3A_553 = arith.index_cast %add3A_552 : i32 to index
      %get3A_554 = tpu.vector_load %arg8[%get3A_553] {strides = array<i32>} : memref<49168xf32, #tpu.memory_space<vmem>>, vector<16xf32>,
      %mul3A_555 = arith.mulf %get3A_554, %get3A_544 : vector<16xf32>
      %add3A_556 = arith.addf %add3A_525, %mul3A_555 : vector<16xf32>
      %add3A_557 = arith.constant 30730 : i32
      %add3A_558 = arith.addi %add3A_557, %multiple_of3A_542 : i32
      %get3A_559 = arith.index_cast %add3A_558 : i32 to index
      %get3A_560 = tpu.vector_load %arg8[%get3A_559] {strides = array<i32>} : memref<49168xf32, #tpu.memory_space<vmem>>, vector<16xf32>,
      %mul3A_561 = arith.mulf %get3A_560, %get3A_544 : vector<16xf32>
      %add3A_562 = arith.addf %add3A_531, %mul3A_561 : vector<16xf32>
      %add3A_563 = arith.constant 33803 : i32
      %add3A_564 = arith.addi %add3A_563, %multiple_of3A_542 : i32
      %get3A_565 = arith.index_cast %add3A_564 : i32 to index
      %get3A_566 = tpu.vector_load %arg8[%get3A_565] {strides = array<i32>} : memref<49168xf32, #tpu.memory_space<vmem>>, vector<16xf32>,
      %mul3A_567 = arith.mulf %get3A_566, %get3A_544 : vector<16xf32>
      %add3A_568 = arith.addf %add3A_537, %mul3A_567 : vector<16xf32>
      %scan3A_569 = arith.constant 7 : i32
      %scan3A_570 = arith.addi %scan3A_351, %scan3A_569 : i32
      %mul3A_571 = arith.constant 16 : i32
      %mul3A_572 = arith.muli %scan3A_570, %mul3A_571 : i32
      %multiple_of3A_573 = tpu.assume_multiple %mul3A_572, 16 : i32
      %get3A_574 = arith.index_cast %multiple_of3A_573 : i32 to index
      %get3A_575 = tpu.vector_load %arg6[%get3A_574] {strides = array<i32>} : memref<3072xf32, #tpu.memory_space<vmem>>, vector<16xf32>,
      %add3A_576 = arith.constant 24584 : i32
      %add3A_577 = arith.addi %add3A_576, %multiple_of3A_573 : i32
      %get3A_578 = arith.index_cast %add3A_577 : i32 to index
      %get3A_579 = tpu.vector_load %arg8[%get3A_578] {strides = array<i32>} : memref<49168xf32, #tpu.memory_space<vmem>>, vector<16xf32>,
      %mul3A_580 = arith.mulf %get3A_579, %get3A_575 : vector<16xf32>
      %add3A_581 = arith.addf %add3A_550, %mul3A_580 : vector<16xf32>
      %add3A_582 = arith.constant 27657 : i32
      %add3A_583 = arith.addi %add3A_582, %multiple_of3A_573 : i32
      %get3A_584 = arith.index_cast %add3A_583 : i32 to index
      %get3A_585 = tpu.vector_load %arg8[%get3A_584] {strides = array<i32>} : memref<49168xf32, #tpu.memory_space<vmem>>, vector<16xf32>,
      %mul3A_586 = arith.mulf %get3A_585, %get3A_575 : vector<16xf32>
      %add3A_587 = arith.addf %add3A_556, %mul3A_586 : vector<16xf32>
      %add3A_588 = arith.constant 30730 : i32
      %add3A_589 = arith.addi %add3A_588, %multiple_of3A_573 : i32
      %get3A_590 = arith.index_cast %add3A_589 : i32 to index
      %get3A_591 = tpu.vector_load %arg8[%get3A_590] {strides = array<i32>} : memref<49168xf32, #tpu.memory_space<vmem>>, vector<16xf32>,
      %mul3A_592 = arith.mulf %get3A_591, %get3A_575 : vector<16xf32>
      %add3A_593 = arith.addf %add3A_562, %mul3A_592 : vector<16xf32>
      %add3A_594 = arith.constant 33803 : i32
      %add3A_595 = arith.addi %add3A_594, %multiple_of3A_573 : i32
      %get3A_596 = arith.index_cast %add3A_595 : i32 to index
      %get3A_597 = tpu.vector_load %arg8[%get3A_596] {strides = array<i32>} : memref<49168xf32, #tpu.memory_space<vmem>>, vector<16xf32>,
      %mul3A_598 = arith.mulf %get3A_597, %get3A_575 : vector<16xf32>
      %add3A_599 = arith.addf %add3A_568, %mul3A_598 : vector<16xf32>
      scf.yield %add3A_581, %add3A_587, %add3A_593, %add3A_599 : vector<16xf32>, vector<16xf32>, vector<16xf32>, vector<16xf32>
    }
    %scan3A_267 = arith.constant 192 : i32
    %eq3A_268 = arith.constant 8 : i32
    %eq3A_269 = vector.broadcast %eq3A_268 : i32 to vector<16xi32>
    %eq3A_270 = arith.cmpi eq, %iota3A, %eq3A_269 : vector<16xi32>
    %reduce_sum3A_271 = arith.constant true
    %reduce_sum3A_272 = vector.broadcast %reduce_sum3A_271 : i1 to vector<16xi1>
    %reduce_sum3A_273 = tpu.scan <sum>, %scan3A_266#0 masked %reduce_sum3A_272 : vector<16xf32>, vector<16xi1> -> vector<16xf32>
    %reduce_sum3A_274 = vector.extract %reduce_sum3A_273[15] : f32 from vector<16xf32>
    %broadcast_in_dim3A_275 = vector.broadcast %reduce_sum3A_274 : f32 to vector<16xf32>
    %select_n3A_276 = arith.select %eq3A_270, %broadcast_in_dim3A_275, %select_n3A_261 : vector<16xi1>, vector<16xf32>
    %eq3A_277 = arith.constant 9 : i32
    %eq3A_278 = vector.broadcast %eq3A_277 : i32 to vector<16xi32>
    %eq3A_279 = arith.cmpi eq, %iota3A, %eq3A_278 : vector<16xi32>
    %reduce_sum3A_280 = arith.constant true
    %reduce_sum3A_281 = vector.broadcast %reduce_sum3A_280 : i1 to vector<16xi1>
    %reduce_sum3A_282 = tpu.scan <sum>, %scan3A_266#1 masked %reduce_sum3A_281 : vector<16xf32>, vector<16xi1> -> vector<16xf32>
    %reduce_sum3A_283 = vector.extract %reduce_sum3A_282[15] : f32 from vector<16xf32>
    %broadcast_in_dim3A_284 = vector.broadcast %reduce_sum3A_283 : f32 to vector<16xf32>
    %select_n3A_285 = arith.select %eq3A_279, %broadcast_in_dim3A_284, %select_n3A_276 : vector<16xi1>, vector<16xf32>
    %eq3A_286 = arith.constant 10 : i32
    %eq3A_287 = vector.broadcast %eq3A_286 : i32 to vector<16xi32>
    %eq3A_288 = arith.cmpi eq, %iota3A, %eq3A_287 : vector<16xi32>
    %reduce_sum3A_289 = arith.constant true
    %reduce_sum3A_290 = vector.broadcast %reduce_sum3A_289 : i1 to vector<16xi1>
    %reduce_sum3A_291 = tpu.scan <sum>, %scan3A_266#2 masked %reduce_sum3A_290 : vector<16xf32>, vector<16xi1> -> vector<16xf32>
    %reduce_sum3A_292 = vector.extract %reduce_sum3A_291[15] : f32 from vector<16xf32>
    %broadcast_in_dim3A_293 = vector.broadcast %reduce_sum3A_292 : f32 to vector<16xf32>
    %select_n3A_294 = arith.select %eq3A_288, %broadcast_in_dim3A_293, %select_n3A_285 : vector<16xi1>, vector<16xf32>
    %eq3A_295 = arith.constant 11 : i32
    %eq3A_296 = vector.broadcast %eq3A_295 : i32 to vector<16xi32>
    %eq3A_297 = arith.cmpi eq, %iota3A, %eq3A_296 : vector<16xi32>
    %reduce_sum3A_298 = arith.constant true
    %reduce_sum3A_299 = vector.broadcast %reduce_sum3A_298 : i1 to vector<16xi1>
    %reduce_sum3A_300 = tpu.scan <sum>, %scan3A_266#3 masked %reduce_sum3A_299 : vector<16xf32>, vector<16xi1> -> vector<16xf32>
    %reduce_sum3A_301 = vector.extract %reduce_sum3A_300[15] : f32 from vector<16xf32>
    %broadcast_in_dim3A_302 = vector.broadcast %reduce_sum3A_301 : f32 to vector<16xf32>
    %select_n3A_303 = arith.select %eq3A_297, %broadcast_in_dim3A_302, %select_n3A_294 : vector<16xi1>, vector<16xf32>
    %scan3A_304 = arith.constant 0 : i32
    %scan3A_305 = arith.constant 192 : i32
    %scan3A_306 = arith.addi %scan3A_304, %scan3A_305 : i32
    %scan3A_307 = arith.constant 8 : i32
    %scan3A_308:4 = scf.for %scan3A_351 = %scan3A_304 to %scan3A_306 step %scan3A_307 iter_args(%scan3A_352 = %broadcast_in_dim3A_10, %scan3A_353 = %broadcast_in_dim3A_10, %scan3A_354 = %broadcast_in_dim3A_10, %scan3A_355 = %broadcast_in_dim3A_10) -> (vector<16xf32>, vector<16xf32>, vector<16xf32>, vector<16xf32>)  : i32 {
      %mul3A_356 = arith.constant 16 : i32
      %mul3A_357 = arith.muli %scan3A_351, %mul3A_356 : i32
      %multiple_of3A = tpu.assume_multiple %mul3A_357, 16 : i32
      %get3A = arith.index_cast %multiple_of3A : i32 to index
      %get3A_358 = tpu.vector_load %arg6[%get3A] {strides = array<i32>} : memref<3072xf32, #tpu.memory_space<vmem>>, vector<16xf32>,
      %add3A_359 = arith.constant 36876 : i32
      %add3A_360 = arith.addi %add3A_359, %multiple_of3A : i32
      %get3A_361 = arith.index_cast %add3A_360 : i32 to index
      %get3A_362 = tpu.vector_load %arg8[%get3A_361] {strides = array<i32>} : memref<49168xf32, #tpu.memory_space<vmem>>, vector<16xf32>,
      %mul3A_363 = arith.mulf %get3A_362, %get3A_358 : vector<16xf32>
      %add3A_364 = arith.addf %scan3A_352, %mul3A_363 : vector<16xf32>
      %add3A_365 = arith.constant 39949 : i32
      %add3A_366 = arith.addi %add3A_365, %multiple_of3A : i32
      %get3A_367 = arith.index_cast %add3A_366 : i32 to index
      %get3A_368 = tpu.vector_load %arg8[%get3A_367] {strides = array<i32>} : memref<49168xf32, #tpu.memory_space<vmem>>, vector<16xf32>,
      %mul3A_369 = arith.mulf %get3A_368, %get3A_358 : vector<16xf32>
      %add3A_370 = arith.addf %scan3A_353, %mul3A_369 : vector<16xf32>
      %add3A_371 = arith.constant 43022 : i32
      %add3A_372 = arith.addi %add3A_371, %multiple_of3A : i32
      %get3A_373 = arith.index_cast %add3A_372 : i32 to index
      %get3A_374 = tpu.vector_load %arg8[%get3A_373] {strides = array<i32>} : memref<49168xf32, #tpu.memory_space<vmem>>, vector<16xf32>,
      %mul3A_375 = arith.mulf %get3A_374, %get3A_358 : vector<16xf32>
      %add3A_376 = arith.addf %scan3A_354, %mul3A_375 : vector<16xf32>
      %add3A_377 = arith.constant 46095 : i32
      %add3A_378 = arith.addi %add3A_377, %multiple_of3A : i32
      %get3A_379 = arith.index_cast %add3A_378 : i32 to index
      %get3A_380 = tpu.vector_load %arg8[%get3A_379] {strides = array<i32>} : memref<49168xf32, #tpu.memory_space<vmem>>, vector<16xf32>,
      %mul3A_381 = arith.mulf %get3A_380, %get3A_358 : vector<16xf32>
      %add3A_382 = arith.addf %scan3A_355, %mul3A_381 : vector<16xf32>
      %scan3A_383 = arith.constant 1 : i32
      %scan3A_384 = arith.addi %scan3A_351, %scan3A_383 : i32
      %mul3A_385 = arith.constant 16 : i32
      %mul3A_386 = arith.muli %scan3A_384, %mul3A_385 : i32
      %multiple_of3A_387 = tpu.assume_multiple %mul3A_386, 16 : i32
      %get3A_388 = arith.index_cast %multiple_of3A_387 : i32 to index
      %get3A_389 = tpu.vector_load %arg6[%get3A_388] {strides = array<i32>} : memref<3072xf32, #tpu.memory_space<vmem>>, vector<16xf32>,
      %add3A_390 = arith.constant 36876 : i32
      %add3A_391 = arith.addi %add3A_390, %multiple_of3A_387 : i32
      %get3A_392 = arith.index_cast %add3A_391 : i32 to index
      %get3A_393 = tpu.vector_load %arg8[%get3A_392] {strides = array<i32>} : memref<49168xf32, #tpu.memory_space<vmem>>, vector<16xf32>,
      %mul3A_394 = arith.mulf %get3A_393, %get3A_389 : vector<16xf32>
      %add3A_395 = arith.addf %add3A_364, %mul3A_394 : vector<16xf32>
      %add3A_396 = arith.constant 39949 : i32
      %add3A_397 = arith.addi %add3A_396, %multiple_of3A_387 : i32
      %get3A_398 = arith.index_cast %add3A_397 : i32 to index
      %get3A_399 = tpu.vector_load %arg8[%get3A_398] {strides = array<i32>} : memref<49168xf32, #tpu.memory_space<vmem>>, vector<16xf32>,
      %mul3A_400 = arith.mulf %get3A_399, %get3A_389 : vector<16xf32>
      %add3A_401 = arith.addf %add3A_370, %mul3A_400 : vector<16xf32>
      %add3A_402 = arith.constant 43022 : i32
      %add3A_403 = arith.addi %add3A_402, %multiple_of3A_387 : i32
      %get3A_404 = arith.index_cast %add3A_403 : i32 to index
      %get3A_405 = tpu.vector_load %arg8[%get3A_404] {strides = array<i32>} : memref<49168xf32, #tpu.memory_space<vmem>>, vector<16xf32>,
      %mul3A_406 = arith.mulf %get3A_405, %get3A_389 : vector<16xf32>
      %add3A_407 = arith.addf %add3A_376, %mul3A_406 : vector<16xf32>
      %add3A_408 = arith.constant 46095 : i32
      %add3A_409 = arith.addi %add3A_408, %multiple_of3A_387 : i32
      %get3A_410 = arith.index_cast %add3A_409 : i32 to index
      %get3A_411 = tpu.vector_load %arg8[%get3A_410] {strides = array<i32>} : memref<49168xf32, #tpu.memory_space<vmem>>, vector<16xf32>,
      %mul3A_412 = arith.mulf %get3A_411, %get3A_389 : vector<16xf32>
      %add3A_413 = arith.addf %add3A_382, %mul3A_412 : vector<16xf32>
      %scan3A_414 = arith.constant 2 : i32
      %scan3A_415 = arith.addi %scan3A_351, %scan3A_414 : i32
      %mul3A_416 = arith.constant 16 : i32
      %mul3A_417 = arith.muli %scan3A_415, %mul3A_416 : i32
      %multiple_of3A_418 = tpu.assume_multiple %mul3A_417, 16 : i32
      %get3A_419 = arith.index_cast %multiple_of3A_418 : i32 to index
      %get3A_420 = tpu.vector_load %arg6[%get3A_419] {strides = array<i32>} : memref<3072xf32, #tpu.memory_space<vmem>>, vector<16xf32>,
      %add3A_421 = arith.constant 36876 : i32
      %add3A_422 = arith.addi %add3A_421, %multiple_of3A_418 : i32
      %get3A_423 = arith.index_cast %add3A_422 : i32 to index
      %get3A_424 = tpu.vector_load %arg8[%get3A_423] {strides = array<i32>} : memref<49168xf32, #tpu.memory_space<vmem>>, vector<16xf32>,
      %mul3A_425 = arith.mulf %get3A_424, %get3A_420 : vector<16xf32>
      %add3A_426 = arith.addf %add3A_395, %mul3A_425 : vector<16xf32>
      %add3A_427 = arith.constant 39949 : i32
      %add3A_428 = arith.addi %add3A_427, %multiple_of3A_418 : i32
      %get3A_429 = arith.index_cast %add3A_428 : i32 to index
      %get3A_430 = tpu.vector_load %arg8[%get3A_429] {strides = array<i32>} : memref<49168xf32, #tpu.memory_space<vmem>>, vector<16xf32>,
      %mul3A_431 = arith.mulf %get3A_430, %get3A_420 : vector<16xf32>
      %add3A_432 = arith.addf %add3A_401, %mul3A_431 : vector<16xf32>
      %add3A_433 = arith.constant 43022 : i32
      %add3A_434 = arith.addi %add3A_433, %multiple_of3A_418 : i32
      %get3A_435 = arith.index_cast %add3A_434 : i32 to index
      %get3A_436 = tpu.vector_load %arg8[%get3A_435] {strides = array<i32>} : memref<49168xf32, #tpu.memory_space<vmem>>, vector<16xf32>,
      %mul3A_437 = arith.mulf %get3A_436, %get3A_420 : vector<16xf32>
      %add3A_438 = arith.addf %add3A_407, %mul3A_437 : vector<16xf32>
      %add3A_439 = arith.constant 46095 : i32
      %add3A_440 = arith.addi %add3A_439, %multiple_of3A_418 : i32
      %get3A_441 = arith.index_cast %add3A_440 : i32 to index
      %get3A_442 = tpu.vector_load %arg8[%get3A_441] {strides = array<i32>} : memref<49168xf32, #tpu.memory_space<vmem>>, vector<16xf32>,
      %mul3A_443 = arith.mulf %get3A_442, %get3A_420 : vector<16xf32>
      %add3A_444 = arith.addf %add3A_413, %mul3A_443 : vector<16xf32>
      %scan3A_445 = arith.constant 3 : i32
      %scan3A_446 = arith.addi %scan3A_351, %scan3A_445 : i32
      %mul3A_447 = arith.constant 16 : i32
      %mul3A_448 = arith.muli %scan3A_446, %mul3A_447 : i32
      %multiple_of3A_449 = tpu.assume_multiple %mul3A_448, 16 : i32
      %get3A_450 = arith.index_cast %multiple_of3A_449 : i32 to index
      %get3A_451 = tpu.vector_load %arg6[%get3A_450] {strides = array<i32>} : memref<3072xf32, #tpu.memory_space<vmem>>, vector<16xf32>,
      %add3A_452 = arith.constant 36876 : i32
      %add3A_453 = arith.addi %add3A_452, %multiple_of3A_449 : i32
      %get3A_454 = arith.index_cast %add3A_453 : i32 to index
      %get3A_455 = tpu.vector_load %arg8[%get3A_454] {strides = array<i32>} : memref<49168xf32, #tpu.memory_space<vmem>>, vector<16xf32>,
      %mul3A_456 = arith.mulf %get3A_455, %get3A_451 : vector<16xf32>
      %add3A_457 = arith.addf %add3A_426, %mul3A_456 : vector<16xf32>
      %add3A_458 = arith.constant 39949 : i32
      %add3A_459 = arith.addi %add3A_458, %multiple_of3A_449 : i32
      %get3A_460 = arith.index_cast %add3A_459 : i32 to index
      %get3A_461 = tpu.vector_load %arg8[%get3A_460] {strides = array<i32>} : memref<49168xf32, #tpu.memory_space<vmem>>, vector<16xf32>,
      %mul3A_462 = arith.mulf %get3A_461, %get3A_451 : vector<16xf32>
      %add3A_463 = arith.addf %add3A_432, %mul3A_462 : vector<16xf32>
      %add3A_464 = arith.constant 43022 : i32
      %add3A_465 = arith.addi %add3A_464, %multiple_of3A_449 : i32
      %get3A_466 = arith.index_cast %add3A_465 : i32 to index
      %get3A_467 = tpu.vector_load %arg8[%get3A_466] {strides = array<i32>} : memref<49168xf32, #tpu.memory_space<vmem>>, vector<16xf32>,
      %mul3A_468 = arith.mulf %get3A_467, %get3A_451 : vector<16xf32>
      %add3A_469 = arith.addf %add3A_438, %mul3A_468 : vector<16xf32>
      %add3A_470 = arith.constant 46095 : i32
      %add3A_471 = arith.addi %add3A_470, %multiple_of3A_449 : i32
      %get3A_472 = arith.index_cast %add3A_471 : i32 to index
      %get3A_473 = tpu.vector_load %arg8[%get3A_472] {strides = array<i32>} : memref<49168xf32, #tpu.memory_space<vmem>>, vector<16xf32>,
      %mul3A_474 = arith.mulf %get3A_473, %get3A_451 : vector<16xf32>
      %add3A_475 = arith.addf %add3A_444, %mul3A_474 : vector<16xf32>
      %scan3A_476 = arith.constant 4 : i32
      %scan3A_477 = arith.addi %scan3A_351, %scan3A_476 : i32
      %mul3A_478 = arith.constant 16 : i32
      %mul3A_479 = arith.muli %scan3A_477, %mul3A_478 : i32
      %multiple_of3A_480 = tpu.assume_multiple %mul3A_479, 16 : i32
      %get3A_481 = arith.index_cast %multiple_of3A_480 : i32 to index
      %get3A_482 = tpu.vector_load %arg6[%get3A_481] {strides = array<i32>} : memref<3072xf32, #tpu.memory_space<vmem>>, vector<16xf32>,
      %add3A_483 = arith.constant 36876 : i32
      %add3A_484 = arith.addi %add3A_483, %multiple_of3A_480 : i32
      %get3A_485 = arith.index_cast %add3A_484 : i32 to index
      %get3A_486 = tpu.vector_load %arg8[%get3A_485] {strides = array<i32>} : memref<49168xf32, #tpu.memory_space<vmem>>, vector<16xf32>,
      %mul3A_487 = arith.mulf %get3A_486, %get3A_482 : vector<16xf32>
      %add3A_488 = arith.addf %add3A_457, %mul3A_487 : vector<16xf32>
      %add3A_489 = arith.constant 39949 : i32
      %add3A_490 = arith.addi %add3A_489, %multiple_of3A_480 : i32
      %get3A_491 = arith.index_cast %add3A_490 : i32 to index
      %get3A_492 = tpu.vector_load %arg8[%get3A_491] {strides = array<i32>} : memref<49168xf32, #tpu.memory_space<vmem>>, vector<16xf32>,
      %mul3A_493 = arith.mulf %get3A_492, %get3A_482 : vector<16xf32>
      %add3A_494 = arith.addf %add3A_463, %mul3A_493 : vector<16xf32>
      %add3A_495 = arith.constant 43022 : i32
      %add3A_496 = arith.addi %add3A_495, %multiple_of3A_480 : i32
      %get3A_497 = arith.index_cast %add3A_496 : i32 to index
      %get3A_498 = tpu.vector_load %arg8[%get3A_497] {strides = array<i32>} : memref<49168xf32, #tpu.memory_space<vmem>>, vector<16xf32>,
      %mul3A_499 = arith.mulf %get3A_498, %get3A_482 : vector<16xf32>
      %add3A_500 = arith.addf %add3A_469, %mul3A_499 : vector<16xf32>
      %add3A_501 = arith.constant 46095 : i32
      %add3A_502 = arith.addi %add3A_501, %multiple_of3A_480 : i32
      %get3A_503 = arith.index_cast %add3A_502 : i32 to index
      %get3A_504 = tpu.vector_load %arg8[%get3A_503] {strides = array<i32>} : memref<49168xf32, #tpu.memory_space<vmem>>, vector<16xf32>,
      %mul3A_505 = arith.mulf %get3A_504, %get3A_482 : vector<16xf32>
      %add3A_506 = arith.addf %add3A_475, %mul3A_505 : vector<16xf32>
      %scan3A_507 = arith.constant 5 : i32
      %scan3A_508 = arith.addi %scan3A_351, %scan3A_507 : i32
      %mul3A_509 = arith.constant 16 : i32
      %mul3A_510 = arith.muli %scan3A_508, %mul3A_509 : i32
      %multiple_of3A_511 = tpu.assume_multiple %mul3A_510, 16 : i32
      %get3A_512 = arith.index_cast %multiple_of3A_511 : i32 to index
      %get3A_513 = tpu.vector_load %arg6[%get3A_512] {strides = array<i32>} : memref<3072xf32, #tpu.memory_space<vmem>>, vector<16xf32>,
      %add3A_514 = arith.constant 36876 : i32
      %add3A_515 = arith.addi %add3A_514, %multiple_of3A_511 : i32
      %get3A_516 = arith.index_cast %add3A_515 : i32 to index
      %get3A_517 = tpu.vector_load %arg8[%get3A_516] {strides = array<i32>} : memref<49168xf32, #tpu.memory_space<vmem>>, vector<16xf32>,
      %mul3A_518 = arith.mulf %get3A_517, %get3A_513 : vector<16xf32>
      %add3A_519 = arith.addf %add3A_488, %mul3A_518 : vector<16xf32>
      %add3A_520 = arith.constant 39949 : i32
      %add3A_521 = arith.addi %add3A_520, %multiple_of3A_511 : i32
      %get3A_522 = arith.index_cast %add3A_521 : i32 to index
      %get3A_523 = tpu.vector_load %arg8[%get3A_522] {strides = array<i32>} : memref<49168xf32, #tpu.memory_space<vmem>>, vector<16xf32>,
      %mul3A_524 = arith.mulf %get3A_523, %get3A_513 : vector<16xf32>
      %add3A_525 = arith.addf %add3A_494, %mul3A_524 : vector<16xf32>
      %add3A_526 = arith.constant 43022 : i32
      %add3A_527 = arith.addi %add3A_526, %multiple_of3A_511 : i32
      %get3A_528 = arith.index_cast %add3A_527 : i32 to index
      %get3A_529 = tpu.vector_load %arg8[%get3A_528] {strides = array<i32>} : memref<49168xf32, #tpu.memory_space<vmem>>, vector<16xf32>,
      %mul3A_530 = arith.mulf %get3A_529, %get3A_513 : vector<16xf32>
      %add3A_531 = arith.addf %add3A_500, %mul3A_530 : vector<16xf32>
      %add3A_532 = arith.constant 46095 : i32
      %add3A_533 = arith.addi %add3A_532, %multiple_of3A_511 : i32
      %get3A_534 = arith.index_cast %add3A_533 : i32 to index
      %get3A_535 = tpu.vector_load %arg8[%get3A_534] {strides = array<i32>} : memref<49168xf32, #tpu.memory_space<vmem>>, vector<16xf32>,
      %mul3A_536 = arith.mulf %get3A_535, %get3A_513 : vector<16xf32>
      %add3A_537 = arith.addf %add3A_506, %mul3A_536 : vector<16xf32>
      %scan3A_538 = arith.constant 6 : i32
      %scan3A_539 = arith.addi %scan3A_351, %scan3A_538 : i32
      %mul3A_540 = arith.constant 16 : i32
      %mul3A_541 = arith.muli %scan3A_539, %mul3A_540 : i32
      %multiple_of3A_542 = tpu.assume_multiple %mul3A_541, 16 : i32
      %get3A_543 = arith.index_cast %multiple_of3A_542 : i32 to index
      %get3A_544 = tpu.vector_load %arg6[%get3A_543] {strides = array<i32>} : memref<3072xf32, #tpu.memory_space<vmem>>, vector<16xf32>,
      %add3A_545 = arith.constant 36876 : i32
      %add3A_546 = arith.addi %add3A_545, %multiple_of3A_542 : i32
      %get3A_547 = arith.index_cast %add3A_546 : i32 to index
      %get3A_548 = tpu.vector_load %arg8[%get3A_547] {strides = array<i32>} : memref<49168xf32, #tpu.memory_space<vmem>>, vector<16xf32>,
      %mul3A_549 = arith.mulf %get3A_548, %get3A_544 : vector<16xf32>
      %add3A_550 = arith.addf %add3A_519, %mul3A_549 : vector<16xf32>
      %add3A_551 = arith.constant 39949 : i32
      %add3A_552 = arith.addi %add3A_551, %multiple_of3A_542 : i32
      %get3A_553 = arith.index_cast %add3A_552 : i32 to index
      %get3A_554 = tpu.vector_load %arg8[%get3A_553] {strides = array<i32>} : memref<49168xf32, #tpu.memory_space<vmem>>, vector<16xf32>,
      %mul3A_555 = arith.mulf %get3A_554, %get3A_544 : vector<16xf32>
      %add3A_556 = arith.addf %add3A_525, %mul3A_555 : vector<16xf32>
      %add3A_557 = arith.constant 43022 : i32
      %add3A_558 = arith.addi %add3A_557, %multiple_of3A_542 : i32
      %get3A_559 = arith.index_cast %add3A_558 : i32 to index
      %get3A_560 = tpu.vector_load %arg8[%get3A_559] {strides = array<i32>} : memref<49168xf32, #tpu.memory_space<vmem>>, vector<16xf32>,
      %mul3A_561 = arith.mulf %get3A_560, %get3A_544 : vector<16xf32>
      %add3A_562 = arith.addf %add3A_531, %mul3A_561 : vector<16xf32>
      %add3A_563 = arith.constant 46095 : i32
      %add3A_564 = arith.addi %add3A_563, %multiple_of3A_542 : i32
      %get3A_565 = arith.index_cast %add3A_564 : i32 to index
      %get3A_566 = tpu.vector_load %arg8[%get3A_565] {strides = array<i32>} : memref<49168xf32, #tpu.memory_space<vmem>>, vector<16xf32>,
      %mul3A_567 = arith.mulf %get3A_566, %get3A_544 : vector<16xf32>
      %add3A_568 = arith.addf %add3A_537, %mul3A_567 : vector<16xf32>
      %scan3A_569 = arith.constant 7 : i32
      %scan3A_570 = arith.addi %scan3A_351, %scan3A_569 : i32
      %mul3A_571 = arith.constant 16 : i32
      %mul3A_572 = arith.muli %scan3A_570, %mul3A_571 : i32
      %multiple_of3A_573 = tpu.assume_multiple %mul3A_572, 16 : i32
      %get3A_574 = arith.index_cast %multiple_of3A_573 : i32 to index
      %get3A_575 = tpu.vector_load %arg6[%get3A_574] {strides = array<i32>} : memref<3072xf32, #tpu.memory_space<vmem>>, vector<16xf32>,
      %add3A_576 = arith.constant 36876 : i32
      %add3A_577 = arith.addi %add3A_576, %multiple_of3A_573 : i32
      %get3A_578 = arith.index_cast %add3A_577 : i32 to index
      %get3A_579 = tpu.vector_load %arg8[%get3A_578] {strides = array<i32>} : memref<49168xf32, #tpu.memory_space<vmem>>, vector<16xf32>,
      %mul3A_580 = arith.mulf %get3A_579, %get3A_575 : vector<16xf32>
      %add3A_581 = arith.addf %add3A_550, %mul3A_580 : vector<16xf32>
      %add3A_582 = arith.constant 39949 : i32
      %add3A_583 = arith.addi %add3A_582, %multiple_of3A_573 : i32
      %get3A_584 = arith.index_cast %add3A_583 : i32 to index
      %get3A_585 = tpu.vector_load %arg8[%get3A_584] {strides = array<i32>} : memref<49168xf32, #tpu.memory_space<vmem>>, vector<16xf32>,
      %mul3A_586 = arith.mulf %get3A_585, %get3A_575 : vector<16xf32>
      %add3A_587 = arith.addf %add3A_556, %mul3A_586 : vector<16xf32>
      %add3A_588 = arith.constant 43022 : i32
      %add3A_589 = arith.addi %add3A_588, %multiple_of3A_573 : i32
      %get3A_590 = arith.index_cast %add3A_589 : i32 to index
      %get3A_591 = tpu.vector_load %arg8[%get3A_590] {strides = array<i32>} : memref<49168xf32, #tpu.memory_space<vmem>>, vector<16xf32>,
      %mul3A_592 = arith.mulf %get3A_591, %get3A_575 : vector<16xf32>
      %add3A_593 = arith.addf %add3A_562, %mul3A_592 : vector<16xf32>
      %add3A_594 = arith.constant 46095 : i32
      %add3A_595 = arith.addi %add3A_594, %multiple_of3A_573 : i32
      %get3A_596 = arith.index_cast %add3A_595 : i32 to index
      %get3A_597 = tpu.vector_load %arg8[%get3A_596] {strides = array<i32>} : memref<49168xf32, #tpu.memory_space<vmem>>, vector<16xf32>,
      %mul3A_598 = arith.mulf %get3A_597, %get3A_575 : vector<16xf32>
      %add3A_599 = arith.addf %add3A_568, %mul3A_598 : vector<16xf32>
      scf.yield %add3A_581, %add3A_587, %add3A_593, %add3A_599 : vector<16xf32>, vector<16xf32>, vector<16xf32>, vector<16xf32>
    }
    %scan3A_309 = arith.constant 192 : i32
    %eq3A_310 = arith.constant 12 : i32
    %eq3A_311 = vector.broadcast %eq3A_310 : i32 to vector<16xi32>
    %eq3A_312 = arith.cmpi eq, %iota3A, %eq3A_311 : vector<16xi32>
    %reduce_sum3A_313 = arith.constant true
    %reduce_sum3A_314 = vector.broadcast %reduce_sum3A_313 : i1 to vector<16xi1>
    %reduce_sum3A_315 = tpu.scan <sum>, %scan3A_308#0 masked %reduce_sum3A_314 : vector<16xf32>, vector<16xi1> -> vector<16xf32>
    %reduce_sum3A_316 = vector.extract %reduce_sum3A_315[15] : f32 from vector<16xf32>
    %broadcast_in_dim3A_317 = vector.broadcast %reduce_sum3A_316 : f32 to vector<16xf32>
    %select_n3A_318 = arith.select %eq3A_312, %broadcast_in_dim3A_317, %select_n3A_303 : vector<16xi1>, vector<16xf32>
    %eq3A_319 = arith.constant 13 : i32
    %eq3A_320 = vector.broadcast %eq3A_319 : i32 to vector<16xi32>
    %eq3A_321 = arith.cmpi eq, %iota3A, %eq3A_320 : vector<16xi32>
    %reduce_sum3A_322 = arith.constant true
    %reduce_sum3A_323 = vector.broadcast %reduce_sum3A_322 : i1 to vector<16xi1>
    %reduce_sum3A_324 = tpu.scan <sum>, %scan3A_308#1 masked %reduce_sum3A_323 : vector<16xf32>, vector<16xi1> -> vector<16xf32>
    %reduce_sum3A_325 = vector.extract %reduce_sum3A_324[15] : f32 from vector<16xf32>
    %broadcast_in_dim3A_326 = vector.broadcast %reduce_sum3A_325 : f32 to vector<16xf32>
    %select_n3A_327 = arith.select %eq3A_321, %broadcast_in_dim3A_326, %select_n3A_318 : vector<16xi1>, vector<16xf32>
    %eq3A_328 = arith.constant 14 : i32
    %eq3A_329 = vector.broadcast %eq3A_328 : i32 to vector<16xi32>
    %eq3A_330 = arith.cmpi eq, %iota3A, %eq3A_329 : vector<16xi32>
    %reduce_sum3A_331 = arith.constant true
    %reduce_sum3A_332 = vector.broadcast %reduce_sum3A_331 : i1 to vector<16xi1>
    %reduce_sum3A_333 = tpu.scan <sum>, %scan3A_308#2 masked %reduce_sum3A_332 : vector<16xf32>, vector<16xi1> -> vector<16xf32>
    %reduce_sum3A_334 = vector.extract %reduce_sum3A_333[15] : f32 from vector<16xf32>
    %broadcast_in_dim3A_335 = vector.broadcast %reduce_sum3A_334 : f32 to vector<16xf32>
    %select_n3A_336 = arith.select %eq3A_330, %broadcast_in_dim3A_335, %select_n3A_327 : vector<16xi1>, vector<16xf32>
    %eq3A_337 = arith.constant 15 : i32
    %eq3A_338 = vector.broadcast %eq3A_337 : i32 to vector<16xi32>
    %eq3A_339 = arith.cmpi eq, %iota3A, %eq3A_338 : vector<16xi32>
    %reduce_sum3A_340 = arith.constant true
    %reduce_sum3A_341 = vector.broadcast %reduce_sum3A_340 : i1 to vector<16xi1>
    %reduce_sum3A_342 = tpu.scan <sum>, %scan3A_308#3 masked %reduce_sum3A_341 : vector<16xf32>, vector<16xi1> -> vector<16xf32>
    %reduce_sum3A_343 = vector.extract %reduce_sum3A_342[15] : f32 from vector<16xf32>
    %broadcast_in_dim3A_344 = vector.broadcast %reduce_sum3A_343 : f32 to vector<16xf32>
    %select_n3A_345 = arith.select %eq3A_339, %broadcast_in_dim3A_344, %select_n3A_336 : vector<16xi1>, vector<16xf32>
    %swap3A = arith.constant 0 : index
    %swap3A_346 = tpu.vector_load %arg9[%swap3A] {strides = array<i32>} : memref<32xf32, #tpu.memory_space<vmem>>, vector<16xf32>,
    tpu.vector_store %arg9[%swap3A], %select_n3A_175 {strides = array<i32>} : memref<32xf32, #tpu.memory_space<vmem>>, vector<16xf32>,
    %swap3A_347 = arith.constant 16 : index
    %swap3A_348 = tpu.vector_load %arg9[%swap3A_347] {strides = array<i32>} : memref<32xf32, #tpu.memory_space<vmem>>, vector<16xf32>,
    tpu.vector_store %arg9[%swap3A_347], %select_n3A_345 {strides = array<i32>} : memref<32xf32, #tpu.memory_space<vmem>>, vector<16xf32>,
    %mul3A_349 = arith.constant 32 : i32
    %mul3A_350 = arith.muli %add3A, %mul3A_349 : i32
    "tpu.region"() ({
      %run_scoped3A = tpu.sem_alloc : memref<!tpu.dma_semaphore, #tpu.memory_space<semaphore_mem>>
      %dma_start3A_351 = tpu.memref_slice %arg5[%mul3A_350] : memref<1024xf32, #tpu.memory_space<hbm>> -> memref<32xf32, #tpu.memory_space<hbm>>
      %dma_start3A_352 = tpu.memref_slice %arg5[%mul3A_350] : memref<1024xf32, #tpu.memory_space<hbm>> -> memref<32xf32, #tpu.memory_space<hbm>>
      tpu.enqueue_dma source(%arg9 : memref<32xf32, #tpu.memory_space<vmem>>) target(%dma_start3A_352 : memref<32xf32, #tpu.memory_space<hbm>>) target_semaphore(%run_scoped3A : memref<!tpu.dma_semaphore, #tpu.memory_space<semaphore_mem>>)
      %dma_wait3A_353 = tpu.memref_slice %arg5[%mul3A_350] : memref<1024xf32, #tpu.memory_space<hbm>> -> memref<32xf32, #tpu.memory_space<hbm>>
      %dma_wait3A_354 = tpu.memref_slice %arg5[%mul3A_350] : memref<1024xf32, #tpu.memory_space<hbm>> -> memref<32xf32, #tpu.memory_space<hbm>>
      tpu.wait_dma2 semaphore(%run_scoped3A : memref<!tpu.dma_semaphore, #tpu.memory_space<semaphore_mem>>) src(%arg9 : memref<32xf32, #tpu.memory_space<vmem>>) dst(%dma_wait3A_354 : memref<32xf32, #tpu.memory_space<hbm>>)
      tpu.yield
    }) : () -> ()
    return
  }
}

module attributes {stable_mosaic.version = 14 : i64} {
  func.func @_tc_logsoftmax(%arg0: memref<1024xf32, #tpu.memory_space<vmem>>, %arg1: memref<1024xf32, #tpu.memory_space<vmem>>, %arg2: memref<1x1024xf32, #tpu.memory_space<vmem>>) attributes {dimension_semantics = [], scalar_prefetch = 0 : i64, scratch_operands = 0 : i64, tpu.core_type = #tpu.core_type<tc>} {
    %get3A = arith.constant 0 : index
    %get3A_0 = vector.load %arg0[%get3A] : memref<1024xf32, #tpu.memory_space<vmem>>, vector<1024xf32>
    %get3A_1 = arith.constant 0 : index
    %get3A_2 = vector.load %arg1[%get3A_1] : memref<1024xf32, #tpu.memory_space<vmem>>, vector<1024xf32>
    %add3A = arith.addf %get3A_0, %get3A_2 : vector<1024xf32>
    %reshape3A = vector.shape_cast %add3A : vector<1024xf32> to vector<1x1024xf32>
    %reduce_max3A = vector.shape_cast %reshape3A : vector<1x1024xf32> to vector<1x1x1024xf32>
    %reduce_max3A_3 = arith.constant dense<0xFF800000> : vector<1xf32>
    %reduce_max3A_4 = vector.multi_reduction <maximumf>, %reduce_max3A, %reduce_max3A_3 [1, 2] : vector<1x1x1024xf32> to vector<1xf32>
    %reduce_max3A_5 = vector.shape_cast %reduce_max3A_4 : vector<1xf32> to vector<1x1x1xf32>
    %reduce_max3A_6 = vector.extract %reduce_max3A_5[0, 0, 0] : f32 from vector<1x1x1xf32>
    %sub3A = vector.broadcast %reduce_max3A_6 : f32 to vector<1x1024xf32>
    %sub3A_7 = arith.subf %reshape3A, %sub3A : vector<1x1024xf32>
    %exp3A = math.exp %sub3A_7 : vector<1x1024xf32>
    %reduce_sum3A = vector.shape_cast %exp3A : vector<1x1024xf32> to vector<1x1x1024xf32>
    %reduce_sum3A_8 = arith.constant dense<0.000000e+00> : vector<1xf32>
    %reduce_sum3A_9 = vector.multi_reduction <add>, %reduce_sum3A, %reduce_sum3A_8 [1, 2] : vector<1x1x1024xf32> to vector<1xf32>
    %reduce_sum3A_10 = vector.shape_cast %reduce_sum3A_9 : vector<1xf32> to vector<1x1x1xf32>
    %reduce_sum3A_11 = vector.extract %reduce_sum3A_10[0, 0, 0] : f32 from vector<1x1x1xf32>
    %log3A = math.log %reduce_sum3A_11 : f32
    %add3A_12 = arith.addf %log3A, %reduce_max3A_6 : f32
    %sub3A_13 = vector.broadcast %add3A_12 : f32 to vector<1x1024xf32>
    %sub3A_14 = arith.subf %reshape3A, %sub3A_13 : vector<1x1024xf32>
    %swap3A = arith.constant 0 : index
    %swap3A_15 = arith.constant 0 : index
    %swap3A_16 = vector.load %arg2[%swap3A, %swap3A_15] : memref<1x1024xf32, #tpu.memory_space<vmem>>, vector<1x1024xf32>
    tpu.vector_store %arg2[%swap3A, %swap3A_15], %sub3A_14 {strides = array<i32>} : memref<1x1024xf32, #tpu.memory_space<vmem>>, vector<1x1024xf32>,
    return
  }
}

module attributes {stable_mosaic.version = 14 : i64} {
  func.func @_tc_gru(%arg0: memref<1024xf32, #tpu.memory_space<vmem>>, %arg1: memref<1024xf32, #tpu.memory_space<vmem>>, %arg2: memref<3072x1024xf32, #tpu.memory_space<hbm>>, %arg3: memref<3072x1024xf32, #tpu.memory_space<hbm>>, %arg4: memref<3072xf32, #tpu.memory_space<vmem>>, %arg5: memref<3072xf32, #tpu.memory_space<vmem>>, %arg6: memref<1x1024xf32, #tpu.memory_space<vmem>>, %arg7: memref<3072x1024xf32, #tpu.memory_space<vmem>>, %arg8: memref<3072x1024xf32, #tpu.memory_space<vmem>>, %arg9: memref<1x3072xf32, #tpu.memory_space<vmem>>, %arg10: memref<1x3072xf32, #tpu.memory_space<vmem>>, %arg11: memref<8x!tpu.dma_semaphore, #tpu.memory_space<semaphore_mem>>) attributes {dimension_semantics = [], scalar_prefetch = 0 : i64, scratch_operands = 5 : i64, tpu.core_type = #tpu.core_type<tc>} {
    %dma_start3A = arith.constant 0 : i32
    %dma_start3A_0 = tpu.memref_slice %arg11[%dma_start3A] : memref<8x!tpu.dma_semaphore, #tpu.memory_space<semaphore_mem>> -> memref<1x!tpu.dma_semaphore, #tpu.memory_space<semaphore_mem>>
    %dma_start3A_1 = tpu.memref_squeeze %dma_start3A_0 : memref<1x!tpu.dma_semaphore, #tpu.memory_space<semaphore_mem>> -> memref<!tpu.dma_semaphore, #tpu.memory_space<semaphore_mem>>
    %dma_start3A_2 = arith.constant 0 : i32
    %dma_start3A_3 = arith.constant 0 : i32
    %dma_start3A_4 = tpu.memref_slice %arg7[%dma_start3A_2, %dma_start3A_3] : memref<3072x1024xf32, #tpu.memory_space<vmem>> -> memref<768x1024xf32, #tpu.memory_space<vmem>>
    %dma_start3A_5 = arith.constant 0 : i32
    %dma_start3A_6 = arith.constant 0 : i32
    %dma_start3A_7 = tpu.memref_slice %arg2[%dma_start3A_5, %dma_start3A_6] : memref<3072x1024xf32, #tpu.memory_space<hbm>> -> memref<768x1024xf32, #tpu.memory_space<hbm>>
    tpu.enqueue_dma source(%dma_start3A_7 : memref<768x1024xf32, #tpu.memory_space<hbm>>) target(%dma_start3A_4 : memref<768x1024xf32, #tpu.memory_space<vmem>>) target_semaphore(%dma_start3A_1 : memref<!tpu.dma_semaphore, #tpu.memory_space<semaphore_mem>>)
    %dma_start3A_8 = arith.constant 1 : i32
    %dma_start3A_9 = tpu.memref_slice %arg11[%dma_start3A_8] : memref<8x!tpu.dma_semaphore, #tpu.memory_space<semaphore_mem>> -> memref<1x!tpu.dma_semaphore, #tpu.memory_space<semaphore_mem>>
    %dma_start3A_10 = tpu.memref_squeeze %dma_start3A_9 : memref<1x!tpu.dma_semaphore, #tpu.memory_space<semaphore_mem>> -> memref<!tpu.dma_semaphore, #tpu.memory_space<semaphore_mem>>
    %dma_start3A_11 = arith.constant 0 : i32
    %dma_start3A_12 = arith.constant 0 : i32
    %dma_start3A_13 = tpu.memref_slice %arg8[%dma_start3A_11, %dma_start3A_12] : memref<3072x1024xf32, #tpu.memory_space<vmem>> -> memref<768x1024xf32, #tpu.memory_space<vmem>>
    %dma_start3A_14 = arith.constant 0 : i32
    %dma_start3A_15 = arith.constant 0 : i32
    %dma_start3A_16 = tpu.memref_slice %arg3[%dma_start3A_14, %dma_start3A_15] : memref<3072x1024xf32, #tpu.memory_space<hbm>> -> memref<768x1024xf32, #tpu.memory_space<hbm>>
    tpu.enqueue_dma source(%dma_start3A_16 : memref<768x1024xf32, #tpu.memory_space<hbm>>) target(%dma_start3A_13 : memref<768x1024xf32, #tpu.memory_space<vmem>>) target_semaphore(%dma_start3A_10 : memref<!tpu.dma_semaphore, #tpu.memory_space<semaphore_mem>>)
    %dma_start3A_17 = arith.constant 2 : i32
    %dma_start3A_18 = tpu.memref_slice %arg11[%dma_start3A_17] : memref<8x!tpu.dma_semaphore, #tpu.memory_space<semaphore_mem>> -> memref<1x!tpu.dma_semaphore, #tpu.memory_space<semaphore_mem>>
    %dma_start3A_19 = tpu.memref_squeeze %dma_start3A_18 : memref<1x!tpu.dma_semaphore, #tpu.memory_space<semaphore_mem>> -> memref<!tpu.dma_semaphore, #tpu.memory_space<semaphore_mem>>
    %dma_start3A_20 = arith.constant 768 : i32
    %dma_start3A_21 = arith.constant 0 : i32
    %dma_start3A_22 = tpu.memref_slice %arg7[%dma_start3A_20, %dma_start3A_21] : memref<3072x1024xf32, #tpu.memory_space<vmem>> -> memref<768x1024xf32, #tpu.memory_space<vmem>>
    %dma_start3A_23 = arith.constant 768 : i32
    %dma_start3A_24 = arith.constant 0 : i32
    %dma_start3A_25 = tpu.memref_slice %arg2[%dma_start3A_23, %dma_start3A_24] : memref<3072x1024xf32, #tpu.memory_space<hbm>> -> memref<768x1024xf32, #tpu.memory_space<hbm>>
    tpu.enqueue_dma source(%dma_start3A_25 : memref<768x1024xf32, #tpu.memory_space<hbm>>) target(%dma_start3A_22 : memref<768x1024xf32, #tpu.memory_space<vmem>>) target_semaphore(%dma_start3A_19 : memref<!tpu.dma_semaphore, #tpu.memory_space<semaphore_mem>>)
    %dma_start3A_26 = arith.constant 3 : i32
    %dma_start3A_27 = tpu.memref_slice %arg11[%dma_start3A_26] : memref<8x!tpu.dma_semaphore, #tpu.memory_space<semaphore_mem>> -> memref<1x!tpu.dma_semaphore, #tpu.memory_space<semaphore_mem>>
    %dma_start3A_28 = tpu.memref_squeeze %dma_start3A_27 : memref<1x!tpu.dma_semaphore, #tpu.memory_space<semaphore_mem>> -> memref<!tpu.dma_semaphore, #tpu.memory_space<semaphore_mem>>
    %dma_start3A_29 = arith.constant 768 : i32
    %dma_start3A_30 = arith.constant 0 : i32
    %dma_start3A_31 = tpu.memref_slice %arg8[%dma_start3A_29, %dma_start3A_30] : memref<3072x1024xf32, #tpu.memory_space<vmem>> -> memref<768x1024xf32, #tpu.memory_space<vmem>>
    %dma_start3A_32 = arith.constant 768 : i32
    %dma_start3A_33 = arith.constant 0 : i32
    %dma_start3A_34 = tpu.memref_slice %arg3[%dma_start3A_32, %dma_start3A_33] : memref<3072x1024xf32, #tpu.memory_space<hbm>> -> memref<768x1024xf32, #tpu.memory_space<hbm>>
    tpu.enqueue_dma source(%dma_start3A_34 : memref<768x1024xf32, #tpu.memory_space<hbm>>) target(%dma_start3A_31 : memref<768x1024xf32, #tpu.memory_space<vmem>>) target_semaphore(%dma_start3A_28 : memref<!tpu.dma_semaphore, #tpu.memory_space<semaphore_mem>>)
    %dma_start3A_35 = arith.constant 4 : i32
    %dma_start3A_36 = tpu.memref_slice %arg11[%dma_start3A_35] : memref<8x!tpu.dma_semaphore, #tpu.memory_space<semaphore_mem>> -> memref<1x!tpu.dma_semaphore, #tpu.memory_space<semaphore_mem>>
    %dma_start3A_37 = tpu.memref_squeeze %dma_start3A_36 : memref<1x!tpu.dma_semaphore, #tpu.memory_space<semaphore_mem>> -> memref<!tpu.dma_semaphore, #tpu.memory_space<semaphore_mem>>
    %dma_start3A_38 = arith.constant 1536 : i32
    %dma_start3A_39 = arith.constant 0 : i32
    %dma_start3A_40 = tpu.memref_slice %arg7[%dma_start3A_38, %dma_start3A_39] : memref<3072x1024xf32, #tpu.memory_space<vmem>> -> memref<768x1024xf32, #tpu.memory_space<vmem>>
    %dma_start3A_41 = arith.constant 1536 : i32
    %dma_start3A_42 = arith.constant 0 : i32
    %dma_start3A_43 = tpu.memref_slice %arg2[%dma_start3A_41, %dma_start3A_42] : memref<3072x1024xf32, #tpu.memory_space<hbm>> -> memref<768x1024xf32, #tpu.memory_space<hbm>>
    tpu.enqueue_dma source(%dma_start3A_43 : memref<768x1024xf32, #tpu.memory_space<hbm>>) target(%dma_start3A_40 : memref<768x1024xf32, #tpu.memory_space<vmem>>) target_semaphore(%dma_start3A_37 : memref<!tpu.dma_semaphore, #tpu.memory_space<semaphore_mem>>)
    %dma_start3A_44 = arith.constant 5 : i32
    %dma_start3A_45 = tpu.memref_slice %arg11[%dma_start3A_44] : memref<8x!tpu.dma_semaphore, #tpu.memory_space<semaphore_mem>> -> memref<1x!tpu.dma_semaphore, #tpu.memory_space<semaphore_mem>>
    %dma_start3A_46 = tpu.memref_squeeze %dma_start3A_45 : memref<1x!tpu.dma_semaphore, #tpu.memory_space<semaphore_mem>> -> memref<!tpu.dma_semaphore, #tpu.memory_space<semaphore_mem>>
    %dma_start3A_47 = arith.constant 1536 : i32
    %dma_start3A_48 = arith.constant 0 : i32
    %dma_start3A_49 = tpu.memref_slice %arg8[%dma_start3A_47, %dma_start3A_48] : memref<3072x1024xf32, #tpu.memory_space<vmem>> -> memref<768x1024xf32, #tpu.memory_space<vmem>>
    %dma_start3A_50 = arith.constant 1536 : i32
    %dma_start3A_51 = arith.constant 0 : i32
    %dma_start3A_52 = tpu.memref_slice %arg3[%dma_start3A_50, %dma_start3A_51] : memref<3072x1024xf32, #tpu.memory_space<hbm>> -> memref<768x1024xf32, #tpu.memory_space<hbm>>
    tpu.enqueue_dma source(%dma_start3A_52 : memref<768x1024xf32, #tpu.memory_space<hbm>>) target(%dma_start3A_49 : memref<768x1024xf32, #tpu.memory_space<vmem>>) target_semaphore(%dma_start3A_46 : memref<!tpu.dma_semaphore, #tpu.memory_space<semaphore_mem>>)
    %dma_start3A_53 = arith.constant 6 : i32
    %dma_start3A_54 = tpu.memref_slice %arg11[%dma_start3A_53] : memref<8x!tpu.dma_semaphore, #tpu.memory_space<semaphore_mem>> -> memref<1x!tpu.dma_semaphore, #tpu.memory_space<semaphore_mem>>
    %dma_start3A_55 = tpu.memref_squeeze %dma_start3A_54 : memref<1x!tpu.dma_semaphore, #tpu.memory_space<semaphore_mem>> -> memref<!tpu.dma_semaphore, #tpu.memory_space<semaphore_mem>>
    %dma_start3A_56 = arith.constant 2304 : i32
    %dma_start3A_57 = arith.constant 0 : i32
    %dma_start3A_58 = tpu.memref_slice %arg7[%dma_start3A_56, %dma_start3A_57] : memref<3072x1024xf32, #tpu.memory_space<vmem>> -> memref<768x1024xf32, #tpu.memory_space<vmem>>
    %dma_start3A_59 = arith.constant 2304 : i32
    %dma_start3A_60 = arith.constant 0 : i32
    %dma_start3A_61 = tpu.memref_slice %arg2[%dma_start3A_59, %dma_start3A_60] : memref<3072x1024xf32, #tpu.memory_space<hbm>> -> memref<768x1024xf32, #tpu.memory_space<hbm>>
    tpu.enqueue_dma source(%dma_start3A_61 : memref<768x1024xf32, #tpu.memory_space<hbm>>) target(%dma_start3A_58 : memref<768x1024xf32, #tpu.memory_space<vmem>>) target_semaphore(%dma_start3A_55 : memref<!tpu.dma_semaphore, #tpu.memory_space<semaphore_mem>>)
    %dma_start3A_62 = arith.constant 7 : i32
    %dma_start3A_63 = tpu.memref_slice %arg11[%dma_start3A_62] : memref<8x!tpu.dma_semaphore, #tpu.memory_space<semaphore_mem>> -> memref<1x!tpu.dma_semaphore, #tpu.memory_space<semaphore_mem>>
    %dma_start3A_64 = tpu.memref_squeeze %dma_start3A_63 : memref<1x!tpu.dma_semaphore, #tpu.memory_space<semaphore_mem>> -> memref<!tpu.dma_semaphore, #tpu.memory_space<semaphore_mem>>
    %dma_start3A_65 = arith.constant 2304 : i32
    %dma_start3A_66 = arith.constant 0 : i32
    %dma_start3A_67 = tpu.memref_slice %arg8[%dma_start3A_65, %dma_start3A_66] : memref<3072x1024xf32, #tpu.memory_space<vmem>> -> memref<768x1024xf32, #tpu.memory_space<vmem>>
    %dma_start3A_68 = arith.constant 2304 : i32
    %dma_start3A_69 = arith.constant 0 : i32
    %dma_start3A_70 = tpu.memref_slice %arg3[%dma_start3A_68, %dma_start3A_69] : memref<3072x1024xf32, #tpu.memory_space<hbm>> -> memref<768x1024xf32, #tpu.memory_space<hbm>>
    tpu.enqueue_dma source(%dma_start3A_70 : memref<768x1024xf32, #tpu.memory_space<hbm>>) target(%dma_start3A_67 : memref<768x1024xf32, #tpu.memory_space<vmem>>) target_semaphore(%dma_start3A_64 : memref<!tpu.dma_semaphore, #tpu.memory_space<semaphore_mem>>)
    %get3A = arith.constant 0 : index
    %get3A_71 = vector.load %arg0[%get3A] : memref<1024xf32, #tpu.memory_space<vmem>>, vector<1024xf32>
    %reshape3A = vector.shape_cast %get3A_71 : vector<1024xf32> to vector<1x1024xf32>
    %get3A_72 = arith.constant 0 : index
    %get3A_73 = vector.load %arg1[%get3A_72] : memref<1024xf32, #tpu.memory_space<vmem>>, vector<1024xf32>
    %reshape3A_74 = vector.shape_cast %get3A_73 : vector<1024xf32> to vector<1x1024xf32>
    %dma_wait3A = arith.constant 0 : i32
    %dma_wait3A_75 = tpu.memref_slice %arg11[%dma_wait3A] : memref<8x!tpu.dma_semaphore, #tpu.memory_space<semaphore_mem>> -> memref<1x!tpu.dma_semaphore, #tpu.memory_space<semaphore_mem>>
    %dma_wait3A_76 = tpu.memref_squeeze %dma_wait3A_75 : memref<1x!tpu.dma_semaphore, #tpu.memory_space<semaphore_mem>> -> memref<!tpu.dma_semaphore, #tpu.memory_space<semaphore_mem>>
    %dma_wait3A_77 = arith.constant 0 : i32
    %dma_wait3A_78 = arith.constant 0 : i32
    %dma_wait3A_79 = tpu.memref_slice %arg7[%dma_wait3A_77, %dma_wait3A_78] : memref<3072x1024xf32, #tpu.memory_space<vmem>> -> memref<768x1024xf32, #tpu.memory_space<vmem>>
    %dma_wait3A_80 = arith.constant 0 : i32
    %dma_wait3A_81 = arith.constant 0 : i32
    %dma_wait3A_82 = tpu.memref_slice %arg2[%dma_wait3A_80, %dma_wait3A_81] : memref<3072x1024xf32, #tpu.memory_space<hbm>> -> memref<768x1024xf32, #tpu.memory_space<hbm>>
    tpu.wait_dma2 semaphore(%dma_wait3A_76 : memref<!tpu.dma_semaphore, #tpu.memory_space<semaphore_mem>>) src(%dma_wait3A_82 : memref<768x1024xf32, #tpu.memory_space<hbm>>) dst(%dma_wait3A_79 : memref<768x1024xf32, #tpu.memory_space<vmem>>)
    %get3A_83 = arith.constant 0 : index
    %get3A_84 = arith.constant 0 : index
    %get3A_85 = vector.load %arg7[%get3A_83, %get3A_84] : memref<3072x1024xf32, #tpu.memory_space<vmem>>, vector<768x1024xf32>
    %mul3A = vector.broadcast %reshape3A : vector<1x1024xf32> to vector<768x1024xf32>
    %mul3A_86 = arith.mulf %get3A_85, %mul3A : vector<768x1024xf32>
    %reduce_sum3A = arith.constant dense<0.000000e+00> : vector<768xf32>
    %reduce_sum3A_87 = vector.multi_reduction <add>, %mul3A_86, %reduce_sum3A [1] : vector<768x1024xf32> to vector<768xf32>
    %broadcast_in_dim3A = vector.shape_cast %reduce_sum3A_87 : vector<768xf32> to vector<768x1xf32>
    %transpose3A = tpu.transpose %broadcast_in_dim3A, [1, 0] : vector<768x1xf32> -> vector<1x768xf32>
    %squeeze3A = vector.shape_cast %transpose3A : vector<1x768xf32> to vector<768xf32>
    %swap3A = arith.constant 0 : index
    %swap3A_88 = arith.constant 0 : index
    %swap3A_89 = vector.load %arg9[%swap3A, %swap3A_88] : memref<1x3072xf32, #tpu.memory_space<vmem>>, vector<1x768xf32>
    %swap3A_90 = vector.shape_cast %swap3A_89 : vector<1x768xf32> to vector<768xf32>
    %swap3A_91 = vector.shape_cast %squeeze3A : vector<768xf32> to vector<1x768xf32>
    tpu.vector_store %arg9[%swap3A, %swap3A_88], %swap3A_91 {strides = array<i32>} : memref<1x3072xf32, #tpu.memory_space<vmem>>, vector<1x768xf32>,
    %dma_wait3A_92 = arith.constant 1 : i32
    %dma_wait3A_93 = tpu.memref_slice %arg11[%dma_wait3A_92] : memref<8x!tpu.dma_semaphore, #tpu.memory_space<semaphore_mem>> -> memref<1x!tpu.dma_semaphore, #tpu.memory_space<semaphore_mem>>
    %dma_wait3A_94 = tpu.memref_squeeze %dma_wait3A_93 : memref<1x!tpu.dma_semaphore, #tpu.memory_space<semaphore_mem>> -> memref<!tpu.dma_semaphore, #tpu.memory_space<semaphore_mem>>
    %dma_wait3A_95 = arith.constant 0 : i32
    %dma_wait3A_96 = arith.constant 0 : i32
    %dma_wait3A_97 = tpu.memref_slice %arg8[%dma_wait3A_95, %dma_wait3A_96] : memref<3072x1024xf32, #tpu.memory_space<vmem>> -> memref<768x1024xf32, #tpu.memory_space<vmem>>
    %dma_wait3A_98 = arith.constant 0 : i32
    %dma_wait3A_99 = arith.constant 0 : i32
    %dma_wait3A_100 = tpu.memref_slice %arg3[%dma_wait3A_98, %dma_wait3A_99] : memref<3072x1024xf32, #tpu.memory_space<hbm>> -> memref<768x1024xf32, #tpu.memory_space<hbm>>
    tpu.wait_dma2 semaphore(%dma_wait3A_94 : memref<!tpu.dma_semaphore, #tpu.memory_space<semaphore_mem>>) src(%dma_wait3A_100 : memref<768x1024xf32, #tpu.memory_space<hbm>>) dst(%dma_wait3A_97 : memref<768x1024xf32, #tpu.memory_space<vmem>>)
    %get3A_101 = arith.constant 0 : index
    %get3A_102 = arith.constant 0 : index
    %get3A_103 = vector.load %arg8[%get3A_101, %get3A_102] : memref<3072x1024xf32, #tpu.memory_space<vmem>>, vector<768x1024xf32>
    %mul3A_104 = vector.broadcast %reshape3A_74 : vector<1x1024xf32> to vector<768x1024xf32>
    %mul3A_105 = arith.mulf %get3A_103, %mul3A_104 : vector<768x1024xf32>
    %reduce_sum3A_106 = arith.constant dense<0.000000e+00> : vector<768xf32>
    %reduce_sum3A_107 = vector.multi_reduction <add>, %mul3A_105, %reduce_sum3A_106 [1] : vector<768x1024xf32> to vector<768xf32>
    %broadcast_in_dim3A_108 = vector.shape_cast %reduce_sum3A_107 : vector<768xf32> to vector<768x1xf32>
    %transpose3A_109 = tpu.transpose %broadcast_in_dim3A_108, [1, 0] : vector<768x1xf32> -> vector<1x768xf32>
    %squeeze3A_110 = vector.shape_cast %transpose3A_109 : vector<1x768xf32> to vector<768xf32>
    %swap3A_111 = arith.constant 0 : index
    %swap3A_112 = arith.constant 0 : index
    %swap3A_113 = vector.load %arg10[%swap3A_111, %swap3A_112] : memref<1x3072xf32, #tpu.memory_space<vmem>>, vector<1x768xf32>
    %swap3A_114 = vector.shape_cast %swap3A_113 : vector<1x768xf32> to vector<768xf32>
    %swap3A_115 = vector.shape_cast %squeeze3A_110 : vector<768xf32> to vector<1x768xf32>
    tpu.vector_store %arg10[%swap3A_111, %swap3A_112], %swap3A_115 {strides = array<i32>} : memref<1x3072xf32, #tpu.memory_space<vmem>>, vector<1x768xf32>,
    %dma_wait3A_116 = arith.constant 2 : i32
    %dma_wait3A_117 = tpu.memref_slice %arg11[%dma_wait3A_116] : memref<8x!tpu.dma_semaphore, #tpu.memory_space<semaphore_mem>> -> memref<1x!tpu.dma_semaphore, #tpu.memory_space<semaphore_mem>>
    %dma_wait3A_118 = tpu.memref_squeeze %dma_wait3A_117 : memref<1x!tpu.dma_semaphore, #tpu.memory_space<semaphore_mem>> -> memref<!tpu.dma_semaphore, #tpu.memory_space<semaphore_mem>>
    %dma_wait3A_119 = arith.constant 768 : i32
    %dma_wait3A_120 = arith.constant 0 : i32
    %dma_wait3A_121 = tpu.memref_slice %arg7[%dma_wait3A_119, %dma_wait3A_120] : memref<3072x1024xf32, #tpu.memory_space<vmem>> -> memref<768x1024xf32, #tpu.memory_space<vmem>>
    %dma_wait3A_122 = arith.constant 768 : i32
    %dma_wait3A_123 = arith.constant 0 : i32
    %dma_wait3A_124 = tpu.memref_slice %arg2[%dma_wait3A_122, %dma_wait3A_123] : memref<3072x1024xf32, #tpu.memory_space<hbm>> -> memref<768x1024xf32, #tpu.memory_space<hbm>>
    tpu.wait_dma2 semaphore(%dma_wait3A_118 : memref<!tpu.dma_semaphore, #tpu.memory_space<semaphore_mem>>) src(%dma_wait3A_124 : memref<768x1024xf32, #tpu.memory_space<hbm>>) dst(%dma_wait3A_121 : memref<768x1024xf32, #tpu.memory_space<vmem>>)
    %get3A_125 = arith.constant 768 : index
    %get3A_126 = arith.constant 0 : index
    %get3A_127 = vector.load %arg7[%get3A_125, %get3A_126] : memref<3072x1024xf32, #tpu.memory_space<vmem>>, vector<768x1024xf32>
    %mul3A_128 = vector.broadcast %reshape3A : vector<1x1024xf32> to vector<768x1024xf32>
    %mul3A_129 = arith.mulf %get3A_127, %mul3A_128 : vector<768x1024xf32>
    %reduce_sum3A_130 = arith.constant dense<0.000000e+00> : vector<768xf32>
    %reduce_sum3A_131 = vector.multi_reduction <add>, %mul3A_129, %reduce_sum3A_130 [1] : vector<768x1024xf32> to vector<768xf32>
    %broadcast_in_dim3A_132 = vector.shape_cast %reduce_sum3A_131 : vector<768xf32> to vector<768x1xf32>
    %transpose3A_133 = tpu.transpose %broadcast_in_dim3A_132, [1, 0] : vector<768x1xf32> -> vector<1x768xf32>
    %squeeze3A_134 = vector.shape_cast %transpose3A_133 : vector<1x768xf32> to vector<768xf32>
    %swap3A_135 = arith.constant 0 : index
    %swap3A_136 = arith.constant 768 : index
    %swap3A_137 = vector.load %arg9[%swap3A_135, %swap3A_136] : memref<1x3072xf32, #tpu.memory_space<vmem>>, vector<1x768xf32>
    %swap3A_138 = vector.shape_cast %swap3A_137 : vector<1x768xf32> to vector<768xf32>
    %swap3A_139 = vector.shape_cast %squeeze3A_134 : vector<768xf32> to vector<1x768xf32>
    tpu.vector_store %arg9[%swap3A_135, %swap3A_136], %swap3A_139 {strides = array<i32>} : memref<1x3072xf32, #tpu.memory_space<vmem>>, vector<1x768xf32>,
    %dma_wait3A_140 = arith.constant 3 : i32
    %dma_wait3A_141 = tpu.memref_slice %arg11[%dma_wait3A_140] : memref<8x!tpu.dma_semaphore, #tpu.memory_space<semaphore_mem>> -> memref<1x!tpu.dma_semaphore, #tpu.memory_space<semaphore_mem>>
    %dma_wait3A_142 = tpu.memref_squeeze %dma_wait3A_141 : memref<1x!tpu.dma_semaphore, #tpu.memory_space<semaphore_mem>> -> memref<!tpu.dma_semaphore, #tpu.memory_space<semaphore_mem>>
    %dma_wait3A_143 = arith.constant 768 : i32
    %dma_wait3A_144 = arith.constant 0 : i32
    %dma_wait3A_145 = tpu.memref_slice %arg8[%dma_wait3A_143, %dma_wait3A_144] : memref<3072x1024xf32, #tpu.memory_space<vmem>> -> memref<768x1024xf32, #tpu.memory_space<vmem>>
    %dma_wait3A_146 = arith.constant 768 : i32
    %dma_wait3A_147 = arith.constant 0 : i32
    %dma_wait3A_148 = tpu.memref_slice %arg3[%dma_wait3A_146, %dma_wait3A_147] : memref<3072x1024xf32, #tpu.memory_space<hbm>> -> memref<768x1024xf32, #tpu.memory_space<hbm>>
    tpu.wait_dma2 semaphore(%dma_wait3A_142 : memref<!tpu.dma_semaphore, #tpu.memory_space<semaphore_mem>>) src(%dma_wait3A_148 : memref<768x1024xf32, #tpu.memory_space<hbm>>) dst(%dma_wait3A_145 : memref<768x1024xf32, #tpu.memory_space<vmem>>)
    %get3A_149 = arith.constant 768 : index
    %get3A_150 = arith.constant 0 : index
    %get3A_151 = vector.load %arg8[%get3A_149, %get3A_150] : memref<3072x1024xf32, #tpu.memory_space<vmem>>, vector<768x1024xf32>
    %mul3A_152 = vector.broadcast %reshape3A_74 : vector<1x1024xf32> to vector<768x1024xf32>
    %mul3A_153 = arith.mulf %get3A_151, %mul3A_152 : vector<768x1024xf32>
    %reduce_sum3A_154 = arith.constant dense<0.000000e+00> : vector<768xf32>
    %reduce_sum3A_155 = vector.multi_reduction <add>, %mul3A_153, %reduce_sum3A_154 [1] : vector<768x1024xf32> to vector<768xf32>
    %broadcast_in_dim3A_156 = vector.shape_cast %reduce_sum3A_155 : vector<768xf32> to vector<768x1xf32>
    %transpose3A_157 = tpu.transpose %broadcast_in_dim3A_156, [1, 0] : vector<768x1xf32> -> vector<1x768xf32>
    %squeeze3A_158 = vector.shape_cast %transpose3A_157 : vector<1x768xf32> to vector<768xf32>
    %swap3A_159 = arith.constant 0 : index
    %swap3A_160 = arith.constant 768 : index
    %swap3A_161 = vector.load %arg10[%swap3A_159, %swap3A_160] : memref<1x3072xf32, #tpu.memory_space<vmem>>, vector<1x768xf32>
    %swap3A_162 = vector.shape_cast %swap3A_161 : vector<1x768xf32> to vector<768xf32>
    %swap3A_163 = vector.shape_cast %squeeze3A_158 : vector<768xf32> to vector<1x768xf32>
    tpu.vector_store %arg10[%swap3A_159, %swap3A_160], %swap3A_163 {strides = array<i32>} : memref<1x3072xf32, #tpu.memory_space<vmem>>, vector<1x768xf32>,
    %dma_wait3A_164 = arith.constant 4 : i32
    %dma_wait3A_165 = tpu.memref_slice %arg11[%dma_wait3A_164] : memref<8x!tpu.dma_semaphore, #tpu.memory_space<semaphore_mem>> -> memref<1x!tpu.dma_semaphore, #tpu.memory_space<semaphore_mem>>
    %dma_wait3A_166 = tpu.memref_squeeze %dma_wait3A_165 : memref<1x!tpu.dma_semaphore, #tpu.memory_space<semaphore_mem>> -> memref<!tpu.dma_semaphore, #tpu.memory_space<semaphore_mem>>
    %dma_wait3A_167 = arith.constant 1536 : i32
    %dma_wait3A_168 = arith.constant 0 : i32
    %dma_wait3A_169 = tpu.memref_slice %arg7[%dma_wait3A_167, %dma_wait3A_168] : memref<3072x1024xf32, #tpu.memory_space<vmem>> -> memref<768x1024xf32, #tpu.memory_space<vmem>>
    %dma_wait3A_170 = arith.constant 1536 : i32
    %dma_wait3A_171 = arith.constant 0 : i32
    %dma_wait3A_172 = tpu.memref_slice %arg2[%dma_wait3A_170, %dma_wait3A_171] : memref<3072x1024xf32, #tpu.memory_space<hbm>> -> memref<768x1024xf32, #tpu.memory_space<hbm>>
    tpu.wait_dma2 semaphore(%dma_wait3A_166 : memref<!tpu.dma_semaphore, #tpu.memory_space<semaphore_mem>>) src(%dma_wait3A_172 : memref<768x1024xf32, #tpu.memory_space<hbm>>) dst(%dma_wait3A_169 : memref<768x1024xf32, #tpu.memory_space<vmem>>)
    %get3A_173 = arith.constant 1536 : index
    %get3A_174 = arith.constant 0 : index
    %get3A_175 = vector.load %arg7[%get3A_173, %get3A_174] : memref<3072x1024xf32, #tpu.memory_space<vmem>>, vector<768x1024xf32>
    %mul3A_176 = vector.broadcast %reshape3A : vector<1x1024xf32> to vector<768x1024xf32>
    %mul3A_177 = arith.mulf %get3A_175, %mul3A_176 : vector<768x1024xf32>
    %reduce_sum3A_178 = arith.constant dense<0.000000e+00> : vector<768xf32>
    %reduce_sum3A_179 = vector.multi_reduction <add>, %mul3A_177, %reduce_sum3A_178 [1] : vector<768x1024xf32> to vector<768xf32>
    %broadcast_in_dim3A_180 = vector.shape_cast %reduce_sum3A_179 : vector<768xf32> to vector<768x1xf32>
    %transpose3A_181 = tpu.transpose %broadcast_in_dim3A_180, [1, 0] : vector<768x1xf32> -> vector<1x768xf32>
    %squeeze3A_182 = vector.shape_cast %transpose3A_181 : vector<1x768xf32> to vector<768xf32>
    %swap3A_183 = arith.constant 0 : index
    %swap3A_184 = arith.constant 1536 : index
    %swap3A_185 = vector.load %arg9[%swap3A_183, %swap3A_184] : memref<1x3072xf32, #tpu.memory_space<vmem>>, vector<1x768xf32>
    %swap3A_186 = vector.shape_cast %swap3A_185 : vector<1x768xf32> to vector<768xf32>
    %swap3A_187 = vector.shape_cast %squeeze3A_182 : vector<768xf32> to vector<1x768xf32>
    tpu.vector_store %arg9[%swap3A_183, %swap3A_184], %swap3A_187 {strides = array<i32>} : memref<1x3072xf32, #tpu.memory_space<vmem>>, vector<1x768xf32>,
    %dma_wait3A_188 = arith.constant 5 : i32
    %dma_wait3A_189 = tpu.memref_slice %arg11[%dma_wait3A_188] : memref<8x!tpu.dma_semaphore, #tpu.memory_space<semaphore_mem>> -> memref<1x!tpu.dma_semaphore, #tpu.memory_space<semaphore_mem>>
    %dma_wait3A_190 = tpu.memref_squeeze %dma_wait3A_189 : memref<1x!tpu.dma_semaphore, #tpu.memory_space<semaphore_mem>> -> memref<!tpu.dma_semaphore, #tpu.memory_space<semaphore_mem>>
    %dma_wait3A_191 = arith.constant 1536 : i32
    %dma_wait3A_192 = arith.constant 0 : i32
    %dma_wait3A_193 = tpu.memref_slice %arg8[%dma_wait3A_191, %dma_wait3A_192] : memref<3072x1024xf32, #tpu.memory_space<vmem>> -> memref<768x1024xf32, #tpu.memory_space<vmem>>
    %dma_wait3A_194 = arith.constant 1536 : i32
    %dma_wait3A_195 = arith.constant 0 : i32
    %dma_wait3A_196 = tpu.memref_slice %arg3[%dma_wait3A_194, %dma_wait3A_195] : memref<3072x1024xf32, #tpu.memory_space<hbm>> -> memref<768x1024xf32, #tpu.memory_space<hbm>>
    tpu.wait_dma2 semaphore(%dma_wait3A_190 : memref<!tpu.dma_semaphore, #tpu.memory_space<semaphore_mem>>) src(%dma_wait3A_196 : memref<768x1024xf32, #tpu.memory_space<hbm>>) dst(%dma_wait3A_193 : memref<768x1024xf32, #tpu.memory_space<vmem>>)
    %get3A_197 = arith.constant 1536 : index
    %get3A_198 = arith.constant 0 : index
    %get3A_199 = vector.load %arg8[%get3A_197, %get3A_198] : memref<3072x1024xf32, #tpu.memory_space<vmem>>, vector<768x1024xf32>
    %mul3A_200 = vector.broadcast %reshape3A_74 : vector<1x1024xf32> to vector<768x1024xf32>
    %mul3A_201 = arith.mulf %get3A_199, %mul3A_200 : vector<768x1024xf32>
    %reduce_sum3A_202 = arith.constant dense<0.000000e+00> : vector<768xf32>
    %reduce_sum3A_203 = vector.multi_reduction <add>, %mul3A_201, %reduce_sum3A_202 [1] : vector<768x1024xf32> to vector<768xf32>
    %broadcast_in_dim3A_204 = vector.shape_cast %reduce_sum3A_203 : vector<768xf32> to vector<768x1xf32>
    %transpose3A_205 = tpu.transpose %broadcast_in_dim3A_204, [1, 0] : vector<768x1xf32> -> vector<1x768xf32>
    %squeeze3A_206 = vector.shape_cast %transpose3A_205 : vector<1x768xf32> to vector<768xf32>
    %swap3A_207 = arith.constant 0 : index
    %swap3A_208 = arith.constant 1536 : index
    %swap3A_209 = vector.load %arg10[%swap3A_207, %swap3A_208] : memref<1x3072xf32, #tpu.memory_space<vmem>>, vector<1x768xf32>
    %swap3A_210 = vector.shape_cast %swap3A_209 : vector<1x768xf32> to vector<768xf32>
    %swap3A_211 = vector.shape_cast %squeeze3A_206 : vector<768xf32> to vector<1x768xf32>
    tpu.vector_store %arg10[%swap3A_207, %swap3A_208], %swap3A_211 {strides = array<i32>} : memref<1x3072xf32, #tpu.memory_space<vmem>>, vector<1x768xf32>,
    %dma_wait3A_212 = arith.constant 6 : i32
    %dma_wait3A_213 = tpu.memref_slice %arg11[%dma_wait3A_212] : memref<8x!tpu.dma_semaphore, #tpu.memory_space<semaphore_mem>> -> memref<1x!tpu.dma_semaphore, #tpu.memory_space<semaphore_mem>>
    %dma_wait3A_214 = tpu.memref_squeeze %dma_wait3A_213 : memref<1x!tpu.dma_semaphore, #tpu.memory_space<semaphore_mem>> -> memref<!tpu.dma_semaphore, #tpu.memory_space<semaphore_mem>>
    %dma_wait3A_215 = arith.constant 2304 : i32
    %dma_wait3A_216 = arith.constant 0 : i32
    %dma_wait3A_217 = tpu.memref_slice %arg7[%dma_wait3A_215, %dma_wait3A_216] : memref<3072x1024xf32, #tpu.memory_space<vmem>> -> memref<768x1024xf32, #tpu.memory_space<vmem>>
    %dma_wait3A_218 = arith.constant 2304 : i32
    %dma_wait3A_219 = arith.constant 0 : i32
    %dma_wait3A_220 = tpu.memref_slice %arg2[%dma_wait3A_218, %dma_wait3A_219] : memref<3072x1024xf32, #tpu.memory_space<hbm>> -> memref<768x1024xf32, #tpu.memory_space<hbm>>
    tpu.wait_dma2 semaphore(%dma_wait3A_214 : memref<!tpu.dma_semaphore, #tpu.memory_space<semaphore_mem>>) src(%dma_wait3A_220 : memref<768x1024xf32, #tpu.memory_space<hbm>>) dst(%dma_wait3A_217 : memref<768x1024xf32, #tpu.memory_space<vmem>>)
    %get3A_221 = arith.constant 2304 : index
    %get3A_222 = arith.constant 0 : index
    %get3A_223 = vector.load %arg7[%get3A_221, %get3A_222] : memref<3072x1024xf32, #tpu.memory_space<vmem>>, vector<768x1024xf32>
    %mul3A_224 = vector.broadcast %reshape3A : vector<1x1024xf32> to vector<768x1024xf32>
    %mul3A_225 = arith.mulf %get3A_223, %mul3A_224 : vector<768x1024xf32>
    %reduce_sum3A_226 = arith.constant dense<0.000000e+00> : vector<768xf32>
    %reduce_sum3A_227 = vector.multi_reduction <add>, %mul3A_225, %reduce_sum3A_226 [1] : vector<768x1024xf32> to vector<768xf32>
    %broadcast_in_dim3A_228 = vector.shape_cast %reduce_sum3A_227 : vector<768xf32> to vector<768x1xf32>
    %transpose3A_229 = tpu.transpose %broadcast_in_dim3A_228, [1, 0] : vector<768x1xf32> -> vector<1x768xf32>
    %squeeze3A_230 = vector.shape_cast %transpose3A_229 : vector<1x768xf32> to vector<768xf32>
    %swap3A_231 = arith.constant 0 : index
    %swap3A_232 = arith.constant 2304 : index
    %swap3A_233 = vector.load %arg9[%swap3A_231, %swap3A_232] : memref<1x3072xf32, #tpu.memory_space<vmem>>, vector<1x768xf32>
    %swap3A_234 = vector.shape_cast %swap3A_233 : vector<1x768xf32> to vector<768xf32>
    %swap3A_235 = vector.shape_cast %squeeze3A_230 : vector<768xf32> to vector<1x768xf32>
    tpu.vector_store %arg9[%swap3A_231, %swap3A_232], %swap3A_235 {strides = array<i32>} : memref<1x3072xf32, #tpu.memory_space<vmem>>, vector<1x768xf32>,
    %dma_wait3A_236 = arith.constant 7 : i32
    %dma_wait3A_237 = tpu.memref_slice %arg11[%dma_wait3A_236] : memref<8x!tpu.dma_semaphore, #tpu.memory_space<semaphore_mem>> -> memref<1x!tpu.dma_semaphore, #tpu.memory_space<semaphore_mem>>
    %dma_wait3A_238 = tpu.memref_squeeze %dma_wait3A_237 : memref<1x!tpu.dma_semaphore, #tpu.memory_space<semaphore_mem>> -> memref<!tpu.dma_semaphore, #tpu.memory_space<semaphore_mem>>
    %dma_wait3A_239 = arith.constant 2304 : i32
    %dma_wait3A_240 = arith.constant 0 : i32
    %dma_wait3A_241 = tpu.memref_slice %arg8[%dma_wait3A_239, %dma_wait3A_240] : memref<3072x1024xf32, #tpu.memory_space<vmem>> -> memref<768x1024xf32, #tpu.memory_space<vmem>>
    %dma_wait3A_242 = arith.constant 2304 : i32
    %dma_wait3A_243 = arith.constant 0 : i32
    %dma_wait3A_244 = tpu.memref_slice %arg3[%dma_wait3A_242, %dma_wait3A_243] : memref<3072x1024xf32, #tpu.memory_space<hbm>> -> memref<768x1024xf32, #tpu.memory_space<hbm>>
    tpu.wait_dma2 semaphore(%dma_wait3A_238 : memref<!tpu.dma_semaphore, #tpu.memory_space<semaphore_mem>>) src(%dma_wait3A_244 : memref<768x1024xf32, #tpu.memory_space<hbm>>) dst(%dma_wait3A_241 : memref<768x1024xf32, #tpu.memory_space<vmem>>)
    %get3A_245 = arith.constant 2304 : index
    %get3A_246 = arith.constant 0 : index
    %get3A_247 = vector.load %arg8[%get3A_245, %get3A_246] : memref<3072x1024xf32, #tpu.memory_space<vmem>>, vector<768x1024xf32>
    %mul3A_248 = vector.broadcast %reshape3A_74 : vector<1x1024xf32> to vector<768x1024xf32>
    %mul3A_249 = arith.mulf %get3A_247, %mul3A_248 : vector<768x1024xf32>
    %reduce_sum3A_250 = arith.constant dense<0.000000e+00> : vector<768xf32>
    %reduce_sum3A_251 = vector.multi_reduction <add>, %mul3A_249, %reduce_sum3A_250 [1] : vector<768x1024xf32> to vector<768xf32>
    %broadcast_in_dim3A_252 = vector.shape_cast %reduce_sum3A_251 : vector<768xf32> to vector<768x1xf32>
    %transpose3A_253 = tpu.transpose %broadcast_in_dim3A_252, [1, 0] : vector<768x1xf32> -> vector<1x768xf32>
    %squeeze3A_254 = vector.shape_cast %transpose3A_253 : vector<1x768xf32> to vector<768xf32>
    %swap3A_255 = arith.constant 0 : index
    %swap3A_256 = arith.constant 2304 : index
    %swap3A_257 = vector.load %arg10[%swap3A_255, %swap3A_256] : memref<1x3072xf32, #tpu.memory_space<vmem>>, vector<1x768xf32>
    %swap3A_258 = vector.shape_cast %swap3A_257 : vector<1x768xf32> to vector<768xf32>
    %swap3A_259 = vector.shape_cast %squeeze3A_254 : vector<768xf32> to vector<1x768xf32>
    tpu.vector_store %arg10[%swap3A_255, %swap3A_256], %swap3A_259 {strides = array<i32>} : memref<1x3072xf32, #tpu.memory_space<vmem>>, vector<1x768xf32>,
    %get3A_260 = arith.constant 0 : index
    %get3A_261 = arith.constant 0 : index
    %get3A_262 = vector.load %arg9[%get3A_260, %get3A_261] : memref<1x3072xf32, #tpu.memory_space<vmem>>, vector<1x3072xf32>
    %get3A_263 = arith.constant 0 : index
    %get3A_264 = vector.load %arg4[%get3A_263] : memref<3072xf32, #tpu.memory_space<vmem>>, vector<3072xf32>
    %reshape3A_265 = vector.shape_cast %get3A_264 : vector<3072xf32> to vector<1x3072xf32>
    %add3A = arith.addf %get3A_262, %reshape3A_265 : vector<1x3072xf32>
    %get3A_266 = arith.constant 0 : index
    %get3A_267 = arith.constant 0 : index
    %get3A_268 = vector.load %arg10[%get3A_266, %get3A_267] : memref<1x3072xf32, #tpu.memory_space<vmem>>, vector<1x3072xf32>
    %get3A_269 = arith.constant 0 : index
    %get3A_270 = vector.load %arg5[%get3A_269] : memref<3072xf32, #tpu.memory_space<vmem>>, vector<3072xf32>
    %reshape3A_271 = vector.shape_cast %get3A_270 : vector<3072xf32> to vector<1x3072xf32>
    %add3A_272 = arith.addf %get3A_268, %reshape3A_271 : vector<1x3072xf32>
    %slice3A = vector.extract_strided_slice %add3A {offsets = [0, 0], sizes = [1, 1024], strides = [1, 1]} : vector<1x3072xf32> to vector<1x1024xf32>
    %slice3A_273 = vector.extract_strided_slice %add3A_272 {offsets = [0, 0], sizes = [1, 1024], strides = [1, 1]} : vector<1x3072xf32> to vector<1x1024xf32>
    %add3A_274 = arith.addf %slice3A, %slice3A_273 : vector<1x1024xf32>
    %logistic3A = arith.negf %add3A_274 : vector<1x1024xf32>
    %logistic3A_275 = math.exp %logistic3A : vector<1x1024xf32>
    %logistic3A_276 = arith.constant 1.000000e+00 : f32
    %logistic3A_277 = vector.broadcast %logistic3A_276 : f32 to vector<1x1024xf32>
    %logistic3A_278 = arith.addf %logistic3A_277, %logistic3A_275 : vector<1x1024xf32>
    %logistic3A_279 = arith.divf %logistic3A_277, %logistic3A_278 : vector<1x1024xf32>
    %slice3A_280 = vector.extract_strided_slice %add3A {offsets = [0, 1024], sizes = [1, 1024], strides = [1, 1]} : vector<1x3072xf32> to vector<1x1024xf32>
    %slice3A_281 = vector.extract_strided_slice %add3A_272 {offsets = [0, 1024], sizes = [1, 1024], strides = [1, 1]} : vector<1x3072xf32> to vector<1x1024xf32>
    %add3A_282 = arith.addf %slice3A_280, %slice3A_281 : vector<1x1024xf32>
    %logistic3A_283 = arith.negf %add3A_282 : vector<1x1024xf32>
    %logistic3A_284 = math.exp %logistic3A_283 : vector<1x1024xf32>
    %logistic3A_285 = arith.constant 1.000000e+00 : f32
    %logistic3A_286 = vector.broadcast %logistic3A_285 : f32 to vector<1x1024xf32>
    %logistic3A_287 = arith.addf %logistic3A_286, %logistic3A_284 : vector<1x1024xf32>
    %logistic3A_288 = arith.divf %logistic3A_286, %logistic3A_287 : vector<1x1024xf32>
    %slice3A_289 = vector.extract_strided_slice %add3A {offsets = [0, 2048], sizes = [1, 1024], strides = [1, 1]} : vector<1x3072xf32> to vector<1x1024xf32>
    %slice3A_290 = vector.extract_strided_slice %add3A_272 {offsets = [0, 2048], sizes = [1, 1024], strides = [1, 1]} : vector<1x3072xf32> to vector<1x1024xf32>
    %mul3A_291 = arith.mulf %logistic3A_279, %slice3A_290 : vector<1x1024xf32>
    %add3A_292 = arith.addf %slice3A_289, %mul3A_291 : vector<1x1024xf32>
    %tanh3A = math.tanh %add3A_292 : vector<1x1024xf32>
    %sub3A = arith.constant 1.000000e+00 : f32
    %sub3A_293 = vector.broadcast %sub3A : f32 to vector<1x1024xf32>
    %sub3A_294 = arith.subf %sub3A_293, %logistic3A_288 : vector<1x1024xf32>
    %mul3A_295 = arith.mulf %sub3A_294, %tanh3A : vector<1x1024xf32>
    %mul3A_296 = arith.mulf %logistic3A_288, %reshape3A_74 : vector<1x1024xf32>
    %add3A_297 = arith.addf %mul3A_295, %mul3A_296 : vector<1x1024xf32>
    %swap3A_298 = arith.constant 0 : index
    %swap3A_299 = arith.constant 0 : index
    %swap3A_300 = vector.load %arg6[%swap3A_298, %swap3A_299] : memref<1x1024xf32, #tpu.memory_space<vmem>>, vector<1x1024xf32>
    tpu.vector_store %arg6[%swap3A_298, %swap3A_299], %add3A_297 {strides = array<i32>} : memref<1x1024xf32, #tpu.memory_space<vmem>>, vector<1x1024xf32>,
    return
  }
}

</mosaic_0001>

<sc_bundles>
// kernel: kernel.5.cloned.1.call-start
scs
__scs_entry_jumppad:
0x0: {  	(pc) =	sbr.rel $0x88, $3  }
0x1: {  	(tag) =	ssettag $0x0;
	lr =	simm.s32 $0x1  }
0x2: {  	[smem:$0x3F99] =	sst lr;
	_ =	strace $0xD0000000  }
0x3: {  	_ = 	snop  }
0x4: {  	_ = 	snop  }
0x5: {  	_ = 	snop  }
0x6: {  	_ = 	snop  }
0x7: {  	_ = 	snop  }
__scs_overlays_trampoline_lowered:
0x8: {  	[smem:$0x3FA8] =	sst s0  }
0x9: {  	[smem:$0x3FA9] =	sst s1  }
0xa: {  	[smem:$0x3FAA] =	sst s2  }
0xb: {  	[smem:$0x3FAB] =	sst s3  }
0xc: {  	[smem:$0x3FAC] =	sst s4  }
0xd: {  	[smem:$0x3FAD] =	sst s5  }
0xe: {  	[smem:$0x3FAE] =	sst s6  }
0xf: {  	[smem:$0x3FAF] =	sst s7  }
0x10: {  	[smem:$0x3FB0] =	sst s8  }
0x11: {  	[smem:$0x3FB1] =	sst s9;
	s0 =	simm.s32 @!p0 $0x0  }
0x12: {  	s1 =	sld [smem:$0x3F97];
	s0 =	simm.s32 @p0 $0x1  }
0x13: {  	[smem:$0x3FB2] =	sst s0;
	s0 =	simm.s32 @!p1 $0x0  }
0x14: {  	s2 =	sld [smem:$0x3F96];
	s0 =	simm.s32 @p1 $0x1  }
0x15: {  	[smem:$0x3FB3] =	sst s0;
	s0 =	simm.s32 @!p2 $0x0  }
0x16: {  	s3 =	sld [smem:$0x3FDB];
	s0 =	simm.s32 @p2 $0x1  }
0x17: {  	s4 =	simm.s32 $0x1BF5;
	[smem:$0x3FB5] =	sst s0  }
0x18: {  	s0 =	sld [smem:$0x3F98];
	_ =	swait.ge [sflag:s4], $0x0  }
0x19: {  	s7 =	sld [smem:$0x3F99]  }
0x1a: {  	s8 =	sadd.s32 $0xFFFFE003, lr  }
0x1b: {  	s9 =	sadd.s32 $0xFFFFFEF7, lr;
	s5 =	simm.s32 $0xFFFFFFFF;
	p2 =	slt.u32 s8, $0xFFFFF086  }
0x1c: {  	p1 =	slt.u32 s9, $0xF7A;
	s5 =	simm.s32 @!p2 $0x0  }
0x1d: {  	s5 =	simm.s32 @p1 $0x1;
	p0 =	seq.s32 s7, s2  }
0x1e: {  	s7 =	smul.u32 @!p0 $0xF7A, s2;
	p2 =	seq.s32 @!p0 s5, $0x0  }
0x1f: {  	s9 =	smul.u32 $0xF7A, s1;
	s8 =	simm.s32 @!p0 $0x1BF5;
	p2 =	por !p2, p0  }
0x20: {  	[sflag:s8] =	ssyncset.s32 @!p0 $0xFFFFF086;
	s6 =	sadd.s32 @!p0 s3, s7;
	s7 =	simm.s32 @!p0 $0x108  }
0x21: {  	s3 =	sadd.s32 s3, s9;
	s6 =	sadd.s32 @!p0 $0x88, s6;
	s7 =	simm.s32 @p2 $0x1082  }
0x22: {  	[simem:s7], [sflag:s8] =	dma.local @!p0 [hbm:s6], $0xF7A  }
0x23: {  	s9 =	sor.u32 $0xD0000000, s2;
	s6 =	simm.s32 $0x108;
	_ =	swait.ge @!p0 [sflag:s8], $0x0  }
0x24: {  	s3 =	sadd.s32 $0x88, s3;
	s6 =	simm.s32 @!p1 $0x1082;
	[sflag:s4] =	ssyncset.s32 $0xFFFFF086  }
0x25: {  	[simem:s6], [sflag:s4] =	dma.local [hbm:s3], $0xF7A  }
0x26: {  	[smem:$0x3F99] =	sst s1;
	(tag) =	ssettag s2;
	_ =	strace s9  }
0x27: {  	s1 =	sld [smem:$0x3FA9]  }
0x28: {  	s2 =	sld [smem:$0x3FAA]  }
0x29: {  	s4 =	sld [smem:$0x3FAC]  }
0x2a: {  	p0 =	seq.s32 s5, $0x0;
	s5 =	sld [smem:$0x3FAD]  }
0x2b: {  	s6 =	sld [smem:$0x3FAE]  }
0x2c: {  	s7 =	sld [smem:$0x3FAF]  }
0x2d: {  	s3 =	simm.s32 $0x108;
	s8 =	sld [smem:$0x3FB0]  }
0x2e: {  	s3 =	simm.s32 @!p0 $0x1082;
	s9 =	sld [smem:$0x3FB1]  }
0x2f: {  	lr =	sadd.s32 s0, s3;
	s0 =	sld [smem:$0x3FA8]  }
0x30: {  	s3 =	sld [smem:$0x3FAB]  }
0x31: {  	[smem:$0x3FB4] =	sst s10  }
0x32: {  	s10 =	sld [smem:$0x3FB2];
	_ =	sdelay $0x3  }
0x33: {  	p0 =	seq.s32 s10, $0x1;
	s10 =	sld [smem:$0x3FB4];
	_ =	sdelay $0x3  }
0x34: {  	[smem:$0x3FB4] =	sst s10  }
0x35: {  	s10 =	sld [smem:$0x3FB3];
	_ =	sdelay $0x3  }
0x36: {  	p1 =	seq.s32 s10, $0x1;
	s10 =	sld [smem:$0x3FB4];
	_ =	sdelay $0x3  }
0x37: {  	[smem:$0x3FB4] =	sst s10  }
0x38: {  	s10 =	sld [smem:$0x3FB5]  }
0x39: {  	_ = 	snop;
	(pc) =	sbr.ind lr, $3  }
0x3a: {  	_ = 	snop  }
0x3b: {  	_ = 	snop  }
0x3c: {  	p2 =	seq.s32 s10, $0x1;
	s10 =	sld [smem:$0x3FB4]  }
0x3d: {  	_ =	shalt  }
0x3e: {  	_ =	shalt  }
0x3f: {  	_ =	shalt  }
0x40: {  	_ =	shalt  }
0x41: {  	_ =	shalt  }
0x42: {  	_ =	shalt  }
0x43: {  	_ =	shalt  }
0x44: {  	_ =	shalt  }
0x45: {  	_ =	shalt  }
0x46: {  	_ =	shalt  }
0x47: {  	_ =	shalt  }
0x48: {  	_ =	shalt  }
0x49: {  	_ =	shalt  }
0x4a: {  	_ =	shalt  }
0x4b: {  	_ =	shalt  }
0x4c: {  	_ =	shalt  }
0x4d: {  	_ =	shalt  }
0x4e: {  	_ =	shalt  }
0x4f: {  	_ =	shalt  }
0x50: {  	_ =	shalt  }
0x51: {  	_ =	shalt  }
0x52: {  	_ =	shalt  }
0x53: {  	_ =	shalt  }
0x54: {  	_ =	shalt  }
0x55: {  	_ =	shalt  }
0x56: {  	_ =	shalt  }
0x57: {  	_ =	shalt  }
0x58: {  	_ =	shalt  }
0x59: {  	_ =	shalt  }
0x5a: {  	_ =	shalt  }
0x5b: {  	_ =	shalt  }
0x5c: {  	_ =	shalt  }
0x5d: {  	_ =	shalt  }
0x5e: {  	_ =	shalt  }
0x5f: {  	_ =	shalt  }
0x60: {  	_ =	shalt  }
0x61: {  	_ =	shalt  }
0x62: {  	_ =	shalt  }
0x63: {  	_ =	shalt  }
0x64: {  	_ =	shalt  }
0x65: {  	_ =	shalt  }
0x66: {  	_ =	shalt  }
0x67: {  	_ =	shalt  }
0x68: {  	_ =	shalt  }
0x69: {  	_ =	shalt  }
0x6a: {  	_ =	shalt  }
0x6b: {  	_ =	shalt  }
0x6c: {  	_ =	shalt  }
0x6d: {  	_ =	shalt  }
0x6e: {  	_ =	shalt  }
0x6f: {  	_ =	shalt  }
0x70: {  	_ =	shalt  }
0x71: {  	_ =	shalt  }
0x72: {  	_ =	shalt  }
0x73: {  	_ =	shalt  }
0x74: {  	_ =	shalt  }
0x75: {  	_ =	shalt  }
0x76: {  	_ =	shalt  }
0x77: {  	_ =	shalt  }
0x78: {  	_ =	shalt  }
0x79: {  	_ =	shalt  }
0x7a: {  	_ =	shalt  }
0x7b: {  	_ =	shalt  }
0x7c: {  	_ =	shalt  }
0x7d: {  	_ =	shalt  }
0x7e: {  	_ =	shalt  }
0x7f: {  	_ =	shalt  }
0x80: {  	_ =	shalt  }
0x81: {  	_ =	shalt  }
0x82: {  	_ =	shalt  }
0x83: {  	_ =	shalt  }
0x84: {  	_ =	shalt  }
0x85: {  	_ =	shalt  }
0x86: {  	_ =	shalt  }
0x87: {  	_ =	shalt  }
.Lfunc_end0:
.L_simem_size_0:
called_computation_lowered:
.L_overlay_start_0:
0x88: {  	s2 =	sld [smem:$0x3FD9]  }
0x89: {  	s3 =	sld [smem:$0x3FFE];
	_ =	sdelay $0x1  }
0x8a: {  	s1 =	srdreg.scid  }
0x8b: {  	s0 =	sand.u32 $0x1, s1  }
0x8c: {  	s14 =	sshll.u32 s0, $0xA;
	s2 =	sadd.s32 s3, s2  }
0x8d: {  	s2 =	sadd.s32 s2, s14  }
0x8e: {  	[smem:$0x3FC0] =	sst s2  }
0x8f: {  	_ = 	snop  }
0x90: {  	s2 =	sld [smem:$0x3FD0];
	_ =	sdelay $0x1  }
0x91: {  	s15 =	sld [smem:$0x3FC9]  }
0x92: {  	s5 =	simm.s32 $0xA;
	s6 =	simm.s32 $0x10;
	s4 =	sld [smem:$0x3FC8]  }
0x93: {  	[smem:s6], [sflag:s5] =	dma.local [hbm:s2], $0x1  }
0x94: {  	_ =	swait.eq [sflag:s5], $0x1  }
0x95: {  	[sflag:s5] =	ssyncset.done $0x0  }
0x96: {  	[sflag:s5] =	ssyncadd.s32 $0xFFFFFFFF  }
0x97: {  	s16 =	sld [smem:$0x10];
	(tm) =	ssettm $0x1  }
0x98: {  	s17 =	sld [smem:$0x3FFB];
	_ =	sdelay $0x3  }
0x99: {  	_ =	strace s17  }
0x9a: {  	s5 =	sld [smem:$0x3FFC];
	_ =	sdelay $0x3  }
0x9b: {  	_ =	strace s5  }
0x9c: {  	s5 =	sld [smem:$0x3FFD];
	_ =	sdelay $0x3  }
0x9d: {  	_ =	strace s5  }
0x9e: {  	_ =	strace $0x8FFFFFFF  }
0x9f: {  	s18 =	sld [smem:$0x3FDB];
	_ =	sdelay $0x1  }
0xa0: {  	s19 =	simm.s32 $_scs_section_size  }
0xa1: {  	s7 =	simm.s32 $_size__tile_overlayer_lowered;
	s8 =	simm.s32 $_tile_overlayer_lowered  }
0xa2: {  	s22 =	simm.s32 $0x1BFF;
	s21 =	sshll.u32 s8, $0x1;
	s5 =	sadd.s32 s19, s18  }
0xa3: {  	s9 =	simm.s32 $0x0;
	s20 =	sshll.u32 s7, $0x1;
	s7 =	sadd.s32 s21, s5  }
0xa4: {  	[timem:s9], [sflag:s22] =	dma.local [hbm:s7], s20  }
0xa5: {  	_ =	swait.ge [sflag:s22], s20  }
0xa6: {  	s6 =	ssub.s32 $0x0, s20;
	[sflag:s22] =	ssyncset.done $0x0  }
0xa7: {  	[sflag:s22] =	ssyncadd.s32 s6;
	_ =	sdelay $0x1  }
0xa8: {  	s23 =	simm.s32 $0x1B8B  }
0xa9: {  	_ =	swait.ge [sflag:s23], $0x1  }
0xaa: {  	[sflag:s23] =	ssyncset.done $0x0  }
0xab: {  	s25 =	simm.s32 $0x1B8E;
	s24 =	sld [smem:$0x3FFE];
	[sflag:s23] =	ssyncadd.s32 $0xFFFFFFFF  }
0xac: {  	s26 =	simm.s32 $execute0_lowered;
	[smem:$0x3FD2] =	sst s25  }
0xad: {  	s7 =	sshll.u32 s26, $0x1;
	_ =	strace $0x80000046;
	[dreg:$0x1] =	wrdreg $0xFFFFFFFF  }
0xae: {  	s28 =	simm.s32 $_size_execute0_lowered;
	s5 =	sadd.s32 s5, s7;
	[dreg:$0x0] =	wrdreg $0x0  }
0xaf: {  	s7 =	sshll.u32 s28, $0x1;
	[dreg:$0x2] =	wrdreg s5  }
0xb0: {  	[dreg:$0x3] =	wrdreg s7  }
0xb1: {  	[dreg:$0x4] =	wrdreg $0xC0  }
0xb2: {  	_ =	task [dreg:s9], $0x5FFFF  }
0xb3: {  	[dreg:$0x1] =	wrdreg $0xFFFFFFFF  }
0xb4: {  	[dreg:$0x0] =	wrdreg $0x60  }
0xb5: {  	[dreg:$0x2] =	wrdreg s24  }
0xb6: {  	[dreg:$0x3] =	wrdreg s15  }
0xb7: {  	[dreg:$0x4] =	wrdreg s4  }
0xb8: {  	[dreg:$0x5] =	wrdreg s16  }
0xb9: {  	[dreg:$0x6] =	wrdreg $0x9  }
0xba: {  	_ =	task.clear_ibuf [dreg:s9], $0x7FFFF;
	_ =	strace $0x90000046  }
0xbb: {  	s29 =	simm.s32 $0x9;
	_ =	strace $0x80000048  }
0xbc: {  	_ =	swait.ge [sflag:s29], $0x1  }
0xbd: {  	[sflag:s29] =	ssyncadd.s32 $0xFFFFFFFF  }
0xbe: {  	_ =	strace $0x90000048  }
0xbf: {  	_ =	sfence  }
0xc0: {  	s30 =	sld [smem:$0x0];
	_ =	sdelay $0x2  }
0xc1: {  	s31 =	sshll.u32 s1, $0xD;
	s1 =	sshrl.u32 s1, $0x2  }
0xc2: {  	s3 =	sand.u32 $0x4000, s31;
	s1 =	sadd.s32 s1, s30  }
0xc3: {  	s0 =	sor.u32 s3, s0;
	s1 =	sshll.u32 s1, $0x11  }
0xc4: {  	s0 =	sor.u32 s1, s0  }
0xc5: {  	s0 =	sadd.s32 $0x8F2B, s0  }
0xc6: {  	[sflag:s0] =	ssyncadd.remote.s32 $0x1  }
0xc7: {  	_ =	sfence.sel $0xFFFF  }
0xc8: {  	[dreg:$0x0] =	wrdreg $0xFFFFFFFF;
	(pc) =	sbr.abs _section_cstart, $3  }
0xc9: {  	[dreg:$0x1] =	wrdreg $0xFFFFFFFF  }
0xca: {  	_ =	task.clear_ibuf [dreg:s9], $0x2FFFF;
	_ =	strace $0x9FFFFFFF  }
0xcb: {  	(tm) =	ssettm $0x7FFFFFFF  }
tec
execute0_lowered:
.L_overlay_start_1:
0x0: {  	(tag) =	ssettag $0x1  }
0x1: {  	s5 =	rddreg [dreg:$0x0]  }
0x2: {  	s1 =	rddreg [dreg:$0x1]  }
0x3: {  	s2 =	srdreg.scid;
	s3 =	rddreg [dreg:$0x2]  }
0x4: {  	s0 =	stileid.u32;
	s8 =	rddreg [dreg:$0x3]  }
0x5: {  	s4 =	simm.s32 $0x0;
	s11 =	simm.s32 $0x3;
	s12 =	simm.s32 $0x400  }
0x6: {  	s13 =	simm.s32 $0x800;
	s14 =	simm.s32 $0x1;
	s15 =	simm.s32 $0x2  }
0x7: {  	s16 =	simm.s32 $0x18D00;
	s6 =	sand.u32 $0x1, s2;
	s30 =	sshll.u32 s0, $0x1  }
0x8: {  	s17 =	simm.s32 $0x0;
	s2 =	rddreg [dreg:$0x4];
	s7 =	sor.u32 s6, s30  }
0x9: {  	[smem:$0x7FF] =	sst s4;
	s6 =	ssub.s32 $0x2, s6;
	s9 =	smul.u32 $0x18020, s7  }
0xa: {  	_ =	strace $0x80000047;
	s31 =	sshrl.u32 s6, $0x1;
	s7 =	sshll.u32 s7, $0x2  }
0xb: {  	vm4 =	vmmov $0xf;
	s10 =	ssub.s32 s6, s31;
	s7 =	sadd.s32 s8, s7;
	s9 =	sshrl.u32 s9, $0x3  }
0xc: {  	vm3 =	vmmov $0x1f;
	vm5 =	vmmov $0x3f;
	vm6 =	vmmov $0x7f;
	s8 =	smax.u32 s10, $0x1;
	s10 =	simm.s32 $0xCC80;
	s9 =	sadd.s32 s9, s5  }
0xd: {  	vm7 =	vmmov $0xff;
	vm8 =	vmmov $0x1ff;
	vm9 =	vmmov $0x3ff;
	s5 =	sadd.s32 $0x1C00, s9;
	s6 =	sadd.s32 $0x3402, s9;
	s9 =	simm.s32 $0xC00  }
.LBB2_1:
0xe: {  	[tilespmem:s9], [sflag:$0x1] =	stream.linear.gather [hbm4b:s5+s4], $0xC010, $0x38;
	[tilespmem:$0x18D80] =	vst v63  }
0xf: {  	_ = 	snop  }
0x10: {  	[tilespmem:s10], [sflag:$0x2] =	stream.linear.gather [hbm4b:s6+s4], $0xC010, $0x38;
	[tilespmem:$0x18D80] =	vst v63  }
0x11: {  	_ = 	snop  }
0x12: {  	[tilespmem:s4], [sflag:$0x3] =	stream.linear.gather [hbm4b:s1+s4], $0x400, $0x38;
	[tilespmem:$0x18D80] =	vst v63  }
0x13: {  	_ =	swait.ge [sflag:s11], $0x400  }
0x14: {  	[sflag:s11] =	ssyncset.done $0x0  }
0x15: {  	[sflag:s11] =	ssyncadd.s32 $0xFFFFFC00  }
0x16: {  	[tilespmem:s12], [sflag:$0x3] =	stream.linear.gather [hbm4b:s3+s4], $0x400, $0x38;
	[tilespmem:$0x18D80] =	vst v63  }
0x17: {  	_ =	swait.ge [sflag:s11], $0x400  }
0x18: {  	[sflag:s11] =	ssyncset.done $0x0  }
0x19: {  	[sflag:s11] =	ssyncadd.s32 $0xFFFFFC00  }
0x1a: {  	[tilespmem:s13], [sflag:$0x3] =	stream.linear.gather [hbm4b:s3+s4], $0x400, $0x38;
	[tilespmem:$0x18D80] =	vst v63  }
0x1b: {  	_ =	swait.ge [sflag:s11], $0x400  }
0x1c: {  	[sflag:s11] =	ssyncset.done $0x0  }
0x1d: {  	[sflag:s11] =	ssyncadd.s32 $0xFFFFFC00  }
0x1e: {  	_ =	swait.ge [sflag:s14], $0xC010  }
0x1f: {  	[sflag:s14] =	ssyncset.done $0x0  }
0x20: {  	s19 =	simm.s32 $0x40;
	[sflag:s14] =	ssyncadd.s32 $0xFFFF3FF0  }
0x21: {  	s18 =	simm.s32 $0x2402;
	v0 =	vld [tilespmem:s19+$0x30]  }
0x22: {  	v2 =	vld [tilespmem:s18+$0xFFFFE86E]  }
0x23: {  	v4 =	vld [tilespmem:s18+$0xFFFFF46F]  }
0x24: {  	v1 =	vld [tilespmem:s19+$0x20]  }
0x25: {  	v5 =	vld [tilespmem:s18+$0xFFFFE85E]  }
0x26: {  	v6 =	vld [tilespmem:s18+$0xFFFFF45F]  }
0x27: {  	v8 =	vld [tilespmem:s19+$0x10]  }
0x28: {  	v7 =	vld [tilespmem:s18+$0xFFFFE84E]  }
0x29: {  	v11 =	vld [tilespmem:s18+$0xFFFFF44F]  }
0x2a: {  	v16 =	vld [tilespmem:s19+$0x0]  }
0x2b: {  	v13 =	vld [tilespmem:s18+$0xFFFFE83E]  }
0x2c: {  	v14 =	vld [tilespmem:s18+$0xFFFFF43F]  }
0x2d: {  	v15 =	vld [tilespmem:s19+$0xFFFFFFF0]  }
0x2e: {  	v17 =	vld [tilespmem:s18+$0xFFFFE82E]  }
0x2f: {  	v18 =	vld [tilespmem:s18+$0xFFFFF42F]  }
0x30: {  	v19 =	vld [tilespmem:s19+$0xFFFFFFE0]  }
0x31: {  	v20 =	vld [tilespmem:s18+$0xFFFFE81E]  }
0x32: {  	v21 =	vld [tilespmem:s18+$0xFFFFF41F]  }
0x33: {  	v22 =	vld [tilespmem:s19+$0xFFFFFFD0]  }
0x34: {  	v23 =	vld [tilespmem:s18+$0xFFFFE80E]  }
0x35: {  	v24 =	vld [tilespmem:s18+$0xFFFFF40F]  }
0x36: {  	v25 =	vld [tilespmem:s19+$0xFFFFFFC0]  }
0x37: {  	v26 =	vld [tilespmem:s18+$0xFFFFE7FE];
	v3 =	vmul.f32 v2, v0;
	v2 =	vmul.f32 v4, v0  }
0x38: {  	v4 =	vld [tilespmem:s18+$0xFFFFF3FF];
	v10 =	vmul.f32 v5, v1;
	v9 =	vmul.f32 v6, v1  }
0x39: {  	v5 =	vld [tilespmem:s18+$0x0];
	v12 =	vmul.f32 v7, v8;
	v11 =	vmul.f32 v11, v8  }
0x3a: {  	v7 =	vld [tilespmem:s18+$0xC01];
	v27 =	vmul.f32 v13, v16;
	v28 =	vmul.f32 v14, v16  }
0x3b: {  	v13 =	vld [tilespmem:s18+$0x10];
	v17 =	vmul.f32 v17, v15;
	v18 =	vmul.f32 v18, v15  }
0x3c: {  	v14 =	vld [tilespmem:s18+$0xC11];
	v20 =	vmul.f32 v20, v19;
	v21 =	vmul.f32 v21, v19  }
0x3d: {  	v29 =	vld [tilespmem:s18+$0x20];
	v23 =	vmul.f32 v23, v22;
	v24 =	vmul.f32 v24, v22  }
0x3e: {  	v30 =	vld [tilespmem:s18+$0xC21];
	v26 =	vmul.f32 v26, v25;
	v4 =	vmul.f32 v4, v25  }
0x3f: {  	v6 =	vimm.f32 $0.0e+00;
	v5 =	vmul.f32 v5, v25;
	v7 =	vmul.f32 v7, v25;
	v25 =	vld [tilespmem:s18+$0x30]  }
0x40: {  	v31 =	vld [tilespmem:s18+$0xC31];
	v26 =	vadd.f32 v26, v6;
	v13 =	vmul.f32 v13, v22;
	v4 =	vadd.f32 v4, v6  }
0x41: {  	v14 =	vmul.f32 v14, v22;
	v22 =	vld [tilespmem:s18+$0x40];
	v5 =	vadd.f32 v5, v6;
	v7 =	vadd.f32 v7, v6  }
0x42: {  	v23 =	vadd.f32 v23, v26;
	v26 =	vld [tilespmem:s18+$0xC41];
	v4 =	vadd.f32 v24, v4;
	v24 =	vmul.f32 v29, v19  }
0x43: {  	v63 =	vld [tilespmem:s18+$0x50];
	v5 =	vadd.f32 v13, v5;
	v7 =	vadd.f32 v14, v7;
	v13 =	vmul.f32 v30, v19  }
0x44: {  	v19 =	vadd.f32 v20, v23;
	v14 =	vld [tilespmem:s18+$0xC51];
	v20 =	vmul.f32 v25, v15;
	v4 =	vadd.f32 v21, v4  }
0x45: {  	v5 =	vadd.f32 v24, v5;
	v7 =	vadd.f32 v13, v7;
	v21 =	vmul.f32 v31, v15;
	v13 =	vld [tilespmem:s18+$0x60]  }
0x46: {  	v17 =	vadd.f32 v17, v19;
	v19 =	vmul.f32 v22, v16;
	v15 =	vld [tilespmem:s18+$0xC61];
	v4 =	vadd.f32 v18, v4  }
0x47: {  	v24 =	vmul.f32 v26, v16;
	v16 =	vld [tilespmem:s18+$0x70];
	v22 =	vadd.f32 v20, v5;
	v20 =	vadd.f32 v21, v7  }
0x48: {  	s20 =	simm.s32 $0xC0;
	s19 =	simm.s32 $0x0;
	v23 =	vadd.f32 v27, v17;
	v18 =	vmul.f32 v63, v8;
	v17 =	vld [tilespmem:s18+$0xC71];
	v21 =	vadd.f32 v28, v4  }
.LBB2_2:
0x49: {  	v4 =	vld [tilespmem:s20+$0x30];
	v5 =	vadd.f32 v19, v22;
	v7 =	vadd.f32 v24, v20;
	v8 =	vmul.f32 v14, v8;
	s18 =	sadd.s32 $0x80, s18  }
0x4a: {  	v14 =	vld [tilespmem:s18+$0xFFFFE86E];
	v12 =	vadd.f32 v12, v23;
	v11 =	vadd.f32 v11, v21;
	v13 =	vmul.f32 v13, v1  }
0x4b: {  	v19 =	vld [tilespmem:s18+$0xFFFFF46F];
	v5 =	vadd.f32 v18, v5;
	v7 =	vadd.f32 v8, v7;
	v8 =	vmul.f32 v15, v1  }
0x4c: {  	v1 =	vld [tilespmem:s20+$0x20];
	v10 =	vadd.f32 v10, v12;
	v9 =	vadd.f32 v9, v11;
	v11 =	vmul.f32 v16, v0  }
0x4d: {  	v12 =	vld [tilespmem:s18+$0xFFFFE85E];
	v5 =	vadd.f32 v13, v5;
	v7 =	vadd.f32 v8, v7;
	v13 =	vmul.f32 v17, v0  }
0x4e: {  	v15 =	vld [tilespmem:s18+$0xFFFFF45F];
	v16 =	vadd.f32 v3, v10;
	v17 =	vadd.f32 v2, v9;
	v0 =	vmov v4  }
0x4f: {  	v8 =	vld [tilespmem:s20+$0x10];
	v4 =	vadd.f32 v11, v5;
	v5 =	vadd.f32 v13, v7  }
0x50: {  	v7 =	vld [tilespmem:s18+$0xFFFFE84E]  }
0x51: {  	v11 =	vld [tilespmem:s18+$0xFFFFF44F]  }
0x52: {  	v18 =	vld [tilespmem:s20+$0x0]  }
0x53: {  	v13 =	vld [tilespmem:s18+$0xFFFFE83E]  }
0x54: {  	v20 =	vld [tilespmem:s18+$0xFFFFF43F]  }
0x55: {  	v21 =	vld [tilespmem:s20+$0xFFFFFFF0]  }
0x56: {  	v22 =	vld [tilespmem:s18+$0xFFFFE82E]  }
0x57: {  	v23 =	vld [tilespmem:s18+$0xFFFFF42F]  }
0x58: {  	v24 =	vld [tilespmem:s20+$0xFFFFFFE0]  }
0x59: {  	v25 =	vld [tilespmem:s18+$0xFFFFE81E]  }
0x5a: {  	v26 =	vld [tilespmem:s18+$0xFFFFF41F]  }
0x5b: {  	v27 =	vld [tilespmem:s20+$0xFFFFFFD0]  }
0x5c: {  	v28 =	vld [tilespmem:s18+$0xFFFFE80E]  }
0x5d: {  	v29 =	vld [tilespmem:s18+$0xFFFFF40F]  }
0x5e: {  	v30 =	vld [tilespmem:s20+$0xFFFFFFC0]  }
0x5f: {  	v3 =	vmul.f32 v14, v0;
	v2 =	vmul.f32 v19, v0;
	v31 =	vld [tilespmem:s18+$0xFFFFE7FE]  }
0x60: {  	v10 =	vmul.f32 v12, v1;
	v9 =	vmul.f32 v15, v1;
	v14 =	vld [tilespmem:s18+$0xFFFFF3FF]  }
0x61: {  	v12 =	vmul.f32 v7, v8;
	v11 =	vmul.f32 v11, v8;
	v15 =	vld [tilespmem:s18+$0x0]  }
0x62: {  	s19 =	sadd.s32 $0x8, s19;
	v32 =	vmul.f32 v13, v18;
	v33 =	vmul.f32 v20, v18;
	v7 =	vld [tilespmem:s18+$0xC01]  }
0x63: {  	p0 =	slt.u32 s19, $0xB8;
	v19 =	vmul.f32 v22, v21;
	v20 =	vmul.f32 v23, v21;
	v13 =	vld [tilespmem:s18+$0x10]  }
0x64: {  	v23 =	vmul.f32 v25, v24;
	v25 =	vmul.f32 v26, v24;
	v22 =	vld [tilespmem:s18+$0xC11]  }
0x65: {  	v26 =	vmul.f32 v28, v27;
	v28 =	vmul.f32 v29, v27;
	v29 =	vld [tilespmem:s18+$0x20]  }
0x66: {  	v31 =	vmul.f32 v31, v30;
	v14 =	vmul.f32 v14, v30;
	v34 =	vld [tilespmem:s18+$0xC21]  }
0x67: {  	v15 =	vmul.f32 v15, v30;
	v7 =	vmul.f32 v7, v30;
	v30 =	vld [tilespmem:s18+$0x30]  }
0x68: {  	v16 =	vadd.f32 v31, v16;
	v14 =	vadd.f32 v14, v17;
	v13 =	vmul.f32 v13, v27;
	v17 =	vld [tilespmem:s18+$0xC31]  }
0x69: {  	v4 =	vadd.f32 v15, v4;
	v5 =	vadd.f32 v7, v5;
	v7 =	vmul.f32 v22, v27;
	v15 =	vld [tilespmem:s18+$0x40]  }
0x6a: {  	v16 =	vadd.f32 v26, v16;
	v14 =	vadd.f32 v28, v14;
	v22 =	vmul.f32 v29, v24;
	v26 =	vld [tilespmem:s18+$0xC41]  }
0x6b: {  	v4 =	vadd.f32 v13, v4;
	v5 =	vadd.f32 v7, v5;
	v7 =	vmul.f32 v34, v24;
	v27 =	vld [tilespmem:s18+$0x50]  }
.Ltmp0:
0x6c: {  	v16 =	vadd.f32 v23, v16;
	v23 =	vadd.f32 v25, v14;
	v24 =	vmul.f32 v30, v21;
	v14 =	vld [tilespmem:s18+$0xC51];
	(pc) =	sbr.rel @p0 .LBB2_2-.Ltmp0, $4  }
0x6d: {  	v4 =	vadd.f32 v22, v4;
	v5 =	vadd.f32 v7, v5;
	v7 =	vmul.f32 v17, v21;
	v13 =	vld [tilespmem:s18+$0x60]  }
0x6e: {  	v17 =	vadd.f32 v19, v16;
	v21 =	vadd.f32 v20, v23;
	v19 =	vmul.f32 v15, v18;
	v15 =	vld [tilespmem:s18+$0xC61]  }
0x6f: {  	v22 =	vadd.f32 v24, v4;
	v20 =	vadd.f32 v7, v5;
	v24 =	vmul.f32 v26, v18;
	v16 =	vld [tilespmem:s18+$0x70]  }
0x70: {  	s20 =	sadd.s32 $0x80, s20;
	v23 =	vadd.f32 v32, v17;
	v21 =	vadd.f32 v33, v21;
	v18 =	vmul.f32 v27, v8;
	v17 =	vld [tilespmem:s18+$0xC71]  }
0x71: {  	s18 =	simm.s32 $0x0  }
0x72: {  	v4 =	vld [tilespmem:s18+$0x70]  }
0x73: {  	v25 =	vld [tilespmem:s18+$0x3C74]  }
0x74: {  	v26 =	vld [tilespmem:s18+$0x4875]  }
0x75: {  	v5 =	vld [tilespmem:s18+$0x60]  }
0x76: {  	v27 =	vld [tilespmem:s18+$0x3C64]  }
0x77: {  	v28 =	vld [tilespmem:s18+$0x4865]  }
0x78: {  	v7 =	vld [tilespmem:s18+$0x50]  }
0x79: {  	v29 =	vld [tilespmem:s18+$0x3C54]  }
0x7a: {  	v30 =	vld [tilespmem:s18+$0x4855]  }
0x7b: {  	v31 =	vld [tilespmem:s18+$0x40]  }
0x7c: {  	v32 =	vld [tilespmem:s18+$0x3C44]  }
0x7d: {  	v33 =	vld [tilespmem:s18+$0x4845]  }
0x7e: {  	v34 =	vld [tilespmem:s18+$0x30]  }
0x7f: {  	v35 =	vld [tilespmem:s18+$0x3C34]  }
0x80: {  	v36 =	vld [tilespmem:s18+$0x4835]  }
0x81: {  	v37 =	vld [tilespmem:s18+$0x20]  }
0x82: {  	v38 =	vld [tilespmem:s18+$0x3C24]  }
0x83: {  	v39 =	vld [tilespmem:s18+$0x4825]  }
0x84: {  	v19 =	vadd.f32 v19, v22;
	v20 =	vadd.f32 v24, v20;
	v22 =	vld [tilespmem:s18+$0x10]  }
0x85: {  	v8 =	vmul.f32 v14, v8;
	v14 =	vadd.f32 v12, v23;
	v23 =	vld [tilespmem:s18+$0x3C14];
	v21 =	vadd.f32 v11, v21  }
0x86: {  	v24 =	vmul.f32 v13, v1;
	v40 =	vld [tilespmem:s18+$0x4815];
	v1 =	vmul.f32 v15, v1;
	v18 =	vadd.f32 v18, v19  }
0x87: {  	v42 =	vld [tilespmem:s18+$0x0];
	v19 =	vmul.f32 v16, v0;
	v10 =	vadd.f32 v10, v14;
	v41 =	vmul.f32 v17, v0  }
0x88: {  	v9 =	vadd.f32 v9, v21;
	v21 =	vld [tilespmem:s18+$0x5406];
	v13 =	vmul.f32 v25, v4;
	v12 =	vmul.f32 v26, v4  }
0x89: {  	v0 =	vadd.f32 v8, v20;
	v8 =	vld [tilespmem:s18+$0x3C04];
	v11 =	vmul.f32 v27, v5;
	v14 =	vmul.f32 v28, v5  }
0x8a: {  	v20 =	vld [tilespmem:s18+$0x4805];
	v24 =	vadd.f32 v24, v18;
	v15 =	vmul.f32 v29, v7;
	v16 =	vmul.f32 v30, v7  }
0x8b: {  	v25 =	vld [tilespmem:s18+$0x6007];
	v17 =	vmul.f32 v32, v31;
	v18 =	vmul.f32 v33, v31;
	v26 =	vadd.f32 v1, v0  }
0x8c: {  	v27 =	vld [tilespmem:s18+$0x5416];
	v28 =	vmul.f32 v35, v34;
	v0 =	vadd.f32 v3, v10;
	v30 =	vmul.f32 v38, v37  }
0x8d: {  	v10 =	vld [tilespmem:s18+$0x6017];
	v60 =	vmul.f32 v39, v37;
	v1 =	vadd.f32 v2, v9;
	v9 =	vmul.f32 v23, v22  }
0x8e: {  	v61 =	vld [tilespmem:s18+$0x5426];
	v23 =	vmul.f32 v40, v22;
	v8 =	vmul.f32 v8, v42  }
0x8f: {  	v2 =	vadd.f32 v19, v24;
	v21 =	vmul.f32 v21, v42;
	v19 =	vmul.f32 v20, v42;
	v20 =	vld [tilespmem:s18+$0x6027]  }
0x90: {  	v3 =	vadd.f32 v41, v26;
	v24 =	vmul.f32 v25, v42;
	v25 =	vld [tilespmem:s18+$0x5436];
	v8 =	vadd.f32 v8, v6  }
0x91: {  	v21 =	vadd.f32 v21, v6;
	v19 =	vadd.f32 v19, v6;
	v26 =	vmul.f32 v27, v22;
	v27 =	vld [tilespmem:s18+$0x6037]  }
0x92: {  	v10 =	vmul.f32 v10, v22;
	v22 =	vld [tilespmem:s18+$0x5446];
	v6 =	vadd.f32 v24, v6;
	v8 =	vadd.f32 v9, v8  }
0x93: {  	v62 =	vld [tilespmem:s18+$0x6047];
	v9 =	vadd.f32 v23, v19;
	v19 =	vmul.f32 v61, v37;
	v21 =	vadd.f32 v26, v21  }
0x94: {  	v23 =	vmul.f32 v20, v37;
	v20 =	vld [tilespmem:s18+$0x5456];
	v10 =	vadd.f32 v10, v6;
	v8 =	vadd.f32 v30, v8  }
0x95: {  	v29 =	vmul.f32 v36, v34;
	v9 =	vadd.f32 v60, v9;
	v6 =	vld [tilespmem:s18+$0x6057];
	v30 =	vadd.f32 v19, v21  }
0x96: {  	v19 =	vld [tilespmem:s18+$0x5466];
	v24 =	vmul.f32 v25, v34;
	v63 =	vmul.f32 v27, v34;
	v10 =	vadd.f32 v23, v10  }
0x97: {  	v21 =	vld [tilespmem:s18+$0x6067];
	v25 =	vadd.f32 v28, v8;
	v26 =	vadd.f32 v29, v9;
	v23 =	vmul.f32 v22, v31  }
0x98: {  	s19 =	simm.s32 $0x0;
	s20 =	simm.s32 $0x200;
	[tilespmem:$0x1FFF0] =	vst v0;
	v28 =	vmul.f32 v62, v31;
	v22 =	vld [tilespmem:s18+$0x5476];
	v27 =	vadd.f32 v24, v30;
	v24 =	vadd.f32 v63, v10  }
.LBB2_4:
0x99: {  	v8 =	vadd.f32 v17, v25;
	v9 =	vadd.f32 v18, v26;
	v10 =	vmul.f32 v20, v7;
	v17 =	vld [tilespmem:s18+$0x6077];
	s18 =	sshra.s32 s20, $0x2  }
0x9a: {  	v18 =	vld [tilespmem:s18+$0x70];
	v20 =	vadd.f32 v23, v27;
	v23 =	vadd.f32 v28, v24;
	v6 =	vmul.f32 v6, v7  }
0x9b: {  	v24 =	vld [tilespmem:s18+$0x3C74];
	v7 =	vadd.f32 v15, v8;
	v8 =	vadd.f32 v16, v9;
	v9 =	vmul.f32 v19, v5  }
0x9c: {  	v15 =	vld [tilespmem:s18+$0x4875];
	v10 =	vadd.f32 v10, v20;
	v6 =	vadd.f32 v6, v23;
	v16 =	vmul.f32 v21, v5  }
0x9d: {  	v5 =	vld [tilespmem:s18+$0x60];
	v7 =	vadd.f32 v11, v7;
	v8 =	vadd.f32 v14, v8;
	v11 =	vmul.f32 v22, v4  }
0x9e: {  	v14 =	vld [tilespmem:s18+$0x3C64];
	v9 =	vadd.f32 v9, v10;
	v6 =	vadd.f32 v16, v6;
	v10 =	vmul.f32 v17, v4  }
0x9f: {  	v16 =	vld [tilespmem:s18+$0x4865];
	v19 =	vadd.f32 v13, v7;
	v8 =	vadd.f32 v12, v8;
	v4 =	vmov v18  }
0xa0: {  	v7 =	vld [tilespmem:s18+$0x50];
	v9 =	vadd.f32 v11, v9;
	v6 =	vadd.f32 v10, v6  }
0xa1: {  	v10 =	vld [tilespmem:s18+$0x3C54]  }
0xa2: {  	v17 =	vld [tilespmem:s18+$0x4855]  }
0xa3: {  	v22 =	vld [tilespmem:s18+$0x40]  }
0xa4: {  	v18 =	vld [tilespmem:s18+$0x3C44]  }
0xa5: {  	v20 =	vld [tilespmem:s18+$0x4845]  }
0xa6: {  	v21 =	vld [tilespmem:s18+$0x30]  }
0xa7: {  	v23 =	vld [tilespmem:s18+$0x3C34]  }
0xa8: {  	v25 =	vld [tilespmem:s18+$0x4835]  }
0xa9: {  	v26 =	vld [tilespmem:s18+$0x20]  }
0xaa: {  	v27 =	vld [tilespmem:s18+$0x3C24]  }
0xab: {  	v28 =	vld [tilespmem:s18+$0x4825]  }
0xac: {  	v29 =	vld [tilespmem:s18+$0x10]  }
0xad: {  	v30 =	vld [tilespmem:s18+$0x3C14]  }
0xae: {  	v31 =	vld [tilespmem:s18+$0x4815]  }
0xaf: {  	v32 =	vld [tilespmem:s18+$0x0]  }
0xb0: {  	v13 =	vmul.f32 v24, v4;
	v12 =	vmul.f32 v15, v4;
	v33 =	vld [tilespmem:s18+$0x3C04]  }
0xb1: {  	v11 =	vmul.f32 v14, v5;
	v14 =	vmul.f32 v16, v5;
	v24 =	vld [tilespmem:s18+$0x4805]  }
0xb2: {  	s19 =	sadd.s32 $0x8, s19;
	v15 =	vmul.f32 v10, v7;
	v16 =	vmul.f32 v17, v7;
	v34 =	vld [tilespmem:s18+$0x5406]  }
0xb3: {  	p0 =	slt.u32 s19, $0xB8;
	v17 =	vmul.f32 v18, v22;
	v18 =	vmul.f32 v20, v22;
	v10 =	vld [tilespmem:s18+$0x6007]  }
0xb4: {  	v23 =	vmul.f32 v23, v21;
	v35 =	vmul.f32 v25, v21;
	v20 =	vld [tilespmem:s18+$0x5416]  }
0xb5: {  	v27 =	vmul.f32 v27, v26;
	v28 =	vmul.f32 v28, v26;
	v25 =	vld [tilespmem:s18+$0x6017]  }
0xb6: {  	v30 =	vmul.f32 v30, v29;
	v31 =	vmul.f32 v31, v29;
	v36 =	vld [tilespmem:s18+$0x5426]  }
0xb7: {  	v33 =	vmul.f32 v33, v32;
	v24 =	vmul.f32 v24, v32;
	v37 =	vld [tilespmem:s18+$0x6027]  }
0xb8: {  	v34 =	vmul.f32 v34, v32;
	v10 =	vmul.f32 v10, v32;
	v32 =	vld [tilespmem:s18+$0x5436]  }
0xb9: {  	v19 =	vadd.f32 v33, v19;
	v8 =	vadd.f32 v24, v8;
	v20 =	vmul.f32 v20, v29;
	v24 =	vld [tilespmem:s18+$0x6037]  }
0xba: {  	v9 =	vadd.f32 v34, v9;
	v6 =	vadd.f32 v10, v6;
	v10 =	vmul.f32 v25, v29;
	v29 =	vld [tilespmem:s18+$0x5446]  }
0xbb: {  	v19 =	vadd.f32 v30, v19;
	v8 =	vadd.f32 v31, v8;
	v25 =	vmul.f32 v36, v26;
	v30 =	vld [tilespmem:s18+$0x6047]  }
.Ltmp1:
0xbc: {  	v9 =	vadd.f32 v20, v9;
	v10 =	vadd.f32 v10, v6;
	v26 =	vmul.f32 v37, v26;
	v20 =	vld [tilespmem:s18+$0x5456];
	(pc) =	sbr.rel @p0 .LBB2_4-.Ltmp1, $4  }
0xbd: {  	v27 =	vadd.f32 v27, v19;
	v8 =	vadd.f32 v28, v8;
	v28 =	vmul.f32 v32, v21;
	v6 =	vld [tilespmem:s18+$0x6057]  }
0xbe: {  	v9 =	vadd.f32 v25, v9;
	v10 =	vadd.f32 v26, v10;
	v24 =	vmul.f32 v24, v21;
	v19 =	vld [tilespmem:s18+$0x5466]  }
0xbf: {  	v25 =	vadd.f32 v23, v27;
	v26 =	vadd.f32 v35, v8;
	v23 =	vmul.f32 v29, v22;
	v21 =	vld [tilespmem:s18+$0x6067]  }
0xc0: {  	s20 =	sadd.s32 $0x200, s20;
	v27 =	vadd.f32 v28, v9;
	v24 =	vadd.f32 v24, v10;
	v28 =	vmul.f32 v30, v22;
	v22 =	vld [tilespmem:s18+$0x5476]  }
0xc1: {  	v29 =	vld [tilespmem:s18+$0x6077];
	s18 =	simm.s32 $0x0  }
0xc2: {  	v8 =	vld [tilespmem:s18+$0x70]  }
0xc3: {  	v30 =	vld [tilespmem:s18+$0x6C78]  }
0xc4: {  	v31 =	vld [tilespmem:s18+$0x7879]  }
0xc5: {  	v9 =	vld [tilespmem:s18+$0x60]  }
0xc6: {  	v32 =	vld [tilespmem:s18+$0x6C68]  }
0xc7: {  	v33 =	vld [tilespmem:s18+$0x7869]  }
0xc8: {  	v10 =	vld [tilespmem:s18+$0x50]  }
0xc9: {  	v34 =	vld [tilespmem:s18+$0x6C58]  }
0xca: {  	v35 =	vld [tilespmem:s18+$0x7859]  }
0xcb: {  	v36 =	vld [tilespmem:s18+$0x40]  }
0xcc: {  	v37 =	vld [tilespmem:s18+$0x6C48]  }
0xcd: {  	v38 =	vld [tilespmem:s18+$0x7849]  }
0xce: {  	v39 =	vld [tilespmem:s18+$0x30]  }
0xcf: {  	v40 =	vld [tilespmem:s18+$0x6C38]  }
0xd0: {  	v41 =	vld [tilespmem:s18+$0x7839]  }
0xd1: {  	v42 =	vld [tilespmem:s18+$0x20]  }
0xd2: {  	v43 =	vld [tilespmem:s18+$0x6C28]  }
0xd3: {  	v17 =	vadd.f32 v17, v25;
	v18 =	vadd.f32 v18, v26;
	v25 =	vld [tilespmem:s18+$0x7829]  }
0xd4: {  	v20 =	vmul.f32 v20, v7;
	v23 =	vadd.f32 v23, v27;
	v24 =	vadd.f32 v28, v24;
	v26 =	vld [tilespmem:s18+$0x10]  }
0xd5: {  	v6 =	vmul.f32 v6, v7;
	v27 =	vld [tilespmem:s18+$0x6C18];
	v7 =	vadd.f32 v15, v17;
	v15 =	vadd.f32 v16, v18  }
0xd6: {  	v44 =	vld [tilespmem:s18+$0x6C08];
	v19 =	vmul.f32 v19, v5;
	v20 =	vadd.f32 v20, v23;
	v5 =	vmul.f32 v21, v5  }
0xd7: {  	v56 =	vld [tilespmem:s18+$0x900B];
	v6 =	vadd.f32 v6, v24;
	v24 =	vmul.f32 v22, v4;
	v28 =	vmul.f32 v29, v4  }
0xd8: {  	v23 =	vld [tilespmem:s18+$0x7819];
	v4 =	vadd.f32 v11, v7;
	v16 =	vmul.f32 v30, v8;
	v11 =	vmul.f32 v31, v8  }
0xd9: {  	v29 =	vld [tilespmem:s18+$0x0];
	v7 =	vadd.f32 v14, v15;
	v18 =	vmul.f32 v32, v9;
	v17 =	vmul.f32 v33, v9  }
0xda: {  	v14 =	vld [tilespmem:s18+$0x7809];
	v15 =	vadd.f32 v19, v20;
	v20 =	vmul.f32 v34, v10;
	v19 =	vmul.f32 v35, v10  }
0xdb: {  	v30 =	vld [tilespmem:s18+$0x840A];
	v31 =	vadd.f32 v5, v6;
	v21 =	vmul.f32 v37, v36;
	v22 =	vmul.f32 v38, v36  }
0xdc: {  	v57 =	vmul.f32 v40, v39;
	v58 =	vmul.f32 v41, v39;
	v4 =	vadd.f32 v13, v4;
	v13 =	vld [tilespmem:s18+$0x841A]  }
0xdd: {  	v59 =	vmul.f32 v43, v42;
	v25 =	vmul.f32 v25, v42;
	v5 =	vadd.f32 v12, v7;
	v12 =	vld [tilespmem:s18+$0x901B]  }
0xde: {  	v6 =	vadd.f32 v24, v15;
	v15 =	vmul.f32 v27, v26;
	v24 =	vld [tilespmem:s18+$0x842A];
	v23 =	vmul.f32 v23, v26  }
0xdf: {  	v7 =	vadd.f32 v28, v31;
	v31 =	vld [tilespmem:s18+$0x902B];
	v27 =	vmul.f32 v44, v29;
	v28 =	vmul.f32 v14, v29  }
0xe0: {  	v61 =	vld [tilespmem:s18+$0x903B];
	v14 =	vimm.f32 $0.0e+00;
	v30 =	vmul.f32 v30, v29;
	v29 =	vmul.f32 v56, v29  }
0xe1: {  	v60 =	vld [tilespmem:s18+$0x843A];
	v27 =	vadd.f32 v27, v14;
	v28 =	vadd.f32 v28, v14;
	v13 =	vmul.f32 v13, v26  }
0xe2: {  	v12 =	vmul.f32 v12, v26;
	v26 =	vld [tilespmem:s18+$0x844A];
	v30 =	vadd.f32 v30, v14;
	v29 =	vadd.f32 v29, v14  }
0xe3: {  	v62 =	vld [tilespmem:s18+$0x904B];
	v15 =	vadd.f32 v15, v27;
	v27 =	vadd.f32 v23, v28;
	v28 =	vmul.f32 v24, v42  }
0xe4: {  	v23 =	vld [tilespmem:s18+$0x845A];
	v13 =	vadd.f32 v13, v30;
	v12 =	vadd.f32 v12, v29;
	v29 =	vmul.f32 v31, v42  }
0xe5: {  	v63 =	vmul.f32 v61, v39;
	v24 =	vld [tilespmem:s18+$0x905B];
	v15 =	vadd.f32 v59, v15;
	v27 =	vadd.f32 v25, v27  }
0xe6: {  	v31 =	vmul.f32 v60, v39;
	v25 =	vld [tilespmem:s18+$0x846A];
	v13 =	vadd.f32 v28, v13;
	v12 =	vadd.f32 v29, v12  }
0xe7: {  	v28 =	vmul.f32 v26, v36;
	v26 =	vld [tilespmem:s18+$0x906B];
	v29 =	vadd.f32 v57, v15;
	v30 =	vadd.f32 v58, v27  }
0xe8: {  	s19 =	simm.s32 $0x0;
	s20 =	simm.s32 $0x200;
	v33 =	vmul.f32 v62, v36;
	v27 =	vld [tilespmem:s18+$0x847A];
	v31 =	vadd.f32 v31, v13;
	v32 =	vadd.f32 v63, v12  }
.LBB2_6:
0xe9: {  	v12 =	vadd.f32 v21, v29;
	v13 =	vadd.f32 v22, v30;
	v15 =	vmul.f32 v23, v10;
	v21 =	vld [tilespmem:s18+$0x907B];
	s18 =	sshra.s32 s20, $0x2  }
0xea: {  	v22 =	vld [tilespmem:s18+$0x70];
	v23 =	vadd.f32 v28, v31;
	v28 =	vadd.f32 v33, v32;
	v10 =	vmul.f32 v24, v10  }
0xeb: {  	v24 =	vld [tilespmem:s18+$0x6C78];
	v12 =	vadd.f32 v20, v12;
	v13 =	vadd.f32 v19, v13;
	v19 =	vmul.f32 v25, v9  }
0xec: {  	v20 =	vld [tilespmem:s18+$0x7879];
	v15 =	vadd.f32 v15, v23;
	v10 =	vadd.f32 v10, v28;
	v23 =	vmul.f32 v26, v9  }
0xed: {  	v9 =	vld [tilespmem:s18+$0x60];
	v12 =	vadd.f32 v18, v12;
	v13 =	vadd.f32 v17, v13;
	v17 =	vmul.f32 v27, v8  }
0xee: {  	v18 =	vld [tilespmem:s18+$0x6C68];
	v15 =	vadd.f32 v19, v15;
	v19 =	vadd.f32 v23, v10;
	v21 =	vmul.f32 v21, v8  }
0xef: {  	v23 =	vld [tilespmem:s18+$0x7869];
	v12 =	vadd.f32 v16, v12;
	v13 =	vadd.f32 v11, v13;
	v8 =	vmov v22  }
0xf0: {  	v10 =	vld [tilespmem:s18+$0x50];
	v15 =	vadd.f32 v17, v15;
	v25 =	vadd.f32 v21, v19  }
0xf1: {  	v19 =	vld [tilespmem:s18+$0x6C58]  }
0xf2: {  	v21 =	vld [tilespmem:s18+$0x7859]  }
0xf3: {  	v27 =	vld [tilespmem:s18+$0x40]  }
0xf4: {  	v22 =	vld [tilespmem:s18+$0x6C48]  }
0xf5: {  	v26 =	vld [tilespmem:s18+$0x7849]  }
0xf6: {  	v28 =	vld [tilespmem:s18+$0x30]  }
0xf7: {  	v29 =	vld [tilespmem:s18+$0x6C38]  }
0xf8: {  	v30 =	vld [tilespmem:s18+$0x7839]  }
0xf9: {  	v31 =	vld [tilespmem:s18+$0x20]  }
0xfa: {  	v32 =	vld [tilespmem:s18+$0x6C28]  }
0xfb: {  	v33 =	vld [tilespmem:s18+$0x7829]  }
0xfc: {  	v34 =	vld [tilespmem:s18+$0x10]  }
0xfd: {  	v35 =	vld [tilespmem:s18+$0x6C18]  }
0xfe: {  	v36 =	vld [tilespmem:s18+$0x7819]  }
0xff: {  	v37 =	vld [tilespmem:s18+$0x0]  }
0x100: {  	v16 =	vmul.f32 v24, v8;
	v11 =	vmul.f32 v20, v8;
	v38 =	vld [tilespmem:s18+$0x6C08]  }
0x101: {  	v18 =	vmul.f32 v18, v9;
	v17 =	vmul.f32 v23, v9;
	v24 =	vld [tilespmem:s18+$0x7809]  }
0x102: {  	s19 =	sadd.s32 $0x8, s19;
	v20 =	vmul.f32 v19, v10;
	v19 =	vmul.f32 v21, v10;
	v23 =	vld [tilespmem:s18+$0x840A]  }
0x103: {  	p0 =	slt.u32 s19, $0xB8;
	v21 =	vmul.f32 v22, v27;
	v22 =	vmul.f32 v26, v27;
	v39 =	vld [tilespmem:s18+$0x900B]  }
0x104: {  	v29 =	vmul.f32 v29, v28;
	v30 =	vmul.f32 v30, v28;
	v26 =	vld [tilespmem:s18+$0x841A]  }
0x105: {  	v32 =	vmul.f32 v32, v31;
	v33 =	vmul.f32 v33, v31;
	v40 =	vld [tilespmem:s18+$0x901B]  }
0x106: {  	v35 =	vmul.f32 v35, v34;
	v36 =	vmul.f32 v36, v34;
	v41 =	vld [tilespmem:s18+$0x842A]  }
0x107: {  	v38 =	vmul.f32 v38, v37;
	v24 =	vmul.f32 v24, v37;
	v42 =	vld [tilespmem:s18+$0x902B]  }
0x108: {  	v23 =	vmul.f32 v23, v37;
	v37 =	vmul.f32 v39, v37;
	v39 =	vld [tilespmem:s18+$0x843A]  }
0x109: {  	v12 =	vadd.f32 v38, v12;
	v13 =	vadd.f32 v24, v13;
	v24 =	vmul.f32 v26, v34;
	v26 =	vld [tilespmem:s18+$0x903B]  }
0x10a: {  	v15 =	vadd.f32 v23, v15;
	v23 =	vadd.f32 v37, v25;
	v25 =	vmul.f32 v40, v34;
	v34 =	vld [tilespmem:s18+$0x844A]  }
0x10b: {  	v12 =	vadd.f32 v35, v12;
	v13 =	vadd.f32 v36, v13;
	v35 =	vmul.f32 v41, v31;
	v36 =	vld [tilespmem:s18+$0x904B]  }
.Ltmp2:
0x10c: {  	v15 =	vadd.f32 v24, v15;
	v25 =	vadd.f32 v25, v23;
	v31 =	vmul.f32 v42, v31;
	v23 =	vld [tilespmem:s18+$0x845A];
	(pc) =	sbr.rel @p0 .LBB2_6-.Ltmp2, $4  }
0x10d: {  	v12 =	vadd.f32 v32, v12;
	v13 =	vadd.f32 v33, v13;
	v32 =	vmul.f32 v39, v28;
	v24 =	vld [tilespmem:s18+$0x905B]  }
0x10e: {  	v15 =	vadd.f32 v35, v15;
	v33 =	vadd.f32 v31, v25;
	v35 =	vmul.f32 v26, v28;
	v25 =	vld [tilespmem:s18+$0x846A]  }
0x10f: {  	v29 =	vadd.f32 v29, v12;
	v30 =	vadd.f32 v30, v13;
	v28 =	vmul.f32 v34, v27;
	v26 =	vld [tilespmem:s18+$0x906B]  }
0x110: {  	s20 =	sadd.s32 $0x200, s20;
	v31 =	vadd.f32 v32, v15;
	v32 =	vadd.f32 v35, v33;
	v33 =	vmul.f32 v36, v27;
	v27 =	vld [tilespmem:s18+$0x847A]  }
0x111: {  	v34 =	vld [tilespmem:s18+$0x907B];
	s18 =	simm.s32 $0x0  }
0x112: {  	v12 =	vld [tilespmem:s18+$0x70]  }
0x113: {  	v35 =	vld [tilespmem:s18+$0x9C7C]  }
0x114: {  	v36 =	vld [tilespmem:s18+$0xA87D]  }
0x115: {  	v13 =	vld [tilespmem:s18+$0x60]  }
0x116: {  	v37 =	vld [tilespmem:s18+$0x9C6C]  }
0x117: {  	v38 =	vld [tilespmem:s18+$0xA86D]  }
0x118: {  	v15 =	vld [tilespmem:s18+$0x50]  }
0x119: {  	v39 =	vld [tilespmem:s18+$0x9C5C]  }
0x11a: {  	v40 =	vld [tilespmem:s18+$0xA85D]  }
0x11b: {  	v41 =	vld [tilespmem:s18+$0x40]  }
0x11c: {  	v42 =	vld [tilespmem:s18+$0x9C4C]  }
0x11d: {  	v43 =	vld [tilespmem:s18+$0xA84D]  }
0x11e: {  	v44 =	vld [tilespmem:s18+$0x30]  }
0x11f: {  	v45 =	vld [tilespmem:s18+$0x9C3C]  }
0x120: {  	v46 =	vld [tilespmem:s18+$0xA83D]  }
0x121: {  	v47 =	vld [tilespmem:s18+$0x20]  }
0x122: {  	v48 =	vld [tilespmem:s18+$0x9C2C]  }
0x123: {  	v21 =	vadd.f32 v21, v29;
	v29 =	vld [tilespmem:s18+$0xA82D]  }
0x124: {  	v22 =	vadd.f32 v22, v30;
	v23 =	vmul.f32 v23, v10;
	v28 =	vadd.f32 v28, v31;
	v31 =	vld [tilespmem:s18+$0x10]  }
0x125: {  	v30 =	vadd.f32 v33, v32;
	v10 =	vmul.f32 v24, v10;
	v62 =	vld [tilespmem:s18+$0xA81D];
	v21 =	vadd.f32 v20, v21  }
0x126: {  	v63 =	vld [tilespmem:s18+$0x0];
	v24 =	vadd.f32 v19, v22;
	v25 =	vmul.f32 v25, v9;
	v9 =	vmul.f32 v26, v9  }
0x127: {  	v49 =	vld [tilespmem:s18+$0xB40E];
	v26 =	vadd.f32 v23, v28;
	v27 =	vmul.f32 v27, v8;
	v28 =	vmul.f32 v34, v8  }
0x128: {  	v51 =	vld [tilespmem:s18+$0xC00F];
	v8 =	vadd.f32 v10, v30;
	v20 =	vmul.f32 v35, v12;
	v19 =	vmul.f32 v36, v12  }
0x129: {  	v30 =	vld [tilespmem:s18+$0x9C0C];
	v10 =	vadd.f32 v18, v21;
	v22 =	vmul.f32 v37, v13;
	v21 =	vmul.f32 v38, v13  }
0x12a: {  	v17 =	vadd.f32 v17, v24;
	v18 =	vld [tilespmem:s18+$0xA80D];
	v23 =	vmul.f32 v39, v15;
	v24 =	vmul.f32 v40, v15  }
0x12b: {  	v53 =	vld [tilespmem:s18+$0xB41E];
	v50 =	vadd.f32 v25, v26;
	v25 =	vmul.f32 v42, v41;
	v26 =	vmul.f32 v43, v41  }
0x12c: {  	v61 =	vld [tilespmem:s18+$0x9C1C];
	v54 =	vmul.f32 v45, v44;
	v55 =	vmul.f32 v46, v44;
	v52 =	vadd.f32 v9, v8  }
0x12d: {  	v56 =	vmul.f32 v48, v47;
	v57 =	vmul.f32 v62, v31;
	v8 =	vadd.f32 v16, v10;
	v16 =	vld [tilespmem:s18+$0xC01F]  }
0x12e: {  	v58 =	vld [tilespmem:s18+$0xB42E];
	v9 =	vadd.f32 v11, v17;
	v11 =	vadd.f32 v28, v52;
	v28 =	vmul.f32 v49, v63  }
0x12f: {  	v10 =	vadd.f32 v27, v50;
	v27 =	vmul.f32 v30, v63;
	v18 =	vmul.f32 v18, v63;
	v30 =	vld [tilespmem:s18+$0xC02F]  }
0x130: {  	v59 =	vld [tilespmem:s18+$0xB43E];
	v34 =	vmul.f32 v51, v63;
	v60 =	vmul.f32 v53, v31;
	v28 =	vadd.f32 v28, v14  }
0x131: {  	v17 =	vmul.f32 v61, v31;
	v61 =	vld [tilespmem:s18+$0xC03F];
	v27 =	vadd.f32 v27, v14;
	v18 =	vadd.f32 v18, v14  }
0x132: {  	v62 =	vld [tilespmem:s18+$0xC04F];
	v14 =	vadd.f32 v34, v14;
	v16 =	vmul.f32 v16, v31;
	v63 =	vadd.f32 v60, v28  }
0x133: {  	v29 =	vmul.f32 v29, v47;
	v31 =	vld [tilespmem:s18+$0xB44E];
	v17 =	vadd.f32 v17, v27;
	v18 =	vadd.f32 v57, v18  }
0x134: {  	v28 =	vld [tilespmem:s18+$0xB45E];
	v27 =	vmul.f32 v58, v47;
	v16 =	vadd.f32 v16, v14;
	v30 =	vmul.f32 v30, v47  }
0x135: {  	v35 =	vmul.f32 v59, v44;
	v14 =	vld [tilespmem:s18+$0xC05F];
	v17 =	vadd.f32 v56, v17;
	v18 =	vadd.f32 v29, v18  }
0x136: {  	v32 =	vadd.f32 v27, v63;
	v27 =	vld [tilespmem:s18+$0xB46E];
	v16 =	vadd.f32 v30, v16;
	v30 =	vmul.f32 v61, v44  }
0x137: {  	v36 =	vmul.f32 v62, v41;
	v29 =	vld [tilespmem:s18+$0xC06F];
	v33 =	vadd.f32 v54, v17;
	v34 =	vadd.f32 v55, v18  }
0x138: {  	s19 =	simm.s32 $0x0;
	s20 =	simm.s32 $0x200;
	v31 =	vmul.f32 v31, v41;
	v35 =	vadd.f32 v35, v32;
	v32 =	vadd.f32 v30, v16;
	v30 =	vld [tilespmem:s18+$0xB47E]  }
.LBB2_8:
0x139: {  	v16 =	vadd.f32 v25, v33;
	v17 =	vadd.f32 v26, v34;
	v18 =	vmul.f32 v28, v15;
	v25 =	vld [tilespmem:s18+$0xC07F];
	s18 =	sshra.s32 s20, $0x2  }
0x13a: {  	v26 =	vld [tilespmem:s18+$0x70];
	v28 =	vadd.f32 v31, v35;
	v31 =	vadd.f32 v36, v32;
	v14 =	vmul.f32 v14, v15  }
0x13b: {  	v32 =	vld [tilespmem:s18+$0x9C7C];
	v15 =	vadd.f32 v23, v16;
	v16 =	vadd.f32 v24, v17;
	v17 =	vmul.f32 v27, v13  }
0x13c: {  	v23 =	vld [tilespmem:s18+$0xA87D];
	v18 =	vadd.f32 v18, v28;
	v14 =	vadd.f32 v14, v31;
	v24 =	vmul.f32 v29, v13  }
0x13d: {  	v13 =	vld [tilespmem:s18+$0x60];
	v15 =	vadd.f32 v22, v15;
	v16 =	vadd.f32 v21, v16;
	v21 =	vmul.f32 v30, v12  }
0x13e: {  	v22 =	vld [tilespmem:s18+$0x9C6C];
	v17 =	vadd.f32 v17, v18;
	v14 =	vadd.f32 v24, v14;
	v18 =	vmul.f32 v25, v12  }
0x13f: {  	v24 =	vld [tilespmem:s18+$0xA86D];
	v27 =	vadd.f32 v20, v15;
	v16 =	vadd.f32 v19, v16;
	v12 =	vmov v26  }
0x140: {  	v15 =	vld [tilespmem:s18+$0x50];
	v17 =	vadd.f32 v21, v17;
	v14 =	vadd.f32 v18, v14  }
0x141: {  	v18 =	vld [tilespmem:s18+$0x9C5C]  }
0x142: {  	v25 =	vld [tilespmem:s18+$0xA85D]  }
0x143: {  	v30 =	vld [tilespmem:s18+$0x40]  }
0x144: {  	v26 =	vld [tilespmem:s18+$0x9C4C]  }
0x145: {  	v28 =	vld [tilespmem:s18+$0xA84D]  }
0x146: {  	v29 =	vld [tilespmem:s18+$0x30]  }
0x147: {  	v31 =	vld [tilespmem:s18+$0x9C3C]  }
0x148: {  	v33 =	vld [tilespmem:s18+$0xA83D]  }
0x149: {  	v34 =	vld [tilespmem:s18+$0x20]  }
0x14a: {  	v35 =	vld [tilespmem:s18+$0x9C2C]  }
0x14b: {  	v36 =	vld [tilespmem:s18+$0xA82D]  }
0x14c: {  	v37 =	vld [tilespmem:s18+$0x10]  }
0x14d: {  	v38 =	vld [tilespmem:s18+$0x9C1C]  }
0x14e: {  	v39 =	vld [tilespmem:s18+$0xA81D]  }
0x14f: {  	v40 =	vld [tilespmem:s18+$0x0]  }
0x150: {  	v20 =	vmul.f32 v32, v12;
	v19 =	vmul.f32 v23, v12;
	v41 =	vld [tilespmem:s18+$0x9C0C]  }
0x151: {  	v22 =	vmul.f32 v22, v13;
	v21 =	vmul.f32 v24, v13;
	v32 =	vld [tilespmem:s18+$0xA80D]  }
0x152: {  	s19 =	sadd.s32 $0x8, s19;
	v23 =	vmul.f32 v18, v15;
	v24 =	vmul.f32 v25, v15;
	v42 =	vld [tilespmem:s18+$0xB40E]  }
0x153: {  	p0 =	slt.u32 s19, $0xB8;
	v25 =	vmul.f32 v26, v30;
	v26 =	vmul.f32 v28, v30;
	v18 =	vld [tilespmem:s18+$0xC00F]  }
0x154: {  	v31 =	vmul.f32 v31, v29;
	v43 =	vmul.f32 v33, v29;
	v28 =	vld [tilespmem:s18+$0xB41E]  }
0x155: {  	v35 =	vmul.f32 v35, v34;
	v36 =	vmul.f32 v36, v34;
	v33 =	vld [tilespmem:s18+$0xC01F]  }
0x156: {  	v38 =	vmul.f32 v38, v37;
	v39 =	vmul.f32 v39, v37;
	v44 =	vld [tilespmem:s18+$0xB42E]  }
0x157: {  	v41 =	vmul.f32 v41, v40;
	v32 =	vmul.f32 v32, v40;
	v45 =	vld [tilespmem:s18+$0xC02F]  }
0x158: {  	v42 =	vmul.f32 v42, v40;
	v18 =	vmul.f32 v18, v40;
	v40 =	vld [tilespmem:s18+$0xB43E]  }
0x159: {  	v27 =	vadd.f32 v41, v27;
	v16 =	vadd.f32 v32, v16;
	v28 =	vmul.f32 v28, v37;
	v32 =	vld [tilespmem:s18+$0xC03F]  }
0x15a: {  	v17 =	vadd.f32 v42, v17;
	v14 =	vadd.f32 v18, v14;
	v18 =	vmul.f32 v33, v37;
	v37 =	vld [tilespmem:s18+$0xB44E]  }
0x15b: {  	v27 =	vadd.f32 v38, v27;
	v16 =	vadd.f32 v39, v16;
	v33 =	vmul.f32 v44, v34;
	v38 =	vld [tilespmem:s18+$0xC04F]  }
.Ltmp3:
0x15c: {  	v17 =	vadd.f32 v28, v17;
	v18 =	vadd.f32 v18, v14;
	v34 =	vmul.f32 v45, v34;
	v28 =	vld [tilespmem:s18+$0xB45E];
	(pc) =	sbr.rel @p0 .LBB2_8-.Ltmp3, $4  }
0x15d: {  	v35 =	vadd.f32 v35, v27;
	v16 =	vadd.f32 v36, v16;
	v36 =	vmul.f32 v40, v29;
	v14 =	vld [tilespmem:s18+$0xC05F]  }
0x15e: {  	v17 =	vadd.f32 v33, v17;
	v18 =	vadd.f32 v34, v18;
	v32 =	vmul.f32 v32, v29;
	v27 =	vld [tilespmem:s18+$0xB46E]  }
0x15f: {  	v33 =	vadd.f32 v31, v35;
	v34 =	vadd.f32 v43, v16;
	v31 =	vmul.f32 v37, v30;
	v29 =	vld [tilespmem:s18+$0xC06F]  }
0x160: {  	s20 =	sadd.s32 $0x200, s20;
	v35 =	vadd.f32 v36, v17;
	v32 =	vadd.f32 v32, v18;
	v36 =	vmul.f32 v38, v30;
	v30 =	vld [tilespmem:s18+$0xB47E]  }
0x161: {  	v37 =	vld [tilespmem:s18+$0xC07F];
	_ =	swait.ge [sflag:s15], $0xC010  }
0x162: {  	[sflag:s15] =	ssyncset.done $0x0  }
0x163: {  	s19 =	simm.s32 $0x40;
	[sflag:s15] =	ssyncadd.s32 $0xFFFF3FF0  }
0x164: {  	s18 =	simm.s32 $0xE482;
	v16 =	vld [tilespmem:s19+$0x30]  }
0x165: {  	v38 =	vld [tilespmem:s18+$0xFFFFE86E]  }
0x166: {  	v39 =	vld [tilespmem:s18+$0xFFFFF46F]  }
0x167: {  	v17 =	vld [tilespmem:s19+$0x20]  }
0x168: {  	v40 =	vld [tilespmem:s18+$0xFFFFE85E]  }
0x169: {  	v41 =	vld [tilespmem:s18+$0xFFFFF45F]  }
0x16a: {  	v18 =	vld [tilespmem:s19+$0x10]  }
0x16b: {  	v42 =	vld [tilespmem:s18+$0xFFFFE84E]  }
0x16c: {  	v43 =	vld [tilespmem:s18+$0xFFFFF44F]  }
0x16d: {  	v44 =	vld [tilespmem:s19+$0x0]  }
0x16e: {  	v45 =	vld [tilespmem:s18+$0xFFFFE83E]  }
0x16f: {  	v46 =	vld [tilespmem:s18+$0xFFFFF43F]  }
0x170: {  	v47 =	vld [tilespmem:s19+$0xFFFFFFF0]  }
0x171: {  	v48 =	vld [tilespmem:s18+$0xFFFFE82E]  }
0x172: {  	v49 =	vld [tilespmem:s18+$0xFFFFF42F]  }
0x173: {  	v50 =	vld [tilespmem:s19+$0xFFFFFFE0]  }
0x174: {  	v51 =	vld [tilespmem:s18+$0xFFFFE81E]  }
0x175: {  	v25 =	vadd.f32 v25, v33;
	v26 =	vadd.f32 v26, v34;
	v57 =	vld [tilespmem:s18+$0xFFFFF41F]  }
0x176: {  	v28 =	vmul.f32 v28, v15;
	v31 =	vadd.f32 v31, v35;
	v32 =	vadd.f32 v36, v32;
	v34 =	vld [tilespmem:s19+$0xFFFFFFD0]  }
0x177: {  	v14 =	vmul.f32 v14, v15;
	v15 =	vadd.f32 v23, v25;
	v23 =	vadd.f32 v24, v26;
	v58 =	vld [tilespmem:s18+$0xFFFFE80E]  }
0x178: {  	v27 =	vmul.f32 v27, v13;
	v31 =	vadd.f32 v28, v31;
	v13 =	vmul.f32 v29, v13;
	v59 =	vld [tilespmem:s18+$0xFFFFF40F]  }
0x179: {  	v14 =	vadd.f32 v14, v32;
	v60 =	vld [tilespmem:s19+$0xFFFFFFC0];
	v30 =	vmul.f32 v30, v12;
	v15 =	vadd.f32 v22, v15  }
0x17a: {  	v61 =	vld [tilespmem:s18+$0x0];
	v21 =	vadd.f32 v21, v23;
	v12 =	vmul.f32 v37, v12;
	v25 =	vmul.f32 v38, v16  }
0x17b: {  	v22 =	vld [tilespmem:s18+$0xFFFFE7FE];
	v31 =	vadd.f32 v27, v31;
	v24 =	vmul.f32 v39, v16;
	v28 =	vmul.f32 v40, v17  }
0x17c: {  	v23 =	vld [tilespmem:s18+$0xFFFFF3FF];
	v62 =	vadd.f32 v13, v14;
	v26 =	vmul.f32 v41, v17;
	v29 =	vmul.f32 v42, v18  }
0x17d: {  	v63 =	vld [tilespmem:s18+$0xC01];
	v15 =	vadd.f32 v20, v15;
	v27 =	vmul.f32 v43, v18;
	v41 =	vmul.f32 v45, v44  }
0x17e: {  	v20 =	vld [tilespmem:s18+$0x10];
	v14 =	vadd.f32 v19, v21;
	v42 =	vmul.f32 v46, v44;
	v40 =	vmul.f32 v48, v47  }
0x17f: {  	v19 =	vld [tilespmem:s18+$0xC11];
	v13 =	vadd.f32 v30, v31;
	v52 =	vmul.f32 v49, v47;
	v21 =	vmul.f32 v51, v50  }
0x180: {  	v55 =	vld [tilespmem:s18+$0xC21];
	v12 =	vadd.f32 v12, v62;
	v33 =	vmul.f32 v57, v50;
	v37 =	vmul.f32 v61, v60  }
0x181: {  	v53 =	vld [tilespmem:s18+$0x20];
	v54 =	vmul.f32 v22, v60;
	v23 =	vmul.f32 v23, v60;
	v22 =	vimm.f32 $0.0e+00  }
0x182: {  	v56 =	vld [tilespmem:s18+$0x30];
	v30 =	vmul.f32 v58, v34;
	v32 =	vmul.f32 v63, v60;
	v37 =	vadd.f32 v37, v22  }
0x183: {  	v31 =	vmul.f32 v59, v34;
	v57 =	vld [tilespmem:s18+$0xC31];
	v36 =	vadd.f32 v54, v22;
	v23 =	vadd.f32 v23, v22  }
0x184: {  	v58 =	vld [tilespmem:s18+$0x40];
	v32 =	vadd.f32 v32, v22;
	v20 =	vmul.f32 v20, v34;
	v19 =	vmul.f32 v19, v34  }
0x185: {  	v59 =	vld [tilespmem:s18+$0xC41];
	v60 =	vmul.f32 v55, v50;
	v30 =	vadd.f32 v30, v36;
	v23 =	vadd.f32 v31, v23  }
0x186: {  	v61 =	vld [tilespmem:s18+$0x50];
	v31 =	vmul.f32 v53, v50;
	v20 =	vadd.f32 v20, v37;
	v19 =	vadd.f32 v19, v32  }
0x187: {  	v62 =	vmul.f32 v56, v47;
	v21 =	vadd.f32 v21, v30;
	v23 =	vadd.f32 v33, v23;
	v30 =	vld [tilespmem:s18+$0xC51]  }
0x188: {  	v63 =	vmul.f32 v57, v47;
	v20 =	vadd.f32 v31, v20;
	v32 =	vadd.f32 v60, v19;
	v19 =	vld [tilespmem:s18+$0x60]  }
0x189: {  	v35 =	vmul.f32 v58, v44;
	v31 =	vld [tilespmem:s18+$0xC61];
	v21 =	vadd.f32 v40, v21;
	v23 =	vadd.f32 v52, v23  }
0x18a: {  	v38 =	vadd.f32 v62, v20;
	v36 =	vadd.f32 v63, v32;
	v40 =	vmul.f32 v59, v44;
	v32 =	vld [tilespmem:s18+$0x70]  }
0x18b: {  	s20 =	simm.s32 $0xC0;
	s19 =	simm.s32 $0x0;
	v34 =	vmul.f32 v61, v18;
	v33 =	vld [tilespmem:s18+$0xC71];
	v39 =	vadd.f32 v41, v21;
	v37 =	vadd.f32 v42, v23  }
.LBB2_10:
0x18c: {  	v20 =	vld [tilespmem:s20+$0x30];
	v21 =	vadd.f32 v35, v38;
	v23 =	vadd.f32 v40, v36;
	v18 =	vmul.f32 v30, v18;
	s18 =	sadd.s32 $0x80, s18  }
0x18d: {  	v30 =	vld [tilespmem:s18+$0xFFFFE86E];
	v29 =	vadd.f32 v29, v39;
	v27 =	vadd.f32 v27, v37;
	v19 =	vmul.f32 v19, v17  }
0x18e: {  	v35 =	vld [tilespmem:s18+$0xFFFFF46F];
	v21 =	vadd.f32 v34, v21;
	v18 =	vadd.f32 v18, v23;
	v23 =	vmul.f32 v31, v17  }
0x18f: {  	v17 =	vld [tilespmem:s20+$0x20];
	v28 =	vadd.f32 v28, v29;
	v26 =	vadd.f32 v26, v27;
	v27 =	vmul.f32 v32, v16  }
0x190: {  	v29 =	vld [tilespmem:s18+$0xFFFFE85E];
	v19 =	vadd.f32 v19, v21;
	v21 =	vadd.f32 v23, v18;
	v23 =	vmul.f32 v33, v16  }
0x191: {  	v31 =	vld [tilespmem:s18+$0xFFFFF45F];
	v32 =	vadd.f32 v25, v28;
	v33 =	vadd.f32 v24, v26;
	v16 =	vmov v20  }
0x192: {  	v18 =	vld [tilespmem:s20+$0x10];
	v19 =	vadd.f32 v27, v19;
	v20 =	vadd.f32 v23, v21  }
0x193: {  	v21 =	vld [tilespmem:s18+$0xFFFFE84E]  }
0x194: {  	v23 =	vld [tilespmem:s18+$0xFFFFF44F]  }
0x195: {  	v34 =	vld [tilespmem:s20+$0x0]  }
0x196: {  	v36 =	vld [tilespmem:s18+$0xFFFFE83E]  }
0x197: {  	v37 =	vld [tilespmem:s18+$0xFFFFF43F]  }
0x198: {  	v38 =	vld [tilespmem:s20+$0xFFFFFFF0]  }
0x199: {  	v39 =	vld [tilespmem:s18+$0xFFFFE82E]  }
0x19a: {  	v40 =	vld [tilespmem:s18+$0xFFFFF42F]  }
0x19b: {  	v41 =	vld [tilespmem:s20+$0xFFFFFFE0]  }
0x19c: {  	v42 =	vld [tilespmem:s18+$0xFFFFE81E]  }
0x19d: {  	v43 =	vld [tilespmem:s18+$0xFFFFF41F]  }
0x19e: {  	v44 =	vld [tilespmem:s20+$0xFFFFFFD0]  }
0x19f: {  	v45 =	vld [tilespmem:s18+$0xFFFFE80E]  }
0x1a0: {  	v46 =	vld [tilespmem:s18+$0xFFFFF40F]  }
0x1a1: {  	v47 =	vld [tilespmem:s20+$0xFFFFFFC0]  }
0x1a2: {  	v25 =	vmul.f32 v30, v16;
	v24 =	vmul.f32 v35, v16;
	v48 =	vld [tilespmem:s18+$0xFFFFE7FE]  }
0x1a3: {  	v28 =	vmul.f32 v29, v17;
	v26 =	vmul.f32 v31, v17;
	v30 =	vld [tilespmem:s18+$0xFFFFF3FF]  }
0x1a4: {  	v29 =	vmul.f32 v21, v18;
	v27 =	vmul.f32 v23, v18;
	v31 =	vld [tilespmem:s18+$0x0]  }
0x1a5: {  	s19 =	sadd.s32 $0x8, s19;
	v23 =	vmul.f32 v36, v34;
	v37 =	vmul.f32 v37, v34;
	v21 =	vld [tilespmem:s18+$0xC01]  }
0x1a6: {  	p0 =	slt.u32 s19, $0xB8;
	v36 =	vmul.f32 v39, v38;
	v39 =	vmul.f32 v40, v38;
	v35 =	vld [tilespmem:s18+$0x10]  }
0x1a7: {  	v42 =	vmul.f32 v42, v41;
	v43 =	vmul.f32 v43, v41;
	v40 =	vld [tilespmem:s18+$0xC11]  }
0x1a8: {  	v45 =	vmul.f32 v45, v44;
	v46 =	vmul.f32 v46, v44;
	v49 =	vld [tilespmem:s18+$0x20]  }
0x1a9: {  	v48 =	vmul.f32 v48, v47;
	v30 =	vmul.f32 v30, v47;
	v50 =	vld [tilespmem:s18+$0xC21]  }
0x1aa: {  	v31 =	vmul.f32 v31, v47;
	v21 =	vmul.f32 v21, v47;
	v47 =	vld [tilespmem:s18+$0x30]  }
0x1ab: {  	v32 =	vadd.f32 v48, v32;
	v30 =	vadd.f32 v30, v33;
	v33 =	vmul.f32 v35, v44;
	v35 =	vld [tilespmem:s18+$0xC31]  }
0x1ac: {  	v19 =	vadd.f32 v31, v19;
	v20 =	vadd.f32 v21, v20;
	v21 =	vmul.f32 v40, v44;
	v31 =	vld [tilespmem:s18+$0x40]  }
0x1ad: {  	v32 =	vadd.f32 v45, v32;
	v30 =	vadd.f32 v46, v30;
	v40 =	vmul.f32 v49, v41;
	v44 =	vld [tilespmem:s18+$0xC41]  }
0x1ae: {  	v19 =	vadd.f32 v33, v19;
	v20 =	vadd.f32 v21, v20;
	v21 =	vmul.f32 v50, v41;
	v33 =	vld [tilespmem:s18+$0x50]  }
.Ltmp4:
0x1af: {  	v32 =	vadd.f32 v42, v32;
	v41 =	vadd.f32 v43, v30;
	v42 =	vmul.f32 v47, v38;
	v30 =	vld [tilespmem:s18+$0xC51];
	(pc) =	sbr.rel @p0 .LBB2_10-.Ltmp4, $4  }
0x1b0: {  	v40 =	vadd.f32 v40, v19;
	v20 =	vadd.f32 v21, v20;
	v21 =	vmul.f32 v35, v38;
	v19 =	vld [tilespmem:s18+$0x60]  }
0x1b1: {  	v43 =	vadd.f32 v36, v32;
	v41 =	vadd.f32 v39, v41;
	v35 =	vmul.f32 v31, v34;
	v31 =	vld [tilespmem:s18+$0xC61]  }
0x1b2: {  	v38 =	vadd.f32 v42, v40;
	v36 =	vadd.f32 v21, v20;
	v40 =	vmul.f32 v44, v34;
	v32 =	vld [tilespmem:s18+$0x70]  }
0x1b3: {  	s20 =	sadd.s32 $0x80, s20;
	v39 =	vadd.f32 v23, v43;
	v37 =	vadd.f32 v37, v41;
	v34 =	vmul.f32 v33, v18;
	v33 =	vld [tilespmem:s18+$0xC71]  }
0x1b4: {  	s18 =	simm.s32 $0x0  }
0x1b5: {  	v20 =	vld [tilespmem:s18+$0x70]  }
0x1b6: {  	v41 =	vld [tilespmem:s18+$0xFCF4]  }
0x1b7: {  	v42 =	vld [tilespmem:s18+$0x108F5]  }
0x1b8: {  	v21 =	vld [tilespmem:s18+$0x60]  }
0x1b9: {  	v43 =	vld [tilespmem:s18+$0xFCE4]  }
0x1ba: {  	v44 =	vld [tilespmem:s18+$0x108E5]  }
0x1bb: {  	v23 =	vld [tilespmem:s18+$0x50]  }
0x1bc: {  	v45 =	vld [tilespmem:s18+$0xFCD4]  }
0x1bd: {  	v46 =	vld [tilespmem:s18+$0x108D5]  }
0x1be: {  	v47 =	vld [tilespmem:s18+$0x40]  }
0x1bf: {  	v48 =	vld [tilespmem:s18+$0xFCC4]  }
0x1c0: {  	v49 =	vld [tilespmem:s18+$0x108C5]  }
0x1c1: {  	v50 =	vld [tilespmem:s18+$0x30]  }
0x1c2: {  	v51 =	vld [tilespmem:s18+$0xFCB4]  }
0x1c3: {  	v52 =	vld [tilespmem:s18+$0x108B5]  }
0x1c4: {  	v53 =	vld [tilespmem:s18+$0x20]  }
0x1c5: {  	v54 =	vld [tilespmem:s18+$0xFCA4]  }
0x1c6: {  	v55 =	vld [tilespmem:s18+$0x108A5]  }
0x1c7: {  	v35 =	vadd.f32 v35, v38;
	v36 =	vadd.f32 v40, v36;
	v38 =	vld [tilespmem:s18+$0x10]  }
0x1c8: {  	v18 =	vmul.f32 v30, v18;
	v29 =	vadd.f32 v29, v39;
	v39 =	vld [tilespmem:s18+$0xFC94];
	v37 =	vadd.f32 v27, v37  }
0x1c9: {  	v19 =	vmul.f32 v19, v17;
	v40 =	vld [tilespmem:s18+$0x10895];
	v17 =	vmul.f32 v31, v17;
	v34 =	vadd.f32 v34, v35  }
0x1ca: {  	v57 =	vld [tilespmem:s18+$0x0];
	v18 =	vadd.f32 v18, v36;
	v56 =	vmul.f32 v32, v16;
	v16 =	vmul.f32 v33, v16  }
0x1cb: {  	v58 =	vld [tilespmem:s18+$0x11486];
	v28 =	vadd.f32 v28, v29;
	v30 =	vmul.f32 v41, v20;
	v27 =	vmul.f32 v42, v20  }
0x1cc: {  	v36 =	vld [tilespmem:s18+$0xFC84];
	v26 =	vadd.f32 v26, v37;
	v29 =	vmul.f32 v43, v21;
	v31 =	vmul.f32 v44, v21  }
0x1cd: {  	v59 =	vadd.f32 v19, v34;
	v41 =	vld [tilespmem:s18+$0x10885];
	v32 =	vmul.f32 v45, v23;
	v33 =	vmul.f32 v46, v23  }
0x1ce: {  	v60 =	vld [tilespmem:s18+$0x12087];
	v61 =	vadd.f32 v17, v18;
	v34 =	vmul.f32 v48, v47;
	v35 =	vmul.f32 v49, v47  }
0x1cf: {  	v62 =	vld [tilespmem:s18+$0x11496];
	v19 =	vadd.f32 v25, v28;
	v48 =	vmul.f32 v52, v50;
	v28 =	vmul.f32 v54, v53  }
0x1d0: {  	v25 =	vld [tilespmem:s18+$0x12097];
	v18 =	vadd.f32 v24, v26;
	v63 =	vmul.f32 v55, v53;
	v24 =	vmul.f32 v39, v38  }
0x1d1: {  	v26 =	vmul.f32 v40, v38;
	v52 =	vld [tilespmem:s18+$0x114A6];
	v36 =	vmul.f32 v36, v57  }
0x1d2: {  	v17 =	vadd.f32 v56, v59;
	v55 =	vld [tilespmem:s18+$0x120A7];
	v37 =	vmul.f32 v58, v57;
	v54 =	vmul.f32 v41, v57  }
0x1d3: {  	v16 =	vadd.f32 v16, v61;
	v56 =	vmul.f32 v60, v57;
	v59 =	vld [tilespmem:s18+$0x120B7];
	v36 =	vadd.f32 v36, v22  }
0x1d4: {  	v58 =	vmul.f32 v62, v38;
	v37 =	vadd.f32 v37, v22;
	v57 =	vld [tilespmem:s18+$0x114B6];
	v40 =	vadd.f32 v54, v22  }
0x1d5: {  	v60 =	vld [tilespmem:s18+$0x114C6];
	v25 =	vmul.f32 v25, v38;
	v24 =	vadd.f32 v24, v36;
	v22 =	vadd.f32 v56, v22  }
0x1d6: {  	v61 =	vld [tilespmem:s18+$0x120C7];
	v37 =	vadd.f32 v58, v37;
	v39 =	vmul.f32 v52, v53;
	v26 =	vadd.f32 v26, v40  }
0x1d7: {  	v62 =	vmul.f32 v55, v53;
	v36 =	vld [tilespmem:s18+$0x114D6];
	v28 =	vadd.f32 v28, v24;
	v25 =	vadd.f32 v25, v22  }
0x1d8: {  	v46 =	vmul.f32 v51, v50;
	v44 =	vadd.f32 v39, v37;
	v22 =	vld [tilespmem:s18+$0x120D7];
	v26 =	vadd.f32 v63, v26  }
0x1d9: {  	v24 =	vld [tilespmem:s18+$0x114E6];
	v43 =	vmul.f32 v57, v50;
	v25 =	vadd.f32 v62, v25;
	v63 =	vmul.f32 v59, v50  }
0x1da: {  	v39 =	vmul.f32 v60, v47;
	v37 =	vld [tilespmem:s18+$0x120E7];
	v41 =	vadd.f32 v46, v28;
	v42 =	vadd.f32 v48, v26  }
0x1db: {  	s19 =	simm.s32 $0x0;
	s20 =	simm.s32 $0x200;
	v38 =	vld [tilespmem:s18+$0x114F6];
	v43 =	vadd.f32 v43, v44;
	v44 =	vmul.f32 v61, v47;
	v40 =	vadd.f32 v63, v25  }
.LBB2_12:
0x1dc: {  	v25 =	vadd.f32 v34, v41;
	v26 =	vadd.f32 v35, v42;
	v28 =	vmul.f32 v36, v23;
	v34 =	vld [tilespmem:s18+$0x120F7];
	s18 =	sshra.s32 s20, $0x2  }
0x1dd: {  	v35 =	vld [tilespmem:s18+$0x70];
	v36 =	vadd.f32 v39, v43;
	v39 =	vadd.f32 v44, v40;
	v22 =	vmul.f32 v22, v23  }
0x1de: {  	v40 =	vld [tilespmem:s18+$0xFCF4];
	v23 =	vadd.f32 v32, v25;
	v25 =	vadd.f32 v33, v26;
	v24 =	vmul.f32 v24, v21  }
0x1df: {  	v26 =	vld [tilespmem:s18+$0x108F5];
	v28 =	vadd.f32 v28, v36;
	v22 =	vadd.f32 v22, v39;
	v32 =	vmul.f32 v37, v21  }
0x1e0: {  	v21 =	vld [tilespmem:s18+$0x60];
	v23 =	vadd.f32 v29, v23;
	v25 =	vadd.f32 v31, v25;
	v29 =	vmul.f32 v38, v20  }
0x1e1: {  	v31 =	vld [tilespmem:s18+$0xFCE4];
	v24 =	vadd.f32 v24, v28;
	v22 =	vadd.f32 v32, v22;
	v28 =	vmul.f32 v34, v20  }
0x1e2: {  	v32 =	vld [tilespmem:s18+$0x108E5];
	v36 =	vadd.f32 v30, v23;
	v25 =	vadd.f32 v27, v25;
	v20 =	vmov v35  }
0x1e3: {  	v23 =	vld [tilespmem:s18+$0x50];
	v24 =	vadd.f32 v29, v24;
	v22 =	vadd.f32 v28, v22  }
0x1e4: {  	v28 =	vld [tilespmem:s18+$0xFCD4]  }
0x1e5: {  	v33 =	vld [tilespmem:s18+$0x108D5]  }
0x1e6: {  	v38 =	vld [tilespmem:s18+$0x40]  }
0x1e7: {  	v34 =	vld [tilespmem:s18+$0xFCC4]  }
0x1e8: {  	v35 =	vld [tilespmem:s18+$0x108C5]  }
0x1e9: {  	v37 =	vld [tilespmem:s18+$0x30]  }
0x1ea: {  	v39 =	vld [tilespmem:s18+$0xFCB4]  }
0x1eb: {  	v41 =	vld [tilespmem:s18+$0x108B5]  }
0x1ec: {  	v42 =	vld [tilespmem:s18+$0x20]  }
0x1ed: {  	v43 =	vld [tilespmem:s18+$0xFCA4]  }
0x1ee: {  	v44 =	vld [tilespmem:s18+$0x108A5]  }
0x1ef: {  	v45 =	vld [tilespmem:s18+$0x10]  }
0x1f0: {  	v46 =	vld [tilespmem:s18+$0xFC94]  }
0x1f1: {  	v47 =	vld [tilespmem:s18+$0x10895]  }
0x1f2: {  	v48 =	vld [tilespmem:s18+$0x0]  }
0x1f3: {  	v30 =	vmul.f32 v40, v20;
	v27 =	vmul.f32 v26, v20;
	v49 =	vld [tilespmem:s18+$0xFC84]  }
0x1f4: {  	v29 =	vmul.f32 v31, v21;
	v31 =	vmul.f32 v32, v21;
	v26 =	vld [tilespmem:s18+$0x10885]  }
0x1f5: {  	s19 =	sadd.s32 $0x8, s19;
	v32 =	vmul.f32 v28, v23;
	v33 =	vmul.f32 v33, v23;
	v40 =	vld [tilespmem:s18+$0x11486]  }
0x1f6: {  	p0 =	slt.u32 s19, $0xB8;
	v34 =	vmul.f32 v34, v38;
	v35 =	vmul.f32 v35, v38;
	v28 =	vld [tilespmem:s18+$0x12087]  }
0x1f7: {  	v39 =	vmul.f32 v39, v37;
	v51 =	vmul.f32 v41, v37;
	v50 =	vld [tilespmem:s18+$0x11496]  }
0x1f8: {  	v43 =	vmul.f32 v43, v42;
	v44 =	vmul.f32 v44, v42;
	v41 =	vld [tilespmem:s18+$0x12097]  }
0x1f9: {  	v46 =	vmul.f32 v46, v45;
	v47 =	vmul.f32 v47, v45;
	v52 =	vld [tilespmem:s18+$0x114A6]  }
0x1fa: {  	v49 =	vmul.f32 v49, v48;
	v26 =	vmul.f32 v26, v48;
	v53 =	vld [tilespmem:s18+$0x120A7]  }
0x1fb: {  	v40 =	vmul.f32 v40, v48;
	v28 =	vmul.f32 v28, v48;
	v48 =	vld [tilespmem:s18+$0x114B6]  }
0x1fc: {  	v36 =	vadd.f32 v49, v36;
	v25 =	vadd.f32 v26, v25;
	v26 =	vmul.f32 v50, v45;
	v49 =	vld [tilespmem:s18+$0x120B7]  }
0x1fd: {  	v24 =	vadd.f32 v40, v24;
	v22 =	vadd.f32 v28, v22;
	v28 =	vmul.f32 v41, v45;
	v40 =	vld [tilespmem:s18+$0x114C6]  }
0x1fe: {  	v41 =	vadd.f32 v46, v36;
	v25 =	vadd.f32 v47, v25;
	v45 =	vmul.f32 v52, v42;
	v46 =	vld [tilespmem:s18+$0x120C7]  }
.Ltmp5:
0x1ff: {  	v24 =	vadd.f32 v26, v24;
	v26 =	vadd.f32 v28, v22;
	v28 =	vmul.f32 v53, v42;
	v36 =	vld [tilespmem:s18+$0x114D6];
	(pc) =	sbr.rel @p0 .LBB2_12-.Ltmp5, $4  }
0x200: {  	v41 =	vadd.f32 v43, v41;
	v25 =	vadd.f32 v44, v25;
	v43 =	vmul.f32 v48, v37;
	v22 =	vld [tilespmem:s18+$0x120D7]  }
0x201: {  	v44 =	vadd.f32 v45, v24;
	v26 =	vadd.f32 v28, v26;
	v28 =	vmul.f32 v49, v37;
	v24 =	vld [tilespmem:s18+$0x114E6]  }
0x202: {  	v41 =	vadd.f32 v39, v41;
	v42 =	vadd.f32 v51, v25;
	v39 =	vmul.f32 v40, v38;
	v37 =	vld [tilespmem:s18+$0x120E7]  }
0x203: {  	s20 =	sadd.s32 $0x200, s20;
	v43 =	vadd.f32 v43, v44;
	v40 =	vadd.f32 v28, v26;
	v44 =	vmul.f32 v46, v38;
	v38 =	vld [tilespmem:s18+$0x114F6]  }
0x204: {  	v45 =	vld [tilespmem:s18+$0x120F7];
	s18 =	simm.s32 $0x0  }
0x205: {  	v25 =	vld [tilespmem:s18+$0x70]  }
0x206: {  	v46 =	vld [tilespmem:s18+$0x12CF8]  }
0x207: {  	v47 =	vld [tilespmem:s18+$0x138F9]  }
0x208: {  	v26 =	vld [tilespmem:s18+$0x60]  }
0x209: {  	v48 =	vld [tilespmem:s18+$0x12CE8]  }
0x20a: {  	v49 =	vld [tilespmem:s18+$0x138E9]  }
0x20b: {  	v28 =	vld [tilespmem:s18+$0x50]  }
0x20c: {  	v50 =	vld [tilespmem:s18+$0x12CD8]  }
0x20d: {  	v51 =	vld [tilespmem:s18+$0x138D9]  }
0x20e: {  	v52 =	vld [tilespmem:s18+$0x40]  }
0x20f: {  	v53 =	vld [tilespmem:s18+$0x12CC8]  }
0x210: {  	v54 =	vld [tilespmem:s18+$0x138C9]  }
0x211: {  	v55 =	vld [tilespmem:s18+$0x30]  }
0x212: {  	v56 =	vld [tilespmem:s18+$0x12CB8]  }
0x213: {  	v57 =	vld [tilespmem:s18+$0x138B9]  }
0x214: {  	v58 =	vld [tilespmem:s18+$0x20]  }
0x215: {  	v59 =	vld [tilespmem:s18+$0x12CA8]  }
0x216: {  	v34 =	vadd.f32 v34, v41;
	v35 =	vadd.f32 v35, v42;
	v41 =	vld [tilespmem:s18+$0x138A9]  }
0x217: {  	v36 =	vmul.f32 v36, v23;
	v39 =	vadd.f32 v39, v43;
	v40 =	vadd.f32 v44, v40;
	v42 =	vld [tilespmem:s18+$0x10]  }
0x218: {  	v22 =	vmul.f32 v22, v23;
	v43 =	vld [tilespmem:s18+$0x12C98];
	v23 =	vadd.f32 v32, v34;
	v33 =	vadd.f32 v33, v35  }
0x219: {  	v44 =	vld [tilespmem:s18+$0x0];
	v24 =	vmul.f32 v24, v21;
	v63 =	vadd.f32 v36, v39;
	v21 =	vmul.f32 v37, v21  }
0x21a: {  	v60 =	vld [tilespmem:s18+$0x13889];
	v22 =	vadd.f32 v22, v40;
	v40 =	vmul.f32 v38, v20;
	v20 =	vmul.f32 v45, v20  }
0x21b: {  	v62 =	vld [tilespmem:s18+$0x1508B];
	v23 =	vadd.f32 v29, v23;
	v29 =	vmul.f32 v46, v25;
	v32 =	vmul.f32 v47, v25  }
0x21c: {  	v39 =	vld [tilespmem:s18+$0x13899];
	v31 =	vadd.f32 v31, v33;
	v36 =	vmul.f32 v48, v26;
	v35 =	vmul.f32 v49, v26  }
0x21d: {  	v45 =	vld [tilespmem:s18+$0x12C88];
	v24 =	vadd.f32 v24, v63;
	v34 =	vmul.f32 v50, v28;
	v33 =	vmul.f32 v51, v28  }
0x21e: {  	v61 =	vadd.f32 v21, v22;
	v47 =	vld [tilespmem:s18+$0x1448A];
	v37 =	vmul.f32 v53, v52;
	v38 =	vmul.f32 v54, v52  }
0x21f: {  	v63 =	vld [tilespmem:s18+$0x1449A];
	v23 =	vadd.f32 v30, v23;
	v51 =	vmul.f32 v56, v55;
	v53 =	vmul.f32 v57, v55  }
0x220: {  	v22 =	vadd.f32 v27, v31;
	v27 =	vld [tilespmem:s18+$0x1509B];
	v31 =	vmul.f32 v59, v58;
	v41 =	vmul.f32 v41, v58  }
0x221: {  	v56 =	vld [tilespmem:s18+$0x144AA];
	v60 =	vmul.f32 v60, v44;
	v21 =	vadd.f32 v40, v24;
	v24 =	vmul.f32 v43, v42  }
0x222: {  	v20 =	vadd.f32 v20, v61;
	v61 =	vld [tilespmem:s18+$0x150AB];
	v39 =	vmul.f32 v39, v42;
	v59 =	vmul.f32 v45, v44  }
0x223: {  	v30 =	vimm.f32 $0.0e+00;
	v48 =	vld [tilespmem:s18+$0x144BA];
	v47 =	vmul.f32 v47, v44;
	v44 =	vmul.f32 v62, v44  }
0x224: {  	v45 =	vadd.f32 v60, v30;
	v62 =	vmul.f32 v63, v42;
	v63 =	vld [tilespmem:s18+$0x150BB];
	v43 =	vadd.f32 v59, v30  }
0x225: {  	v27 =	vmul.f32 v27, v42;
	v42 =	vld [tilespmem:s18+$0x144CA];
	v47 =	vadd.f32 v47, v30;
	v44 =	vadd.f32 v44, v30  }
0x226: {  	v60 =	vld [tilespmem:s18+$0x150CB];
	v57 =	vadd.f32 v39, v45;
	v59 =	vmul.f32 v56, v58;
	v24 =	vadd.f32 v24, v43  }
0x227: {  	v61 =	vmul.f32 v61, v58;
	v39 =	vld [tilespmem:s18+$0x144DA];
	v47 =	vadd.f32 v62, v47;
	v27 =	vadd.f32 v27, v44  }
0x228: {  	v40 =	vld [tilespmem:s18+$0x150DB];
	v62 =	vmul.f32 v48, v55;
	v24 =	vadd.f32 v31, v24;
	v31 =	vadd.f32 v41, v57  }
0x229: {  	v63 =	vmul.f32 v63, v55;
	v41 =	vld [tilespmem:s18+$0x144EA];
	v47 =	vadd.f32 v59, v47;
	v27 =	vadd.f32 v61, v27  }
0x22a: {  	v44 =	vmul.f32 v42, v52;
	v42 =	vld [tilespmem:s18+$0x150EB];
	v45 =	vadd.f32 v51, v24;
	v46 =	vadd.f32 v53, v31  }
0x22b: {  	s19 =	simm.s32 $0x0;
	s20 =	simm.s32 $0x200;
	v43 =	vld [tilespmem:s18+$0x144FA];
	v49 =	vmul.f32 v60, v52;
	v47 =	vadd.f32 v62, v47;
	v48 =	vadd.f32 v63, v27  }
.LBB2_14:
0x22c: {  	v24 =	vadd.f32 v37, v45;
	v27 =	vadd.f32 v38, v46;
	v31 =	vmul.f32 v39, v28;
	v37 =	vld [tilespmem:s18+$0x150FB];
	s18 =	sshra.s32 s20, $0x2  }
0x22d: {  	v38 =	vld [tilespmem:s18+$0x70];
	v39 =	vadd.f32 v44, v47;
	v44 =	vadd.f32 v49, v48;
	v28 =	vmul.f32 v40, v28  }
0x22e: {  	v40 =	vld [tilespmem:s18+$0x12CF8];
	v24 =	vadd.f32 v34, v24;
	v27 =	vadd.f32 v33, v27;
	v33 =	vmul.f32 v41, v26  }
0x22f: {  	v34 =	vld [tilespmem:s18+$0x138F9];
	v31 =	vadd.f32 v31, v39;
	v28 =	vadd.f32 v28, v44;
	v39 =	vmul.f32 v42, v26  }
0x230: {  	v26 =	vld [tilespmem:s18+$0x60];
	v24 =	vadd.f32 v36, v24;
	v27 =	vadd.f32 v35, v27;
	v35 =	vmul.f32 v43, v25  }
0x231: {  	v36 =	vld [tilespmem:s18+$0x12CE8];
	v31 =	vadd.f32 v33, v31;
	v33 =	vadd.f32 v39, v28;
	v37 =	vmul.f32 v37, v25  }
0x232: {  	v39 =	vld [tilespmem:s18+$0x138E9];
	v24 =	vadd.f32 v29, v24;
	v27 =	vadd.f32 v32, v27;
	v25 =	vmov v38  }
0x233: {  	v28 =	vld [tilespmem:s18+$0x50];
	v31 =	vadd.f32 v35, v31;
	v41 =	vadd.f32 v37, v33  }
0x234: {  	v33 =	vld [tilespmem:s18+$0x12CD8]  }
0x235: {  	v37 =	vld [tilespmem:s18+$0x138D9]  }
0x236: {  	v43 =	vld [tilespmem:s18+$0x40]  }
0x237: {  	v38 =	vld [tilespmem:s18+$0x12CC8]  }
0x238: {  	v42 =	vld [tilespmem:s18+$0x138C9]  }
0x239: {  	v44 =	vld [tilespmem:s18+$0x30]  }
0x23a: {  	v45 =	vld [tilespmem:s18+$0x12CB8]  }
0x23b: {  	v46 =	vld [tilespmem:s18+$0x138B9]  }
0x23c: {  	v47 =	vld [tilespmem:s18+$0x20]  }
0x23d: {  	v48 =	vld [tilespmem:s18+$0x12CA8]  }
0x23e: {  	v49 =	vld [tilespmem:s18+$0x138A9]  }
0x23f: {  	v50 =	vld [tilespmem:s18+$0x10]  }
0x240: {  	v51 =	vld [tilespmem:s18+$0x12C98]  }
0x241: {  	v52 =	vld [tilespmem:s18+$0x13899]  }
0x242: {  	v53 =	vld [tilespmem:s18+$0x0]  }
0x243: {  	v29 =	vmul.f32 v40, v25;
	v32 =	vmul.f32 v34, v25;
	v54 =	vld [tilespmem:s18+$0x12C88]  }
0x244: {  	v36 =	vmul.f32 v36, v26;
	v35 =	vmul.f32 v39, v26;
	v40 =	vld [tilespmem:s18+$0x13889]  }
0x245: {  	s19 =	sadd.s32 $0x8, s19;
	v34 =	vmul.f32 v33, v28;
	v33 =	vmul.f32 v37, v28;
	v39 =	vld [tilespmem:s18+$0x1448A]  }
0x246: {  	p0 =	slt.u32 s19, $0xB8;
	v37 =	vmul.f32 v38, v43;
	v38 =	vmul.f32 v42, v43;
	v55 =	vld [tilespmem:s18+$0x1508B]  }
0x247: {  	v45 =	vmul.f32 v45, v44;
	v46 =	vmul.f32 v46, v44;
	v42 =	vld [tilespmem:s18+$0x1449A]  }
0x248: {  	v48 =	vmul.f32 v48, v47;
	v49 =	vmul.f32 v49, v47;
	v56 =	vld [tilespmem:s18+$0x1509B]  }
0x249: {  	v51 =	vmul.f32 v51, v50;
	v52 =	vmul.f32 v52, v50;
	v57 =	vld [tilespmem:s18+$0x144AA]  }
0x24a: {  	v54 =	vmul.f32 v54, v53;
	v40 =	vmul.f32 v40, v53;
	v58 =	vld [tilespmem:s18+$0x150AB]  }
0x24b: {  	v39 =	vmul.f32 v39, v53;
	v53 =	vmul.f32 v55, v53;
	v55 =	vld [tilespmem:s18+$0x144BA]  }
0x24c: {  	v24 =	vadd.f32 v54, v24;
	v27 =	vadd.f32 v40, v27;
	v40 =	vmul.f32 v42, v50;
	v42 =	vld [tilespmem:s18+$0x150BB]  }
0x24d: {  	v31 =	vadd.f32 v39, v31;
	v39 =	vadd.f32 v53, v41;
	v41 =	vmul.f32 v56, v50;
	v50 =	vld [tilespmem:s18+$0x144CA]  }
0x24e: {  	v24 =	vadd.f32 v51, v24;
	v27 =	vadd.f32 v52, v27;
	v51 =	vmul.f32 v57, v47;
	v52 =	vld [tilespmem:s18+$0x150CB]  }
.Ltmp6:
0x24f: {  	v31 =	vadd.f32 v40, v31;
	v41 =	vadd.f32 v41, v39;
	v47 =	vmul.f32 v58, v47;
	v39 =	vld [tilespmem:s18+$0x144DA];
	(pc) =	sbr.rel @p0 .LBB2_14-.Ltmp6, $4  }
0x250: {  	v24 =	vadd.f32 v48, v24;
	v27 =	vadd.f32 v49, v27;
	v48 =	vmul.f32 v55, v44;
	v40 =	vld [tilespmem:s18+$0x150DB]  }
0x251: {  	v31 =	vadd.f32 v51, v31;
	v49 =	vadd.f32 v47, v41;
	v51 =	vmul.f32 v42, v44;
	v41 =	vld [tilespmem:s18+$0x144EA]  }
0x252: {  	v45 =	vadd.f32 v45, v24;
	v46 =	vadd.f32 v46, v27;
	v44 =	vmul.f32 v50, v43;
	v42 =	vld [tilespmem:s18+$0x150EB]  }
0x253: {  	s20 =	sadd.s32 $0x200, s20;
	v47 =	vadd.f32 v48, v31;
	v48 =	vadd.f32 v51, v49;
	v49 =	vmul.f32 v52, v43;
	v43 =	vld [tilespmem:s18+$0x144FA]  }
0x254: {  	v50 =	vld [tilespmem:s18+$0x150FB];
	s18 =	simm.s32 $0x0  }
0x255: {  	v24 =	vld [tilespmem:s18+$0x70]  }
0x256: {  	v51 =	vld [tilespmem:s18+$0x15CFC]  }
0x257: {  	v52 =	vld [tilespmem:s18+$0x168FD]  }
0x258: {  	v27 =	vld [tilespmem:s18+$0x60]  }
0x259: {  	v53 =	vld [tilespmem:s18+$0x15CEC]  }
0x25a: {  	v54 =	vld [tilespmem:s18+$0x168ED]  }
0x25b: {  	v31 =	vld [tilespmem:s18+$0x50]  }
0x25c: {  	v55 =	vld [tilespmem:s18+$0x15CDC]  }
0x25d: {  	v56 =	vld [tilespmem:s18+$0x168DD]  }
0x25e: {  	v57 =	vld [tilespmem:s18+$0x40]  }
0x25f: {  	v58 =	vld [tilespmem:s18+$0x15CCC]  }
0x260: {  	v59 =	vld [tilespmem:s18+$0x168CD]  }
0x261: {  	v60 =	vld [tilespmem:s18+$0x30]  }
0x262: {  	v61 =	vld [tilespmem:s18+$0x15CBC]  }
0x263: {  	v62 =	vld [tilespmem:s18+$0x168BD]  }
0x264: {  	v63 =	vld [tilespmem:s18+$0x20]  }
0x265: {  	v0 =	vld [tilespmem:s18+$0x15CAC]  }
0x266: {  	v37 =	vadd.f32 v37, v45;
	v45 =	vld [tilespmem:s18+$0x168AD]  }
0x267: {  	v38 =	vadd.f32 v38, v46;
	v39 =	vmul.f32 v39, v28;
	v44 =	vadd.f32 v44, v47;
	v47 =	vld [tilespmem:s18+$0x10]  }
0x268: {  	v46 =	vadd.f32 v49, v48;
	v28 =	vmul.f32 v40, v28;
	v48 =	vld [tilespmem:s18+$0x15C9C];
	v37 =	vadd.f32 v34, v37  }
0x269: {  	v49 =	vld [tilespmem:s18+$0x1688D];
	v38 =	vadd.f32 v33, v38;
	v40 =	vmul.f32 v41, v26;
	v26 =	vmul.f32 v42, v26  }
0x26a: {  	v41 =	vld [tilespmem:s18+$0x1689D];
	v39 =	vadd.f32 v39, v44;
	v42 =	vmul.f32 v43, v25;
	v25 =	vmul.f32 v50, v25  }
0x26b: {  	v28 =	vadd.f32 v28, v46;
	v44 =	vld [tilespmem:s18+$0x15C8C];
	v34 =	vmul.f32 v51, v24;
	v33 =	vmul.f32 v52, v24  }
0x26c: {  	v43 =	vld [tilespmem:s18+$0x0];
	v46 =	vadd.f32 v36, v37;
	v37 =	vmul.f32 v53, v27;
	v36 =	vmul.f32 v54, v27  }
0x26d: {  	v50 =	vadd.f32 v35, v38;
	v51 =	vld [tilespmem:s18+$0x1748E];
	v38 =	vmul.f32 v55, v31;
	v35 =	vmul.f32 v56, v31  }
0x26e: {  	v52 =	vadd.f32 v40, v39;
	v53 =	vld [tilespmem:s18+$0x1808F];
	v40 =	vmul.f32 v58, v57;
	v39 =	vmul.f32 v59, v57  }
0x26f: {  	v54 =	vadd.f32 v26, v28;
	v55 =	vld [tilespmem:s18+$0x1749E];
	v56 =	vmul.f32 v61, v60;
	v58 =	vmul.f32 v62, v60  }
0x270: {  	v29 =	vadd.f32 v29, v46;
	v46 =	vld [tilespmem:s18+$0x1809F];
	v0 =	vmul.f32 v0, v63;
	v45 =	vmul.f32 v45, v63  }
0x271: {  	v28 =	vadd.f32 v32, v50;
	v32 =	vmul.f32 v48, v47;
	v41 =	vmul.f32 v41, v47;
	v48 =	vld [tilespmem:s18+$0x174AE]  }
0x272: {  	v26 =	vadd.f32 v42, v52;
	v61 =	vmul.f32 v44, v43;
	v62 =	vmul.f32 v49, v43;
	v49 =	vld [tilespmem:s18+$0x180AF]  }
0x273: {  	v25 =	vadd.f32 v25, v54;
	v59 =	vmul.f32 v51, v43;
	v43 =	vmul.f32 v53, v43;
	v51 =	vld [tilespmem:s18+$0x174BE]  }
0x274: {  	v42 =	vadd.f32 v61, v30;
	v44 =	vadd.f32 v62, v30;
	v61 =	vmul.f32 v55, v47;
	v53 =	vld [tilespmem:s18+$0x180BF]  }
0x275: {  	v62 =	vmul.f32 v46, v47;
	v46 =	vld [tilespmem:s18+$0x174CE];
	v50 =	vadd.f32 v59, v30;
	v30 =	vadd.f32 v43, v30  }
0x276: {  	v47 =	vld [tilespmem:s18+$0x180CF];
	v54 =	vmul.f32 v48, v63;
	v32 =	vadd.f32 v32, v42;
	v41 =	vadd.f32 v41, v44  }
0x277: {  	v43 =	vld [tilespmem:s18+$0x174DE];
	v49 =	vmul.f32 v49, v63;
	v55 =	vadd.f32 v61, v50;
	v30 =	vadd.f32 v62, v30  }
0x278: {  	v42 =	vld [tilespmem:s18+$0x180DF];
	v0 =	vadd.f32 v0, v32;
	v59 =	vadd.f32 v45, v41;
	v61 =	vmul.f32 v51, v60  }
0x279: {  	v41 =	vld [tilespmem:s18+$0x174EE];
	v63 =	vmul.f32 v53, v60;
	v50 =	vadd.f32 v54, v55;
	v62 =	vadd.f32 v49, v30  }
0x27a: {  	v44 =	vmul.f32 v46, v57;
	v49 =	vadd.f32 v56, v0;
	v48 =	vadd.f32 v58, v59;
	v30 =	vld [tilespmem:s18+$0x180EF]  }
0x27b: {  	s19 =	simm.s32 $0x0;
	s20 =	simm.s32 $0x200;
	v32 =	vld [tilespmem:s18+$0x174FE];
	v47 =	vmul.f32 v47, v57;
	v46 =	vadd.f32 v61, v50;
	v45 =	vadd.f32 v63, v62  }
.LBB2_16:
0x27c: {  	v0 =	vadd.f32 v40, v49;
	v39 =	vadd.f32 v39, v48;
	v40 =	vmul.f32 v43, v31;
	v43 =	vld [tilespmem:s18+$0x180FF];
	s18 =	sshra.s32 s20, $0x2  }
0x27d: {  	v48 =	vld [tilespmem:s18+$0x70];
	v44 =	vadd.f32 v44, v46;
	v45 =	vadd.f32 v47, v45;
	v31 =	vmul.f32 v42, v31  }
0x27e: {  	v42 =	vld [tilespmem:s18+$0x15CFC];
	v0 =	vadd.f32 v38, v0;
	v35 =	vadd.f32 v35, v39;
	v38 =	vmul.f32 v41, v27  }
0x27f: {  	v39 =	vld [tilespmem:s18+$0x168FD];
	v40 =	vadd.f32 v40, v44;
	v31 =	vadd.f32 v31, v45;
	v30 =	vmul.f32 v30, v27  }
0x280: {  	v27 =	vld [tilespmem:s18+$0x60];
	v0 =	vadd.f32 v37, v0;
	v35 =	vadd.f32 v36, v35;
	v32 =	vmul.f32 v32, v24  }
0x281: {  	v36 =	vld [tilespmem:s18+$0x15CEC];
	v37 =	vadd.f32 v38, v40;
	v30 =	vadd.f32 v30, v31;
	v38 =	vmul.f32 v43, v24  }
0x282: {  	v40 =	vld [tilespmem:s18+$0x168ED];
	v0 =	vadd.f32 v34, v0;
	v41 =	vadd.f32 v33, v35;
	v24 =	vmov v48  }
0x283: {  	v31 =	vld [tilespmem:s18+$0x50];
	v32 =	vadd.f32 v32, v37;
	v30 =	vadd.f32 v38, v30  }
0x284: {  	v35 =	vld [tilespmem:s18+$0x15CDC]  }
0x285: {  	v43 =	vld [tilespmem:s18+$0x168DD]  }
0x286: {  	v47 =	vld [tilespmem:s18+$0x40]  }
0x287: {  	v44 =	vld [tilespmem:s18+$0x15CCC]  }
0x288: {  	v45 =	vld [tilespmem:s18+$0x168CD]  }
0x289: {  	v46 =	vld [tilespmem:s18+$0x30]  }
0x28a: {  	v48 =	vld [tilespmem:s18+$0x15CBC]  }
0x28b: {  	v49 =	vld [tilespmem:s18+$0x168BD]  }
0x28c: {  	v50 =	vld [tilespmem:s18+$0x20]  }
0x28d: {  	v51 =	vld [tilespmem:s18+$0x15CAC]  }
0x28e: {  	v52 =	vld [tilespmem:s18+$0x168AD]  }
0x28f: {  	v53 =	vld [tilespmem:s18+$0x10]  }
0x290: {  	v54 =	vld [tilespmem:s18+$0x15C9C]  }
0x291: {  	v55 =	vld [tilespmem:s18+$0x1689D]  }
0x292: {  	v56 =	vld [tilespmem:s18+$0x0]  }
0x293: {  	v34 =	vmul.f32 v42, v24;
	v33 =	vmul.f32 v39, v24;
	v57 =	vld [tilespmem:s18+$0x15C8C]  }
0x294: {  	v37 =	vmul.f32 v36, v27;
	v36 =	vmul.f32 v40, v27;
	v42 =	vld [tilespmem:s18+$0x1688D]  }
0x295: {  	s19 =	sadd.s32 $0x8, s19;
	v38 =	vmul.f32 v35, v31;
	v35 =	vmul.f32 v43, v31;
	v58 =	vld [tilespmem:s18+$0x1748E]  }
0x296: {  	p0 =	slt.u32 s19, $0xB8;
	v40 =	vmul.f32 v44, v47;
	v39 =	vmul.f32 v45, v47;
	v43 =	vld [tilespmem:s18+$0x1808F]  }
0x297: {  	v45 =	vmul.f32 v48, v46;
	v48 =	vmul.f32 v49, v46;
	v44 =	vld [tilespmem:s18+$0x1749E]  }
0x298: {  	v51 =	vmul.f32 v51, v50;
	v52 =	vmul.f32 v52, v50;
	v49 =	vld [tilespmem:s18+$0x1809F]  }
0x299: {  	v54 =	vmul.f32 v54, v53;
	v55 =	vmul.f32 v55, v53;
	v59 =	vld [tilespmem:s18+$0x174AE]  }
0x29a: {  	v57 =	vmul.f32 v57, v56;
	v42 =	vmul.f32 v42, v56;
	v60 =	vld [tilespmem:s18+$0x180AF]  }
0x29b: {  	v58 =	vmul.f32 v58, v56;
	v43 =	vmul.f32 v43, v56;
	v56 =	vld [tilespmem:s18+$0x174BE]  }
0x29c: {  	v0 =	vadd.f32 v57, v0;
	v41 =	vadd.f32 v42, v41;
	v42 =	vmul.f32 v44, v53;
	v44 =	vld [tilespmem:s18+$0x180BF]  }
0x29d: {  	v32 =	vadd.f32 v58, v32;
	v30 =	vadd.f32 v43, v30;
	v43 =	vmul.f32 v49, v53;
	v53 =	vld [tilespmem:s18+$0x174CE]  }
0x29e: {  	v0 =	vadd.f32 v54, v0;
	v41 =	vadd.f32 v55, v41;
	v49 =	vmul.f32 v59, v50;
	v54 =	vld [tilespmem:s18+$0x180CF]  }
.Ltmp7:
0x29f: {  	v32 =	vadd.f32 v42, v32;
	v30 =	vadd.f32 v43, v30;
	v50 =	vmul.f32 v60, v50;
	v43 =	vld [tilespmem:s18+$0x174DE];
	(pc) =	sbr.rel @p0 .LBB2_16-.Ltmp7, $4  }
0x2a0: {  	v0 =	vadd.f32 v51, v0;
	v51 =	vadd.f32 v52, v41;
	v52 =	vmul.f32 v56, v46;
	v42 =	vld [tilespmem:s18+$0x180DF]  }
0x2a1: {  	v32 =	vadd.f32 v49, v32;
	v50 =	vadd.f32 v50, v30;
	v55 =	vmul.f32 v44, v46;
	v41 =	vld [tilespmem:s18+$0x174EE]  }
0x2a2: {  	v49 =	vadd.f32 v45, v0;
	v48 =	vadd.f32 v48, v51;
	v44 =	vmul.f32 v53, v47;
	v30 =	vld [tilespmem:s18+$0x180EF]  }
0x2a3: {  	s20 =	sadd.s32 $0x200, s20;
	v46 =	vadd.f32 v52, v32;
	v45 =	vadd.f32 v55, v50;
	v47 =	vmul.f32 v54, v47;
	v32 =	vld [tilespmem:s18+$0x174FE]  }
0x2a4: {  	v0 =	vld [tilespmem:$0x1FFF0];
	_ =	sdelay $0x4  }
0x2a5: {  	(xrf2) =	vadd.scan.msk.f32 $0xffff, v0  }
0x2a6: {  	(xrf2) =	vadd.scan.msk.f32 $0xffff, v1  }
0x2a7: {  	(xrf2) =	vadd.scan.msk.f32 $0xffff, v2  }
0x2a8: {  	(xrf2) =	vadd.scan.msk.f32 $0xffff, v3  }
0x2a9: {  	(xrf2) =	vadd.scan.msk.f32 $0xffff, v4  }
0x2aa: {  	(xrf2) =	vadd.scan.msk.f32 $0xffff, v5  }
0x2ab: {  	(xrf2) =	vadd.scan.msk.f32 $0xffff, v6  }
0x2ac: {  	(xrf2) =	vadd.scan.msk.f32 $0xffff, v7  }
0x2ad: {  	(xrf2) =	vadd.scan.msk.f32 $0xffff, v8  }
0x2ae: {  	(xrf2) =	vadd.scan.msk.f32 $0xffff, v9  }
0x2af: {  	v0, _, _ =	vpop (xrf2);
	(xrf2) =	vadd.scan.msk.f32 $0xffff, v10  }
0x2b0: {  	v63, _, _ =	vpop (xrf2);
	(xrf2) =	vadd.scan.msk.f32 $0xffff, v11  }
0x2b1: {  	v51, _, _ =	vpop (xrf2);
	(xrf2) =	vadd.scan.msk.f32 $0xffff, v15  }
0x2b2: {  	v54, _, _ =	vpop (xrf2);
	(xrf2) =	vadd.scan.msk.f32 $0xffff, v14  }
0x2b3: {  	v62 =	vadd.f32 v40, v49;
	v40 =	vadd.f32 v39, v48;
	v48 =	vmul.f32 v43, v31;
	v56, _, _ =	vpop (xrf2);
	(xrf2) =	vadd.scan.msk.f32 $0xffff, v13  }
0x2b4: {  	vm1 =	vmmov $0x1;
	vm0 =	vmmov $0x3;
	v50 =	vadd.f32 v44, v46;
	v58, _, _ =	vpop (xrf2);
	(xrf2) =	vadd.scan.msk.f32 $0xffff, v12  }
0x2b5: {  	v49 =	vld [tilespmem:s18+$0x180FF];
	vm2 =	vmmov $0x7;
	v52 =	vadd.f32 v47, v45;
	v1 =	vadd.f32 v38, v62;
	v60, _, _ =	vpop (xrf2);
	(xrf2) =	vadd.scan.msk.f32 $0xffff, v19  }
0x2b6: {  	v53 =	vmul.f32 v42, v31;
	v55 =	vmul.f32 v41, v27;
	v3 =	vadd.f32 v35, v40;
	v61, _, _ =	vpop (xrf2);
	(xrf2) =	vadd.scan.msk.f32 $0xffff, v18  }
0x2b7: {  	v57 =	vmul.f32 v30, v27;
	v1 =	vadd.f32 v37, v1;
	v4 =	vadd.f32 v48, v50;
	v62, _, _ =	vpop (xrf2);
	(xrf2) =	vadd.scan.msk.f32 $0xffff, v17  }
0x2b8: {  	v3 =	vadd.f32 v36, v3;
	v8 =	vadd.f32 v53, v52;
	v2 =	vbroadcast v63, $0xF;
	v63, _, _ =	vpop (xrf2);
	(xrf2) =	vadd.scan.msk.f32 $0xffff, v16  }
0x2b9: {  	v59 =	vmul.f32 v32, v24;
	v1 =	vadd.f32 v34, v1;
	v4 =	vadd.f32 v55, v4;
	v16, _, _ =	vpop (xrf2);
	(xrf2) =	vadd.scan.msk.f32 $0xffff, v23  }
0x2ba: {  	v5 =	vmul.f32 v49, v24;
	v3 =	vadd.f32 v33, v3;
	v8 =	vadd.f32 v57, v8;
	v17, _, _ =	vpop (xrf2);
	(xrf2) =	vadd.scan.msk.f32 $0xffff, v22  }
0x2bb: {  	v4 =	vadd.f32 v59, v4;
	v0 =	vbroadcast v0, $0xF;
	v7 =	vbroadcast v51, $0xF;
	v19, _, _ =	vpop (xrf2);
	(xrf2) =	vadd.scan.msk.f32 $0xffff, v21  }
0x2bc: {  	v5 =	vadd.f32 v5, v8;
	v15 =	vbroadcast v54, $0xF;
	v6 =	vbroadcast v56, $0xF;
	v22, _, _ =	vpop (xrf2);
	(xrf2) =	vadd.scan.msk.f32 $0xffff, v20  }
0x2bd: {  	v0 =	vsel vm1, v0, v2;
	v18 =	vbroadcast v58, $0xF;
	v27 =	vbroadcast v62, $0xF;
	v24, _, _ =	vpop (xrf2);
	(xrf2) =	vadd.scan.msk.f32 $0xffff, v29  }
0x2be: {  	v0 =	vsel vm0, v0, v7;
	v23 =	vbroadcast v61, $0xF;
	v31 =	vbroadcast v63, $0xF;
	v29, _, _ =	vpop (xrf2);
	(xrf2) =	vadd.scan.msk.f32 $0xffff, v28  }
0x2bf: {  	v0 =	vsel vm2, v0, v15;
	v32 =	vbroadcast v16, $0xF;
	v21 =	vbroadcast v60, $0xF;
	v30, _, _ =	vpop (xrf2);
	(xrf2) =	vadd.scan.msk.f32 $0xffff, v26  }
0x2c0: {  	v0 =	vsel vm4, v0, v6;
	v7 =	vbroadcast v17, $0xF;
	v46 =	vbroadcast v19, $0xF;
	v33, _, _ =	vpop (xrf2);
	(xrf2) =	vadd.scan.msk.f32 $0xffff, v25  }
0x2c1: {  	v0 =	vsel vm3, v0, v18;
	v2 =	vbroadcast v30, $0xF;
	v10 =	vbroadcast v33, $0xF;
	v34, _, _ =	vpop (xrf2);
	(xrf2) =	vadd.scan.msk.f32 $0xffff, v1  }
0x2c2: {  	v0 =	vsel vm5, v0, v21;
	v53 =	vbroadcast v22, $0xF;
	v35 =	vbroadcast v34, $0xF;
	v36, _, _ =	vpop (xrf2);
	(xrf2) =	vadd.scan.msk.f32 $0xffff, v3  }
0x2c3: {  	v0 =	vsel vm6, v0, v23;
	v2 =	vsel vm1, v2, v10;
	v37 =	vbroadcast v36, $0xF;
	v38, _, _ =	vpop (xrf2);
	(xrf2) =	vadd.scan.msk.f32 $0xffff, v4  }
0x2c4: {  	v60 =	vbroadcast v24, $0xF;
	v39, _, _ =	vpop (xrf2);
	v1 =	vsel vm0, v2, v35;
	v40 =	vbroadcast v38, $0xF  }
0x2c5: {  	v0 =	vsel vm7, v0, v27;
	v41, _, _ =	vpop (xrf2);
	v1 =	vsel vm2, v1, v37;
	v42 =	vbroadcast v39, $0xF  }
0x2c6: {  	v0 =	vsel vm8, v0, v31;
	(xrf2) =	vadd.scan.msk.f32 $0xffff, v5;
	v1 =	vsel vm4, v1, v40;
	v43 =	vbroadcast v41, $0xF;
	v44, _, _ =	vpop (xrf2)  }
0x2c7: {  	v0 =	vsel vm9, v0, v32;
	v45, _, _ =	vpop (xrf2);
	v1 =	vsel vm3, v1, v42;
	v47 =	vbroadcast v44, $0xF  }
0x2c8: {  	vm1 =	vmmov $0xfff;
	v48, _, _ =	vpop (xrf2);
	v1 =	vsel vm5, v1, v43;
	v49 =	vbroadcast v45, $0xF  }
0x2c9: {  	vm0 =	vmmov $0x7ff;
	v50, _, _ =	vpop (xrf2);
	v1 =	vsel vm6, v1, v47;
	v51 =	vbroadcast v48, $0xF  }
0x2ca: {  	v0 =	vsel vm0, v0, v7;
	v52, _, _ =	vpop (xrf2);
	v1 =	vsel vm7, v1, v49;
	v54 =	vbroadcast v50, $0xF  }
0x2cb: {  	vm2 =	vmmov $0x1fff;
	v55, _, _ =	vpop (xrf2);
	v1 =	vsel vm8, v1, v51;
	v56 =	vbroadcast v52, $0xF  }
0x2cc: {  	v0 =	vsel vm1, v0, v46;
	v57, _, _ =	vpop (xrf2);
	v1 =	vsel vm9, v1, v54;
	v58 =	vbroadcast v55, $0xF  }
0x2cd: {  	v0 =	vsel vm2, v0, v53;
	v59, _, _ =	vpop (xrf2);
	v1 =	vsel vm0, v1, v56;
	v61 =	vbroadcast v57, $0xF  }
0x2ce: {  	vm0 =	vmmov $0x3fff;
	v1 =	vsel vm1, v1, v58;
	v62 =	vbroadcast v59, $0xF  }
0x2cf: {  	v0 =	vsel vm0, v0, v60;
	vm1 =	vmmov $0x7fff;
	v1 =	vsel vm2, v1, v61  }
0x2d0: {  	s17 =	sadd.s32 $0x1, s17;
	v63, _, _ =	vpop (xrf2);
	v0 =	vsel vm1, v0, v29;
	v1 =	vsel vm0, v1, v62  }
0x2d1: {  	p0 =	sne.s32 s17, s8;
	[tilespmem:$0x18D00] =	vst v0;
	v1 =	vsel vm1, v1, v63  }
.Ltmp8:
0x2d2: {  	[tilespmem:$0x18D10] =	vst v1;
	(pc) =	sbr.rel @p0 .LBB2_1-.Ltmp8, $4  }
0x2d3: {  	[hbm4b:s7+s4] =	stream.linear.scatter [tilespmem:s16], [sflag:$0x3], $0x20, $0x38;
	[tilespmem:$0x18D80] =	vst v63  }
0x2d4: {  	_ =	swait.ge [sflag:s11], $0x20  }
0x2d5: {  	[sflag:s11] =	ssyncset.done $0x0  }
0x2d6: {  	[sflag:s11] =	ssyncadd.s32 $0xFFFFFFE0  }
0x2d7: {  	_ =	sfence.sel $0x180000  }
0x2d8: {  	[bflag:$0x0] =	sbarrier.arrive $0xFFFF  }
0x2d9: {  	p0 =	sne.s32 s0, $0x0;
	_ =	strace $0x90000047  }
0x2da: {  	s0 =	sadd.s32 @!p0 $0x100000, s2;
	[bflag:$0x2] =	sbarrier.arrive $0xFFFF  }
0x2db: {  	[sflag:s0] =	ssyncadd.tile.s32 @!p0 $0x1;
	_ =	shalt  }
.Lfunc_end2:
_tile_overlayer_lowered:
.L_overlay_start_2:
0x2dc: {  	(tag) =	ssettag $0x2  }
0x2dd: {  	s0 =	rddreg [dreg:$0x0];
	s2 =	stileid.u32  }
0x2de: {  	s1 =	rddreg [dreg:$0x1];
	p0 =	sne.s32 s2, $0x0  }
0x2df: {  	s3 =	rddreg [dreg:$0x2];
	[bflag:$0x3] =	sbarrier.arrive $0xFFFF;
	s2 =	simm.s32 @!p0 $0x1C03  }
0x2e0: {  	[timem:s3], [sflag:s2] =	dma.local @!p0 [hbm:s0], s1  }
0x2e1: {  	s0 =	simm.s32 @!p0 $0x3  }
0x2e2: {  	_ =	swait.ge @!p0 [sflag:s0], s1  }
0x2e3: {  	s1 =	ssub.s32 @!p0 $0x0, s1;
	[sflag:s0] =	ssyncset.done @!p0 $0x0  }
0x2e4: {  	[sflag:s0] =	ssyncadd.s32 @!p0 s1  }
0x2e5: {  	[bflag:$0x3] =	sbarrier.arrive $0xFFFF  }
0x2e6: {  	_ =	shalt  }

</sc_bundles>
